<compile_context>
chip_gen: v7x
topology: tpu7x:2x2x1
jax: 0.10.2.dev20260603
libtpu: 0.0.44.dev20260713+nightly
codegen_flags: <defaults>
</compile_context>

<pallas_src>
import functools

import jax
import jax.numpy as jnp
from jax import lax
from jax.experimental import pallas as pl
from jax.experimental.pallas import tpu as pltpu
from jax.experimental.pallas import tpu_sc as plsc

BATCH = 16384
EMB = 128
LANES = 16
NW = 32
B_PER_W = BATCH // NW
CHUNK = 128
NCHUNK = B_PER_W // CHUNK
NSL = EMB // LANES
NDIFF = 1000
DPAD = 1024
NBUF = 4
PC = 3 * EMB + LANES


def _sc_body(uid_hbm, wid_hbm, did_hbm, ut_hbm, wt_hbm, dt_hbm,
             big_hbm,
             out_hbm, idx_u, idx_w, idx_dd, rows_a, rows_b, rows_c, rows_d,
             rows_p, aux_v, wbuf, fold_v, par_v, acc_v, dd_v, idx_d,
             par_shared, dd_shared,
             sem_a, sem_b, sem_c, sem_e, sem_d, sem_i, sem_j, sem_k):
    c = lax.axis_index("c")
    s = lax.axis_index("s")
    w = s * 2 + c
    base = w * B_PER_W
    lane = lax.iota(jnp.int32, LANES)

    def hsum(p):
        for sh in (8, 4, 2, 1):
            p = p + p.at[lane ^ sh].get(mode="promise_in_bounds")
        return p

    def dot_rows(buf, wsl, nsl, out_ref, obase, ngroups, accum, flat=False):
        def g_body(g, _):
            def r_body(r, acc):
                j = g * LANES + r
                if flat:
                    def ld(k):
                        return buf[pl.ds(j * (LANES * nsl) + k * LANES, LANES)]
                else:
                    def ld(k):
                        return buf[j, pl.ds(k * LANES, LANES)]
                terms = [ld(k) * wsl[k] for k in range(nsl)]
                while len(terms) > 1:
                    terms = [terms[i] + terms[i + 1]
                             for i in range(0, len(terms) - 1, 2)] +                             (terms[-1:] if len(terms) % 2 else [])
                return jnp.where(lane == r, hsum(terms[0]), acc)

            accv = lax.fori_loop(0, LANES, r_body,
                                 jnp.zeros((LANES,), jnp.float32))
            off = pl.multiple_of(obase + g * LANES, LANES)
            if accum:
                out_ref[pl.ds(off, LANES)] = out_ref[pl.ds(off, LANES)] + accv
            else:
                out_ref[pl.ds(off, LANES)] = accv
            return 0

        lax.fori_loop(0, ngroups, g_body, 0)

    h_iu = pltpu.async_copy(uid_hbm.at[pl.ds(base, B_PER_W)], idx_u, sem_i)
    h_iw = pltpu.async_copy(wid_hbm.at[pl.ds(base, B_PER_W)], idx_w, sem_j)
    h_id = pltpu.async_copy(did_hbm.at[pl.ds(base, B_PER_W)], idx_dd, sem_k)
    pltpu.sync_copy(big_hbm.at[pl.ds(3 * EMB * 64, 400)], aux_v)
    h_iu.wait()
    h_iw.wait()
    h_id.wait()

    bufs = (rows_a, rows_b, rows_c, rows_d)
    sems = (sem_a, sem_b, sem_c, sem_e)
    steps = [(ut_hbm, idx_u, q) for q in range(NCHUNK)] + \
            [(wt_hbm, idx_w, q) for q in range(NCHUNK)]
    handles = [None] * NBUF

    def issue(i):
        tab, ixr, q = steps[i]
        handles[i % NBUF] = pltpu.async_copy(
            tab.at[ixr.at[pl.ds(q * CHUNK, CHUNK)]],
            bufs[i % NBUF], sems[i % NBUF])

    for i in range(NBUF - 1):
        issue(i)

    task = s - 8
    t_id = lax.div(task, 2)
    hs = lax.rem(task, 2) * 64

    @pl.when(jnp.logical_and(s >= 8, s < 14))
    def _():
        pltpu.sync_copy(
            big_hbm.at[pl.ds((t_id * EMB + hs) * 64, 64 * 64)], wbuf)
        ptk = [aux_v[pl.ds(t_id * 64 + k * LANES, LANES)] for k in range(4)]
        dot_rows(wbuf, ptk, 4, fold_v, 0, 4, accum=False, flat=True)
        pltpu.sync_copy(fold_v, par_shared.at[pl.ds(t_id * EMB + hs, 64)])

    @pl.when(s == 14)
    def _():
        def c_body(m, cp):
            return cp + (aux_v[pl.ds(192 + m * LANES, LANES)]
                         * aux_v[pl.ds(m * LANES, LANES)])

        cp = lax.fori_loop(0, 12, c_body, jnp.zeros((LANES,), jnp.float32))
        fold_v[pl.ds(0, LANES)] = hsum(cp) + aux_v[pl.ds(384, LANES)]
        pltpu.sync_copy(fold_v.at[pl.ds(0, LANES)],
                        par_shared.at[pl.ds(3 * EMB, LANES)])

    plsc.subcore_barrier()
    pltpu.sync_copy(par_shared, par_v)

    def wslices(t):
        return [par_v[pl.ds(t * EMB + k * LANES, LANES)] for k in range(NSL)]

    def i_body(k, _):
        idx_d[pl.ds(k * LANES, LANES)] = jnp.minimum(
            lane + (s * 64 + k * LANES), NDIFF - 1)
        return 0

    lax.fori_loop(0, 4, i_body, 0)
    pltpu.async_copy(dt_hbm.at[idx_d.at[pl.ds(0, 64)]], rows_p, sem_d).wait()
    dot_rows(rows_p, wslices(2), NSL, acc_v, 0, 4, accum=False)
    pltpu.sync_copy(acc_v.at[pl.ds(0, 64)],
                    dd_shared.at[pl.ds(s * 64, 64)])

    plsc.subcore_barrier()
    dd_handles = [pltpu.async_copy(
        dd_shared.at[idx_dd.at[pl.ds(q * CHUNK, CHUNK)]],
        dd_v.at[pl.ds(q * CHUNK, CHUNK)], sem_d) for q in range(NCHUNK)]

    wsl_u, wsl_w = wslices(0), wslices(1)
    for i in range(len(steps)):
        if i + NBUF - 1 < len(steps):
            issue(i + NBUF - 1)
        handles[i % NBUF].wait()
        _, _, q = steps[i]
        dot_rows(bufs[i % NBUF], wsl_u if i < NCHUNK else wsl_w,
                 NSL, acc_v, q * CHUNK, NSL, accum=(i >= NCHUNK))

    cv = par_v[pl.ds(3 * EMB, LANES)]
    for h in dd_handles:
        h.wait()

    def a_body(j, _):
        off = pl.multiple_of(j * LANES, LANES)
        acc_v[pl.ds(off, LANES)] = (acc_v[pl.ds(off, LANES)]
                                    + dd_v[pl.ds(off, LANES)] + cv)
        return 0

    lax.fori_loop(0, B_PER_W // LANES, a_body, 0)

    pltpu.sync_copy(acc_v, out_hbm.at[pl.ds(base, B_PER_W)])


_gather_dot = functools.partial(
    pl.kernel,
    mesh=plsc.VectorSubcoreMesh(core_axis_name="c", subcore_axis_name="s"),
    out_type=jax.ShapeDtypeStruct((BATCH,), jnp.float32),
    scratch_types=[
        pltpu.VMEM((B_PER_W,), jnp.int32),
        pltpu.VMEM((B_PER_W,), jnp.int32),
        pltpu.VMEM((B_PER_W,), jnp.int32),
        pltpu.VMEM((CHUNK, EMB), jnp.float32),
        pltpu.VMEM((CHUNK, EMB), jnp.float32),
        pltpu.VMEM((CHUNK, EMB), jnp.float32),
        pltpu.VMEM((CHUNK, EMB), jnp.float32),
        pltpu.VMEM((64, EMB), jnp.float32),
        pltpu.VMEM((400,), jnp.float32),
        pltpu.VMEM((64 * 64,), jnp.float32),
        pltpu.VMEM((64,), jnp.float32),
        pltpu.VMEM((PC,), jnp.float32),
        pltpu.VMEM((B_PER_W,), jnp.float32),
        pltpu.VMEM((B_PER_W,), jnp.float32),
        pltpu.VMEM((CHUNK,), jnp.int32),
        pltpu.VMEM_SHARED((PC,), jnp.float32),
        pltpu.VMEM_SHARED((DPAD,), jnp.float32),
        pltpu.SemaphoreType.DMA,
        pltpu.SemaphoreType.DMA,
        pltpu.SemaphoreType.DMA,
        pltpu.SemaphoreType.DMA,
        pltpu.SemaphoreType.DMA,
        pltpu.SemaphoreType.DMA,
        pltpu.SemaphoreType.DMA,
        pltpu.SemaphoreType.DMA,
    ],
)(_sc_body)


def kernel(user_id, workout_id, difficulty_level_id, user_table, workout_table,
           diff_table, W_user, b_user, W_workout, b_workout, W_diff, b_diff,
           W_pred, b_pred):
    big = jnp.concatenate([
        W_user.reshape(-1), W_workout.reshape(-1), W_diff.reshape(-1),
        W_pred[:, 0], b_user, b_workout, b_diff,
        jnp.broadcast_to(b_pred, (LANES,))])
    out = _gather_dot(user_id.astype(jnp.int32), workout_id.astype(jnp.int32),
                      difficulty_level_id.astype(jnp.int32),
                      user_table, workout_table, diff_table, big)
    return out.reshape(BATCH, 1)

# --- scband reference (transcript-rebuilt; emitter-appended) ---
"""Pipeline reference for scband-cbf-49787260895835 (READ-ONLY COPY).

The authoritative reference and input builder live on the scoring server;
editing this copy changes nothing except your own understanding.
"""

import jax, jax.numpy as jnp
import numpy as np

NUM_USERS = 1000000
NUM_WORKOUTS = 100000
NUM_DIFF = 1000
EMB = 128
BATCH = 16384

def setup_inputs(seed: int = 0) -> dict:
    key = jax.random.key(seed)
    ks = jax.random.split(key, 16)
    user_id = jax.random.randint(ks[0], (BATCH,), 0, NUM_USERS, dtype=jnp.int64) if jax.config.jax_enable_x64 else jax.random.randint(ks[0], (BATCH,), 0, NUM_USERS, dtype=jnp.int32)
    workout_id = jax.random.randint(ks[1], (BATCH,), 0, NUM_WORKOUTS, dtype=jnp.int32)
    difficulty_level_id = jax.random.randint(ks[2], (BATCH,), 0, NUM_DIFF, dtype=jnp.int32)
    user_table = jax.random.normal(ks[3], (NUM_USERS, EMB), dtype=jnp.float32)
    workout_table = jax.random.normal(ks[4], (NUM_WORKOUTS, EMB), dtype=jnp.float32)
    diff_table = jax.random.normal(ks[5], (NUM_DIFF, EMB), dtype=jnp.float32)
    s = 1.0 / np.sqrt(EMB)
    W_user = jax.random.uniform(ks[6], (EMB, 64), jnp.float32, -s, s)
    b_user = jax.random.uniform(ks[7], (64,), jnp.float32, -s, s)
    W_workout = jax.random.uniform(ks[8], (EMB, 64), jnp.float32, -s, s)
    b_workout = jax.random.uniform(ks[9], (64,), jnp.float32, -s, s)
    W_diff = jax.random.uniform(ks[10], (EMB, 64), jnp.float32, -s, s)
    b_diff = jax.random.uniform(ks[11], (64,), jnp.float32, -s, s)
    sp = 1.0 / np.sqrt(192)
    W_pred = jax.random.uniform(ks[12], (192, 1), jnp.float32, -sp, sp)
    b_pred = jax.random.uniform(ks[13], (1,), jnp.float32, -sp, sp)
    return {"user_id": user_id, "workout_id": workout_id, "difficulty_level_id": difficulty_level_id,
            "user_table": user_table, "workout_table": workout_table, "diff_table": diff_table,
            "W_user": W_user, "b_user": b_user, "W_workout": W_workout, "b_workout": b_workout,
            "W_diff": W_diff, "b_diff": b_diff, "W_pred": W_pred, "b_pred": b_pred}

def reference(user_id, workout_id, difficulty_level_id, user_table, workout_table, diff_table,
              W_user, b_user, W_workout, b_workout, W_diff, b_diff, W_pred, b_pred):
    user_embedding = jnp.take(user_table, user_id, axis=0)
    workout_embedding = jnp.take(workout_table, workout_id, axis=0)
    difficulty_embedding = jnp.take(diff_table, difficulty_level_id, axis=0)
    user_out = user_embedding @ W_user + b_user
    workout_out = workout_embedding @ W_workout + b_workout
    difficulty_out = difficulty_embedding @ W_diff + b_diff
    embeddings = jnp.concatenate([user_out, workout_out, difficulty_out], axis=1)
    return embeddings @ W_pred + b_pred

if __name__ == "__main__":
    import jax
    _d = setup_inputs()
    print(jax.jit(kernel)(*tuple(_d.values())))

</pallas_src>

<mosaic_0001>
#map = affine_map<(d0, d1) -> (0)>
#map1 = affine_map<(d0, d1) -> (0, 0)>
module attributes {stable_mosaic.version = 14 : i64} {
  func.func @_sc_body(%arg0: i32, %arg1: i32, %arg2: memref<16384xi32, #tpu.memory_space<hbm>>, %arg3: memref<16384xi32, #tpu.memory_space<hbm>>, %arg4: memref<16384xi32, #tpu.memory_space<hbm>>, %arg5: memref<1000000x128xf32, #tpu.memory_space<hbm>>, %arg6: memref<100000x128xf32, #tpu.memory_space<hbm>>, %arg7: memref<1000x128xf32, #tpu.memory_space<hbm>>, %arg8: memref<24976xf32, #tpu.memory_space<hbm>>, %arg9: memref<16384xf32, #tpu.memory_space<hbm>>, %arg10: memref<512xi32, #tpu.memory_space<vmem>>, %arg11: memref<512xi32, #tpu.memory_space<vmem>>, %arg12: memref<512xi32, #tpu.memory_space<vmem>>, %arg13: memref<128x128xf32, #tpu.memory_space<vmem>>, %arg14: memref<128x128xf32, #tpu.memory_space<vmem>>, %arg15: memref<128x128xf32, #tpu.memory_space<vmem>>, %arg16: memref<128x128xf32, #tpu.memory_space<vmem>>, %arg17: memref<64x128xf32, #tpu.memory_space<vmem>>, %arg18: memref<400xf32, #tpu.memory_space<vmem>>, %arg19: memref<4096xf32, #tpu.memory_space<vmem>>, %arg20: memref<64xf32, #tpu.memory_space<vmem>>, %arg21: memref<400xf32, #tpu.memory_space<vmem>>, %arg22: memref<512xf32, #tpu.memory_space<vmem>>, %arg23: memref<512xf32, #tpu.memory_space<vmem>>, %arg24: memref<128xi32, #tpu.memory_space<vmem>>, %arg25: memref<400xf32, #tpu.memory_space<vmem_shared>>, %arg26: memref<1024xf32, #tpu.memory_space<vmem_shared>>, %arg27: memref<!tpu.dma_semaphore, #tpu.memory_space<semaphore_mem>>, %arg28: memref<!tpu.dma_semaphore, #tpu.memory_space<semaphore_mem>>, %arg29: memref<!tpu.dma_semaphore, #tpu.memory_space<semaphore_mem>>, %arg30: memref<!tpu.dma_semaphore, #tpu.memory_space<semaphore_mem>>, %arg31: memref<!tpu.dma_semaphore, #tpu.memory_space<semaphore_mem>>, %arg32: memref<!tpu.dma_semaphore, #tpu.memory_space<semaphore_mem>>, %arg33: memref<!tpu.dma_semaphore, #tpu.memory_space<semaphore_mem>>, %arg34: memref<!tpu.dma_semaphore, #tpu.memory_space<semaphore_mem>>) attributes {dimension_semantics = [#tpu.dimension_semantics<core_parallel>, #tpu.dimension_semantics<subcore_parallel>], iteration_bounds = array<i64: 2, 16>, scalar_prefetch = 0 : i64, scratch_operands = 25 : i64, tpu.core_type = #tpu.core_type<sc_vector_subcore>, window_params = [{transform_indices = #map}, {transform_indices = #map}, {transform_indices = #map}, {transform_indices = #map1}, {transform_indices = #map1}, {transform_indices = #map1}, {transform_indices = #map}, {transform_indices = #map}]} {
    %mul3A = arith.constant 2 : i32
    %mul3A_0 = arith.muli %arg1, %mul3A : i32
    %add3A = arith.addi %mul3A_0, %arg0 : i32
    %mul3A_1 = arith.constant 512 : i32
    %mul3A_2 = arith.muli %add3A, %mul3A_1 : i32
    %iota3A = tpu.iota {dimensions = array<i32: 0>} : vector<16xi32>
    %dma_start3A = tpu.memref_slice %arg2[%mul3A_2] : memref<16384xi32, #tpu.memory_space<hbm>> -> memref<512xi32, #tpu.memory_space<hbm>>
    %dma_start3A_3 = tpu.memref_slice %arg2[%mul3A_2] : memref<16384xi32, #tpu.memory_space<hbm>> -> memref<512xi32, #tpu.memory_space<hbm>>
    tpu.enqueue_dma source(%dma_start3A_3 : memref<512xi32, #tpu.memory_space<hbm>>) target(%arg10 : memref<512xi32, #tpu.memory_space<vmem>>) target_semaphore(%arg32 : memref<!tpu.dma_semaphore, #tpu.memory_space<semaphore_mem>>)
    %dma_start3A_4 = tpu.memref_slice %arg3[%mul3A_2] : memref<16384xi32, #tpu.memory_space<hbm>> -> memref<512xi32, #tpu.memory_space<hbm>>
    %dma_start3A_5 = tpu.memref_slice %arg3[%mul3A_2] : memref<16384xi32, #tpu.memory_space<hbm>> -> memref<512xi32, #tpu.memory_space<hbm>>
    tpu.enqueue_dma source(%dma_start3A_5 : memref<512xi32, #tpu.memory_space<hbm>>) target(%arg11 : memref<512xi32, #tpu.memory_space<vmem>>) target_semaphore(%arg33 : memref<!tpu.dma_semaphore, #tpu.memory_space<semaphore_mem>>)
    %dma_start3A_6 = tpu.memref_slice %arg4[%mul3A_2] : memref<16384xi32, #tpu.memory_space<hbm>> -> memref<512xi32, #tpu.memory_space<hbm>>
    %dma_start3A_7 = tpu.memref_slice %arg4[%mul3A_2] : memref<16384xi32, #tpu.memory_space<hbm>> -> memref<512xi32, #tpu.memory_space<hbm>>
    tpu.enqueue_dma source(%dma_start3A_7 : memref<512xi32, #tpu.memory_space<hbm>>) target(%arg12 : memref<512xi32, #tpu.memory_space<vmem>>) target_semaphore(%arg34 : memref<!tpu.dma_semaphore, #tpu.memory_space<semaphore_mem>>)
    "tpu.region"() ({
      %run_scoped3A = tpu.sem_alloc : memref<!tpu.dma_semaphore, #tpu.memory_space<semaphore_mem>>
      %dma_start3A_316 = arith.constant 24576 : i32
      %dma_start3A_317 = tpu.memref_slice %arg8[%dma_start3A_316] : memref<24976xf32, #tpu.memory_space<hbm>> -> memref<400xf32, #tpu.memory_space<hbm>>
      %dma_start3A_318 = arith.constant 24576 : i32
      %dma_start3A_319 = tpu.memref_slice %arg8[%dma_start3A_318] : memref<24976xf32, #tpu.memory_space<hbm>> -> memref<400xf32, #tpu.memory_space<hbm>>
      tpu.enqueue_dma source(%dma_start3A_319 : memref<400xf32, #tpu.memory_space<hbm>>) target(%arg18 : memref<400xf32, #tpu.memory_space<vmem>>) target_semaphore(%run_scoped3A : memref<!tpu.dma_semaphore, #tpu.memory_space<semaphore_mem>>)
      %dma_wait3A_320 = arith.constant 24576 : i32
      %dma_wait3A_321 = tpu.memref_slice %arg8[%dma_wait3A_320] : memref<24976xf32, #tpu.memory_space<hbm>> -> memref<400xf32, #tpu.memory_space<hbm>>
      %dma_wait3A_322 = arith.constant 24576 : i32
      %dma_wait3A_323 = tpu.memref_slice %arg8[%dma_wait3A_322] : memref<24976xf32, #tpu.memory_space<hbm>> -> memref<400xf32, #tpu.memory_space<hbm>>
      tpu.wait_dma2 semaphore(%run_scoped3A : memref<!tpu.dma_semaphore, #tpu.memory_space<semaphore_mem>>) src(%dma_wait3A_323 : memref<400xf32, #tpu.memory_space<hbm>>) dst(%arg18 : memref<400xf32, #tpu.memory_space<vmem>>)
      tpu.yield
    }) : () -> ()
    %dma_wait3A = tpu.memref_slice %arg2[%mul3A_2] : memref<16384xi32, #tpu.memory_space<hbm>> -> memref<512xi32, #tpu.memory_space<hbm>>
    %dma_wait3A_8 = tpu.memref_slice %arg2[%mul3A_2] : memref<16384xi32, #tpu.memory_space<hbm>> -> memref<512xi32, #tpu.memory_space<hbm>>
    tpu.wait_dma2 semaphore(%arg32 : memref<!tpu.dma_semaphore, #tpu.memory_space<semaphore_mem>>) src(%dma_wait3A_8 : memref<512xi32, #tpu.memory_space<hbm>>) dst(%arg10 : memref<512xi32, #tpu.memory_space<vmem>>)
    %dma_wait3A_9 = tpu.memref_slice %arg3[%mul3A_2] : memref<16384xi32, #tpu.memory_space<hbm>> -> memref<512xi32, #tpu.memory_space<hbm>>
    %dma_wait3A_10 = tpu.memref_slice %arg3[%mul3A_2] : memref<16384xi32, #tpu.memory_space<hbm>> -> memref<512xi32, #tpu.memory_space<hbm>>
    tpu.wait_dma2 semaphore(%arg33 : memref<!tpu.dma_semaphore, #tpu.memory_space<semaphore_mem>>) src(%dma_wait3A_10 : memref<512xi32, #tpu.memory_space<hbm>>) dst(%arg11 : memref<512xi32, #tpu.memory_space<vmem>>)
    %dma_wait3A_11 = tpu.memref_slice %arg4[%mul3A_2] : memref<16384xi32, #tpu.memory_space<hbm>> -> memref<512xi32, #tpu.memory_space<hbm>>
    %dma_wait3A_12 = tpu.memref_slice %arg4[%mul3A_2] : memref<16384xi32, #tpu.memory_space<hbm>> -> memref<512xi32, #tpu.memory_space<hbm>>
    tpu.wait_dma2 semaphore(%arg34 : memref<!tpu.dma_semaphore, #tpu.memory_space<semaphore_mem>>) src(%dma_wait3A_12 : memref<512xi32, #tpu.memory_space<hbm>>) dst(%arg12 : memref<512xi32, #tpu.memory_space<vmem>>)
    %dma_start3A_13 = arith.constant 0 : i32
    %dma_start3A_14 = tpu.memref_slice %arg10[%dma_start3A_13] : memref<512xi32, #tpu.memory_space<vmem>> -> memref<128xi32, #tpu.memory_space<vmem>>
    %dma_start3A_15 = arith.constant 0 : i32
    %dma_start3A_16 = arith.constant 0 : i32
    %dma_start3A_17 = tpu.memref_slice %arg5[%dma_start3A_15, %dma_start3A_16] : memref<1000000x128xf32, #tpu.memory_space<hbm>> -> memref<1000000x128xf32, #tpu.memory_space<hbm>>
    tpu.enqueue_indirect_dma source(%dma_start3A_17 : memref<1000000x128xf32, #tpu.memory_space<hbm>>) target(%arg13 : memref<128x128xf32, #tpu.memory_space<vmem>>) offsets(%dma_start3A_14 : memref<128xi32, #tpu.memory_space<vmem>>) semaphore(%arg27 : memref<!tpu.dma_semaphore, #tpu.memory_space<semaphore_mem>>)
    %dma_start3A_18 = arith.constant 128 : i32
    %dma_start3A_19 = tpu.memref_slice %arg10[%dma_start3A_18] : memref<512xi32, #tpu.memory_space<vmem>> -> memref<128xi32, #tpu.memory_space<vmem>>
    %dma_start3A_20 = arith.constant 0 : i32
    %dma_start3A_21 = arith.constant 0 : i32
    %dma_start3A_22 = tpu.memref_slice %arg5[%dma_start3A_20, %dma_start3A_21] : memref<1000000x128xf32, #tpu.memory_space<hbm>> -> memref<1000000x128xf32, #tpu.memory_space<hbm>>
    tpu.enqueue_indirect_dma source(%dma_start3A_22 : memref<1000000x128xf32, #tpu.memory_space<hbm>>) target(%arg14 : memref<128x128xf32, #tpu.memory_space<vmem>>) offsets(%dma_start3A_19 : memref<128xi32, #tpu.memory_space<vmem>>) semaphore(%arg28 : memref<!tpu.dma_semaphore, #tpu.memory_space<semaphore_mem>>)
    %dma_start3A_23 = arith.constant 256 : i32
    %dma_start3A_24 = tpu.memref_slice %arg10[%dma_start3A_23] : memref<512xi32, #tpu.memory_space<vmem>> -> memref<128xi32, #tpu.memory_space<vmem>>
    %dma_start3A_25 = arith.constant 0 : i32
    %dma_start3A_26 = arith.constant 0 : i32
    %dma_start3A_27 = tpu.memref_slice %arg5[%dma_start3A_25, %dma_start3A_26] : memref<1000000x128xf32, #tpu.memory_space<hbm>> -> memref<1000000x128xf32, #tpu.memory_space<hbm>>
    tpu.enqueue_indirect_dma source(%dma_start3A_27 : memref<1000000x128xf32, #tpu.memory_space<hbm>>) target(%arg15 : memref<128x128xf32, #tpu.memory_space<vmem>>) offsets(%dma_start3A_24 : memref<128xi32, #tpu.memory_space<vmem>>) semaphore(%arg29 : memref<!tpu.dma_semaphore, #tpu.memory_space<semaphore_mem>>)
    %sub3A = arith.constant 8 : i32
    %sub3A_28 = arith.subi %arg1, %sub3A : i32
    %div3A = arith.constant 2 : i32
    %div3A_29 = arith.divsi %sub3A_28, %div3A : i32
    %rem3A = arith.constant 2 : i32
    %rem3A_30 = arith.remsi %sub3A_28, %rem3A : i32
    %mul3A_31 = arith.constant 64 : i32
    %mul3A_32 = arith.muli %rem3A_30, %mul3A_31 : i32
    %ge3A = arith.constant 8 : i32
    %ge3A_33 = arith.cmpi sge, %arg1, %ge3A : i32
    %lt3A = arith.constant 14 : i32
    %lt3A_34 = arith.cmpi slt, %arg1, %lt3A : i32
    %and3A = arith.andi %ge3A_33, %lt3A_34 : i1
    %convert_element_type3A = arith.extui %and3A : i1 to i32
    %cond3A = arith.constant 0 : i32
    %cond3A_35 = arith.cmpi ne, %convert_element_type3A, %cond3A : i32
    scf.if %cond3A_35 {
      %mul3A_316 = arith.constant 128 : i32
      %mul3A_317 = arith.muli %div3A_29, %mul3A_316 : i32
      %add3A_318 = arith.addi %mul3A_317, %mul3A_32 : i32
      %mul3A_319 = arith.constant 64 : i32
      %mul3A_320 = arith.muli %add3A_318, %mul3A_319 : i32
      "tpu.region"() ({
        %run_scoped3A = tpu.sem_alloc : memref<!tpu.dma_semaphore, #tpu.memory_space<semaphore_mem>>
        %dma_start3A_359 = tpu.memref_slice %arg8[%mul3A_320] : memref<24976xf32, #tpu.memory_space<hbm>> -> memref<4096xf32, #tpu.memory_space<hbm>>
        %dma_start3A_360 = tpu.memref_slice %arg8[%mul3A_320] : memref<24976xf32, #tpu.memory_space<hbm>> -> memref<4096xf32, #tpu.memory_space<hbm>>
        tpu.enqueue_dma source(%dma_start3A_360 : memref<4096xf32, #tpu.memory_space<hbm>>) target(%arg19 : memref<4096xf32, #tpu.memory_space<vmem>>) target_semaphore(%run_scoped3A : memref<!tpu.dma_semaphore, #tpu.memory_space<semaphore_mem>>)
        %dma_wait3A_361 = tpu.memref_slice %arg8[%mul3A_320] : memref<24976xf32, #tpu.memory_space<hbm>> -> memref<4096xf32, #tpu.memory_space<hbm>>
        %dma_wait3A_362 = tpu.memref_slice %arg8[%mul3A_320] : memref<24976xf32, #tpu.memory_space<hbm>> -> memref<4096xf32, #tpu.memory_space<hbm>>
        tpu.wait_dma2 semaphore(%run_scoped3A : memref<!tpu.dma_semaphore, #tpu.memory_space<semaphore_mem>>) src(%dma_wait3A_362 : memref<4096xf32, #tpu.memory_space<hbm>>) dst(%arg19 : memref<4096xf32, #tpu.memory_space<vmem>>)
        tpu.yield
      }) : () -> ()
      %mul3A_321 = arith.constant 64 : i32
      %mul3A_322 = arith.muli %div3A_29, %mul3A_321 : i32
      %add3A_323 = arith.constant 0 : i32
      %add3A_324 = arith.addi %mul3A_322, %add3A_323 : i32
      %get3A_325 = arith.index_cast %add3A_324 : i32 to index
      %get3A_326 = tpu.vector_load %arg18[%get3A_325] {strides = array<i32>} : memref<400xf32, #tpu.memory_space<vmem>>, vector<16xf32>,
      %get3A_327 = vector.shape_cast %get3A_326 : vector<16xf32> to vector<16xf32>
      %mul3A_328 = arith.constant 64 : i32
      %mul3A_329 = arith.muli %div3A_29, %mul3A_328 : i32
      %add3A_330 = arith.constant 16 : i32
      %add3A_331 = arith.addi %mul3A_329, %add3A_330 : i32
      %get3A_332 = arith.index_cast %add3A_331 : i32 to index
      %get3A_333 = tpu.vector_load %arg18[%get3A_332] {strides = array<i32>} : memref<400xf32, #tpu.memory_space<vmem>>, vector<16xf32>,
      %get3A_334 = vector.shape_cast %get3A_333 : vector<16xf32> to vector<16xf32>
      %mul3A_335 = arith.constant 64 : i32
      %mul3A_336 = arith.muli %div3A_29, %mul3A_335 : i32
      %add3A_337 = arith.constant 32 : i32
      %add3A_338 = arith.addi %mul3A_336, %add3A_337 : i32
      %get3A_339 = arith.index_cast %add3A_338 : i32 to index
      %get3A_340 = tpu.vector_load %arg18[%get3A_339] {strides = array<i32>} : memref<400xf32, #tpu.memory_space<vmem>>, vector<16xf32>,
      %get3A_341 = vector.shape_cast %get3A_340 : vector<16xf32> to vector<16xf32>
      %mul3A_342 = arith.constant 64 : i32
      %mul3A_343 = arith.muli %div3A_29, %mul3A_342 : i32
      %add3A_344 = arith.constant 48 : i32
      %add3A_345 = arith.addi %mul3A_343, %add3A_344 : i32
      %get3A_346 = arith.index_cast %add3A_345 : i32 to index
      %get3A_347 = tpu.vector_load %arg18[%get3A_346] {strides = array<i32>} : memref<400xf32, #tpu.memory_space<vmem>>, vector<16xf32>,
      %get3A_348 = vector.shape_cast %get3A_347 : vector<16xf32> to vector<16xf32>
      %scan3A_349 = arith.constant 0 : i32
      %scan3A_350 = arith.constant 0 : i32
      %scan3A_351 = arith.constant 4 : i32
      %scan3A_352 = arith.addi %scan3A_350, %scan3A_351 : i32
      %scan3A_353 = arith.constant 1 : i32
      %scan3A_354 = scf.for %scan3A_359 = %scan3A_350 to %scan3A_352 step %scan3A_353 iter_args(%scan3A_360 = %scan3A_349) -> (i32)  : i32 {
        %broadcast_in_dim3A = arith.constant 0.000000e+00 : f32
        %broadcast_in_dim3A_361 = vector.broadcast %broadcast_in_dim3A : f32 to vector<16xf32>
        %scan3A_362 = arith.constant 0 : i32
        %scan3A_363 = arith.constant 16 : i32
        %scan3A_364 = arith.addi %scan3A_362, %scan3A_363 : i32
        %scan3A_365 = arith.constant 1 : i32
        %scan3A_366 = scf.for %scan3A_376 = %scan3A_362 to %scan3A_364 step %scan3A_365 iter_args(%scan3A_377 = %broadcast_in_dim3A_361) -> (vector<16xf32>)  : i32 {
          %mul3A_378 = arith.constant 16 : i32
          %mul3A_379 = arith.muli %scan3A_359, %mul3A_378 : i32
          %add3A_380 = arith.addi %mul3A_379, %scan3A_376 : i32
          %mul3A_381 = arith.constant 64 : i32
          %mul3A_382 = arith.muli %add3A_380, %mul3A_381 : i32
          %add3A_383 = arith.constant 0 : i32
          %add3A_384 = arith.addi %mul3A_382, %add3A_383 : i32
          %get3A_385 = arith.index_cast %add3A_384 : i32 to index
          %get3A_386 = tpu.vector_load %arg19[%get3A_385] {strides = array<i32>} : memref<4096xf32, #tpu.memory_space<vmem>>, vector<16xf32>,
          %get3A_387 = vector.shape_cast %get3A_386 : vector<16xf32> to vector<16xf32>
          %mul3A_388 = arith.mulf %get3A_387, %get3A_327 : vector<16xf32>
          %mul3A_389 = arith.constant 64 : i32
          %mul3A_390 = arith.muli %add3A_380, %mul3A_389 : i32
          %add3A_391 = arith.constant 16 : i32
          %add3A_392 = arith.addi %mul3A_390, %add3A_391 : i32
          %get3A_393 = arith.index_cast %add3A_392 : i32 to index
          %get3A_394 = tpu.vector_load %arg19[%get3A_393] {strides = array<i32>} : memref<4096xf32, #tpu.memory_space<vmem>>, vector<16xf32>,
          %get3A_395 = vector.shape_cast %get3A_394 : vector<16xf32> to vector<16xf32>
          %mul3A_396 = arith.mulf %get3A_395, %get3A_334 : vector<16xf32>
          %mul3A_397 = arith.constant 64 : i32
          %mul3A_398 = arith.muli %add3A_380, %mul3A_397 : i32
          %add3A_399 = arith.constant 32 : i32
          %add3A_400 = arith.addi %mul3A_398, %add3A_399 : i32
          %get3A_401 = arith.index_cast %add3A_400 : i32 to index
          %get3A_402 = tpu.vector_load %arg19[%get3A_401] {strides = array<i32>} : memref<4096xf32, #tpu.memory_space<vmem>>, vector<16xf32>,
          %get3A_403 = vector.shape_cast %get3A_402 : vector<16xf32> to vector<16xf32>
          %mul3A_404 = arith.mulf %get3A_403, %get3A_341 : vector<16xf32>
          %mul3A_405 = arith.constant 64 : i32
          %mul3A_406 = arith.muli %add3A_380, %mul3A_405 : i32
          %add3A_407 = arith.constant 48 : i32
          %add3A_408 = arith.addi %mul3A_406, %add3A_407 : i32
          %get3A_409 = arith.index_cast %add3A_408 : i32 to index
          %get3A_410 = tpu.vector_load %arg19[%get3A_409] {strides = array<i32>} : memref<4096xf32, #tpu.memory_space<vmem>>, vector<16xf32>,
          %get3A_411 = vector.shape_cast %get3A_410 : vector<16xf32> to vector<16xf32>
          %mul3A_412 = arith.mulf %get3A_411, %get3A_348 : vector<16xf32>
          %add3A_413 = arith.addf %mul3A_388, %mul3A_396 : vector<16xf32>
          %add3A_414 = arith.addf %mul3A_404, %mul3A_412 : vector<16xf32>
          %add3A_415 = arith.addf %add3A_413, %add3A_414 : vector<16xf32>
          %eq3A_416 = vector.broadcast %scan3A_376 : i32 to vector<16xi32>
          %eq3A_417 = arith.cmpi eq, %iota3A, %eq3A_416 : vector<16xi32>
          %xor3A = arith.constant 8 : i32
          %xor3A_418 = vector.broadcast %xor3A : i32 to vector<16xi32>
          %xor3A_419 = arith.xori %iota3A, %xor3A_418 : vector<16xi32>
          %lt3A_420 = arith.constant 0 : i32
          %lt3A_421 = vector.broadcast %lt3A_420 : i32 to vector<16xi32>
          %lt3A_422 = arith.cmpi slt, %xor3A_419, %lt3A_421 : vector<16xi32>
          %add3A_423 = arith.constant 16 : i32
          %add3A_424 = vector.broadcast %add3A_423 : i32 to vector<16xi32>
          %add3A_425 = arith.addi %xor3A_419, %add3A_424 : vector<16xi32>
          %select_n3A = arith.select %lt3A_422, %add3A_425, %xor3A_419 : vector<16xi1>, vector<16xi32>
          %broadcast_in_dim3A_426 = vector.shape_cast %select_n3A : vector<16xi32> to vector<16x1xi32>
          %gather3A = vector.shape_cast %broadcast_in_dim3A_426 : vector<16x1xi32> to vector<16xi32>
          %gather3A_427 = tpu.dynamic_gather %add3A_415[%gather3A] in [0] : vector<16xf32>, vector<16xi32> -> vector<16xf32>
          %add3A_428 = arith.addf %add3A_415, %gather3A_427 : vector<16xf32>
          %xor3A_429 = arith.constant 4 : i32
          %xor3A_430 = vector.broadcast %xor3A_429 : i32 to vector<16xi32>
          %xor3A_431 = arith.xori %iota3A, %xor3A_430 : vector<16xi32>
          %lt3A_432 = arith.constant 0 : i32
          %lt3A_433 = vector.broadcast %lt3A_432 : i32 to vector<16xi32>
          %lt3A_434 = arith.cmpi slt, %xor3A_431, %lt3A_433 : vector<16xi32>
          %add3A_435 = arith.constant 16 : i32
          %add3A_436 = vector.broadcast %add3A_435 : i32 to vector<16xi32>
          %add3A_437 = arith.addi %xor3A_431, %add3A_436 : vector<16xi32>
          %select_n3A_438 = arith.select %lt3A_434, %add3A_437, %xor3A_431 : vector<16xi1>, vector<16xi32>
          %broadcast_in_dim3A_439 = vector.shape_cast %select_n3A_438 : vector<16xi32> to vector<16x1xi32>
          %gather3A_440 = vector.shape_cast %broadcast_in_dim3A_439 : vector<16x1xi32> to vector<16xi32>
          %gather3A_441 = tpu.dynamic_gather %add3A_428[%gather3A_440] in [0] : vector<16xf32>, vector<16xi32> -> vector<16xf32>
          %add3A_442 = arith.addf %add3A_428, %gather3A_441 : vector<16xf32>
          %xor3A_443 = arith.constant 2 : i32
          %xor3A_444 = vector.broadcast %xor3A_443 : i32 to vector<16xi32>
          %xor3A_445 = arith.xori %iota3A, %xor3A_444 : vector<16xi32>
          %lt3A_446 = arith.constant 0 : i32
          %lt3A_447 = vector.broadcast %lt3A_446 : i32 to vector<16xi32>
          %lt3A_448 = arith.cmpi slt, %xor3A_445, %lt3A_447 : vector<16xi32>
          %add3A_449 = arith.constant 16 : i32
          %add3A_450 = vector.broadcast %add3A_449 : i32 to vector<16xi32>
          %add3A_451 = arith.addi %xor3A_445, %add3A_450 : vector<16xi32>
          %select_n3A_452 = arith.select %lt3A_448, %add3A_451, %xor3A_445 : vector<16xi1>, vector<16xi32>
          %broadcast_in_dim3A_453 = vector.shape_cast %select_n3A_452 : vector<16xi32> to vector<16x1xi32>
          %gather3A_454 = vector.shape_cast %broadcast_in_dim3A_453 : vector<16x1xi32> to vector<16xi32>
          %gather3A_455 = tpu.dynamic_gather %add3A_442[%gather3A_454] in [0] : vector<16xf32>, vector<16xi32> -> vector<16xf32>
          %add3A_456 = arith.addf %add3A_442, %gather3A_455 : vector<16xf32>
          %xor3A_457 = arith.constant 1 : i32
          %xor3A_458 = vector.broadcast %xor3A_457 : i32 to vector<16xi32>
          %xor3A_459 = arith.xori %iota3A, %xor3A_458 : vector<16xi32>
          %lt3A_460 = arith.constant 0 : i32
          %lt3A_461 = vector.broadcast %lt3A_460 : i32 to vector<16xi32>
          %lt3A_462 = arith.cmpi slt, %xor3A_459, %lt3A_461 : vector<16xi32>
          %add3A_463 = arith.constant 16 : i32
          %add3A_464 = vector.broadcast %add3A_463 : i32 to vector<16xi32>
          %add3A_465 = arith.addi %xor3A_459, %add3A_464 : vector<16xi32>
          %select_n3A_466 = arith.select %lt3A_462, %add3A_465, %xor3A_459 : vector<16xi1>, vector<16xi32>
          %broadcast_in_dim3A_467 = vector.shape_cast %select_n3A_466 : vector<16xi32> to vector<16x1xi32>
          %gather3A_468 = vector.shape_cast %broadcast_in_dim3A_467 : vector<16x1xi32> to vector<16xi32>
          %gather3A_469 = tpu.dynamic_gather %add3A_456[%gather3A_468] in [0] : vector<16xf32>, vector<16xi32> -> vector<16xf32>
          %add3A_470 = arith.addf %add3A_456, %gather3A_469 : vector<16xf32>
          %select_n3A_471 = arith.select %eq3A_417, %add3A_470, %scan3A_377 : vector<16xi1>, vector<16xf32>
          scf.yield %select_n3A_471 : vector<16xf32>
        }
        %scan3A_367 = arith.constant 16 : i32
        %mul3A_368 = arith.constant 16 : i32
        %mul3A_369 = arith.muli %scan3A_359, %mul3A_368 : i32
        %add3A_370 = arith.constant 0 : i32
        %add3A_371 = arith.addi %add3A_370, %mul3A_369 : i32
        %multiple_of3A = tpu.assume_multiple %add3A_371, 16 : i32
        %swap3A = arith.index_cast %multiple_of3A : i32 to index
        %swap3A_372 = tpu.vector_load %arg20[%swap3A] {strides = array<i32>} : memref<64xf32, #tpu.memory_space<vmem>>, vector<16xf32>,
        %swap3A_373 = vector.shape_cast %swap3A_372 : vector<16xf32> to vector<16xf32>
        %swap3A_374 = vector.shape_cast %scan3A_366 : vector<16xf32> to vector<16xf32>
        tpu.vector_store %arg20[%swap3A], %swap3A_374 {strides = array<i32>} : memref<64xf32, #tpu.memory_space<vmem>>, vector<16xf32>,
        %scan3A_375 = arith.constant 0 : i32
        scf.yield %scan3A_375 : i32
      }
      %scan3A_355 = arith.constant 4 : i32
      %mul3A_356 = arith.constant 128 : i32
      %mul3A_357 = arith.muli %div3A_29, %mul3A_356 : i32
      %add3A_358 = arith.addi %mul3A_357, %mul3A_32 : i32
      "tpu.region"() ({
        %run_scoped3A = tpu.sem_alloc : memref<!tpu.dma_semaphore, #tpu.memory_space<semaphore_mem>>
        %dma_start3A_359 = tpu.memref_slice %arg25[%add3A_358] : memref<400xf32, #tpu.memory_space<vmem_shared>> -> memref<64xf32, #tpu.memory_space<vmem_shared>>
        %dma_start3A_360 = tpu.memref_slice %arg25[%add3A_358] : memref<400xf32, #tpu.memory_space<vmem_shared>> -> memref<64xf32, #tpu.memory_space<vmem_shared>>
        tpu.enqueue_dma source(%arg20 : memref<64xf32, #tpu.memory_space<vmem>>) target(%dma_start3A_360 : memref<64xf32, #tpu.memory_space<vmem_shared>>) target_semaphore(%run_scoped3A : memref<!tpu.dma_semaphore, #tpu.memory_space<semaphore_mem>>)
        %dma_wait3A_361 = tpu.memref_slice %arg25[%add3A_358] : memref<400xf32, #tpu.memory_space<vmem_shared>> -> memref<64xf32, #tpu.memory_space<vmem_shared>>
        %dma_wait3A_362 = tpu.memref_slice %arg25[%add3A_358] : memref<400xf32, #tpu.memory_space<vmem_shared>> -> memref<64xf32, #tpu.memory_space<vmem_shared>>
        tpu.wait_dma2 semaphore(%run_scoped3A : memref<!tpu.dma_semaphore, #tpu.memory_space<semaphore_mem>>) src(%arg20 : memref<64xf32, #tpu.memory_space<vmem>>) dst(%dma_wait3A_362 : memref<64xf32, #tpu.memory_space<vmem_shared>>)
        tpu.yield
      }) : () -> ()
    } else {
    }
    %eq3A = arith.constant 14 : i32
    %eq3A_36 = arith.cmpi eq, %arg1, %eq3A : i32
    %convert_element_type3A_37 = arith.extui %eq3A_36 : i1 to i32
    %cond3A_38 = arith.constant 0 : i32
    %cond3A_39 = arith.cmpi ne, %convert_element_type3A_37, %cond3A_38 : i32
    scf.if %cond3A_39 {
      %broadcast_in_dim3A = arith.constant 0.000000e+00 : f32
      %broadcast_in_dim3A_316 = vector.broadcast %broadcast_in_dim3A : f32 to vector<16xf32>
      %scan3A_317 = arith.constant 0 : i32
      %scan3A_318 = arith.constant 12 : i32
      %scan3A_319 = arith.addi %scan3A_317, %scan3A_318 : i32
      %scan3A_320 = arith.constant 1 : i32
      %scan3A_321 = scf.for %scan3A_383 = %scan3A_317 to %scan3A_319 step %scan3A_320 iter_args(%scan3A_384 = %broadcast_in_dim3A_316) -> (vector<16xf32>)  : i32 {
        %mul3A_385 = arith.constant 16 : i32
        %mul3A_386 = arith.muli %scan3A_383, %mul3A_385 : i32
        %add3A_387 = arith.constant 192 : i32
        %add3A_388 = arith.addi %add3A_387, %mul3A_386 : i32
        %get3A_389 = arith.index_cast %add3A_388 : i32 to index
        %get3A_390 = tpu.vector_load %arg18[%get3A_389] {strides = array<i32>} : memref<400xf32, #tpu.memory_space<vmem>>, vector<16xf32>,
        %get3A_391 = vector.shape_cast %get3A_390 : vector<16xf32> to vector<16xf32>
        %mul3A_392 = arith.constant 16 : i32
        %mul3A_393 = arith.muli %scan3A_383, %mul3A_392 : i32
        %get3A_394 = arith.index_cast %mul3A_393 : i32 to index
        %get3A_395 = tpu.vector_load %arg18[%get3A_394] {strides = array<i32>} : memref<400xf32, #tpu.memory_space<vmem>>, vector<16xf32>,
        %get3A_396 = vector.shape_cast %get3A_395 : vector<16xf32> to vector<16xf32>
        %mul3A_397 = arith.mulf %get3A_391, %get3A_396 : vector<16xf32>
        %add3A_398 = arith.addf %scan3A_384, %mul3A_397 : vector<16xf32>
        scf.yield %add3A_398 : vector<16xf32>
      }
      %scan3A_322 = arith.constant 12 : i32
      %xor3A = arith.constant 8 : i32
      %xor3A_323 = vector.broadcast %xor3A : i32 to vector<16xi32>
      %xor3A_324 = arith.xori %iota3A, %xor3A_323 : vector<16xi32>
      %lt3A_325 = arith.constant 0 : i32
      %lt3A_326 = vector.broadcast %lt3A_325 : i32 to vector<16xi32>
      %lt3A_327 = arith.cmpi slt, %xor3A_324, %lt3A_326 : vector<16xi32>
      %add3A_328 = arith.constant 16 : i32
      %add3A_329 = vector.broadcast %add3A_328 : i32 to vector<16xi32>
      %add3A_330 = arith.addi %xor3A_324, %add3A_329 : vector<16xi32>
      %select_n3A = arith.select %lt3A_327, %add3A_330, %xor3A_324 : vector<16xi1>, vector<16xi32>
      %broadcast_in_dim3A_331 = vector.shape_cast %select_n3A : vector<16xi32> to vector<16x1xi32>
      %gather3A = vector.shape_cast %broadcast_in_dim3A_331 : vector<16x1xi32> to vector<16xi32>
      %gather3A_332 = tpu.dynamic_gather %scan3A_321[%gather3A] in [0] : vector<16xf32>, vector<16xi32> -> vector<16xf32>
      %add3A_333 = arith.addf %scan3A_321, %gather3A_332 : vector<16xf32>
      %xor3A_334 = arith.constant 4 : i32
      %xor3A_335 = vector.broadcast %xor3A_334 : i32 to vector<16xi32>
      %xor3A_336 = arith.xori %iota3A, %xor3A_335 : vector<16xi32>
      %lt3A_337 = arith.constant 0 : i32
      %lt3A_338 = vector.broadcast %lt3A_337 : i32 to vector<16xi32>
      %lt3A_339 = arith.cmpi slt, %xor3A_336, %lt3A_338 : vector<16xi32>
      %add3A_340 = arith.constant 16 : i32
      %add3A_341 = vector.broadcast %add3A_340 : i32 to vector<16xi32>
      %add3A_342 = arith.addi %xor3A_336, %add3A_341 : vector<16xi32>
      %select_n3A_343 = arith.select %lt3A_339, %add3A_342, %xor3A_336 : vector<16xi1>, vector<16xi32>
      %broadcast_in_dim3A_344 = vector.shape_cast %select_n3A_343 : vector<16xi32> to vector<16x1xi32>
      %gather3A_345 = vector.shape_cast %broadcast_in_dim3A_344 : vector<16x1xi32> to vector<16xi32>
      %gather3A_346 = tpu.dynamic_gather %add3A_333[%gather3A_345] in [0] : vector<16xf32>, vector<16xi32> -> vector<16xf32>
      %add3A_347 = arith.addf %add3A_333, %gather3A_346 : vector<16xf32>
      %xor3A_348 = arith.constant 2 : i32
      %xor3A_349 = vector.broadcast %xor3A_348 : i32 to vector<16xi32>
      %xor3A_350 = arith.xori %iota3A, %xor3A_349 : vector<16xi32>
      %lt3A_351 = arith.constant 0 : i32
      %lt3A_352 = vector.broadcast %lt3A_351 : i32 to vector<16xi32>
      %lt3A_353 = arith.cmpi slt, %xor3A_350, %lt3A_352 : vector<16xi32>
      %add3A_354 = arith.constant 16 : i32
      %add3A_355 = vector.broadcast %add3A_354 : i32 to vector<16xi32>
      %add3A_356 = arith.addi %xor3A_350, %add3A_355 : vector<16xi32>
      %select_n3A_357 = arith.select %lt3A_353, %add3A_356, %xor3A_350 : vector<16xi1>, vector<16xi32>
      %broadcast_in_dim3A_358 = vector.shape_cast %select_n3A_357 : vector<16xi32> to vector<16x1xi32>
      %gather3A_359 = vector.shape_cast %broadcast_in_dim3A_358 : vector<16x1xi32> to vector<16xi32>
      %gather3A_360 = tpu.dynamic_gather %add3A_347[%gather3A_359] in [0] : vector<16xf32>, vector<16xi32> -> vector<16xf32>
      %add3A_361 = arith.addf %add3A_347, %gather3A_360 : vector<16xf32>
      %xor3A_362 = arith.constant 1 : i32
      %xor3A_363 = vector.broadcast %xor3A_362 : i32 to vector<16xi32>
      %xor3A_364 = arith.xori %iota3A, %xor3A_363 : vector<16xi32>
      %lt3A_365 = arith.constant 0 : i32
      %lt3A_366 = vector.broadcast %lt3A_365 : i32 to vector<16xi32>
      %lt3A_367 = arith.cmpi slt, %xor3A_364, %lt3A_366 : vector<16xi32>
      %add3A_368 = arith.constant 16 : i32
      %add3A_369 = vector.broadcast %add3A_368 : i32 to vector<16xi32>
      %add3A_370 = arith.addi %xor3A_364, %add3A_369 : vector<16xi32>
      %select_n3A_371 = arith.select %lt3A_367, %add3A_370, %xor3A_364 : vector<16xi1>, vector<16xi32>
      %broadcast_in_dim3A_372 = vector.shape_cast %select_n3A_371 : vector<16xi32> to vector<16x1xi32>
      %gather3A_373 = vector.shape_cast %broadcast_in_dim3A_372 : vector<16x1xi32> to vector<16xi32>
      %gather3A_374 = tpu.dynamic_gather %add3A_361[%gather3A_373] in [0] : vector<16xf32>, vector<16xi32> -> vector<16xf32>
      %add3A_375 = arith.addf %add3A_361, %gather3A_374 : vector<16xf32>
      %get3A_376 = arith.constant 384 : index
      %get3A_377 = tpu.vector_load %arg18[%get3A_376] {strides = array<i32>} : memref<400xf32, #tpu.memory_space<vmem>>, vector<16xf32>,
      %get3A_378 = vector.shape_cast %get3A_377 : vector<16xf32> to vector<16xf32>
      %add3A_379 = arith.addf %add3A_375, %get3A_378 : vector<16xf32>
      %swap3A = arith.constant 0 : index
      %swap3A_380 = tpu.vector_load %arg20[%swap3A] {strides = array<i32>} : memref<64xf32, #tpu.memory_space<vmem>>, vector<16xf32>,
      %swap3A_381 = vector.shape_cast %swap3A_380 : vector<16xf32> to vector<16xf32>
      %swap3A_382 = vector.shape_cast %add3A_379 : vector<16xf32> to vector<16xf32>
      tpu.vector_store %arg20[%swap3A], %swap3A_382 {strides = array<i32>} : memref<64xf32, #tpu.memory_space<vmem>>, vector<16xf32>,
      "tpu.region"() ({
        %run_scoped3A = tpu.sem_alloc : memref<!tpu.dma_semaphore, #tpu.memory_space<semaphore_mem>>
        %dma_start3A_383 = arith.constant 0 : i32
        %dma_start3A_384 = tpu.memref_slice %arg20[%dma_start3A_383] : memref<64xf32, #tpu.memory_space<vmem>> -> memref<16xf32, #tpu.memory_space<vmem>>
        %dma_start3A_385 = arith.constant 384 : i32
        %dma_start3A_386 = tpu.memref_slice %arg25[%dma_start3A_385] : memref<400xf32, #tpu.memory_space<vmem_shared>> -> memref<16xf32, #tpu.memory_space<vmem_shared>>
        %dma_start3A_387 = arith.constant 384 : i32
        %dma_start3A_388 = tpu.memref_slice %arg25[%dma_start3A_387] : memref<400xf32, #tpu.memory_space<vmem_shared>> -> memref<16xf32, #tpu.memory_space<vmem_shared>>
        %dma_start3A_389 = arith.constant 0 : i32
        %dma_start3A_390 = tpu.memref_slice %arg20[%dma_start3A_389] : memref<64xf32, #tpu.memory_space<vmem>> -> memref<16xf32, #tpu.memory_space<vmem>>
        tpu.enqueue_dma source(%dma_start3A_390 : memref<16xf32, #tpu.memory_space<vmem>>) target(%dma_start3A_388 : memref<16xf32, #tpu.memory_space<vmem_shared>>) target_semaphore(%run_scoped3A : memref<!tpu.dma_semaphore, #tpu.memory_space<semaphore_mem>>)
        %dma_wait3A_391 = arith.constant 0 : i32
        %dma_wait3A_392 = tpu.memref_slice %arg20[%dma_wait3A_391] : memref<64xf32, #tpu.memory_space<vmem>> -> memref<16xf32, #tpu.memory_space<vmem>>
        %dma_wait3A_393 = arith.constant 384 : i32
        %dma_wait3A_394 = tpu.memref_slice %arg25[%dma_wait3A_393] : memref<400xf32, #tpu.memory_space<vmem_shared>> -> memref<16xf32, #tpu.memory_space<vmem_shared>>
        %dma_wait3A_395 = arith.constant 384 : i32
        %dma_wait3A_396 = tpu.memref_slice %arg25[%dma_wait3A_395] : memref<400xf32, #tpu.memory_space<vmem_shared>> -> memref<16xf32, #tpu.memory_space<vmem_shared>>
        %dma_wait3A_397 = arith.constant 0 : i32
        %dma_wait3A_398 = tpu.memref_slice %arg20[%dma_wait3A_397] : memref<64xf32, #tpu.memory_space<vmem>> -> memref<16xf32, #tpu.memory_space<vmem>>
        tpu.wait_dma2 semaphore(%run_scoped3A : memref<!tpu.dma_semaphore, #tpu.memory_space<semaphore_mem>>) src(%dma_wait3A_398 : memref<16xf32, #tpu.memory_space<vmem>>) dst(%dma_wait3A_396 : memref<16xf32, #tpu.memory_space<vmem_shared>>)
        tpu.yield
      }) : () -> ()
    } else {
    }
    %barrier3A = arith.constant 0 : index
    tpu.barrier barrier_id(%barrier3A)
    "tpu.region"() ({
      %run_scoped3A = tpu.sem_alloc : memref<!tpu.dma_semaphore, #tpu.memory_space<semaphore_mem>>
      tpu.enqueue_dma source(%arg25 : memref<400xf32, #tpu.memory_space<vmem_shared>>) target(%arg21 : memref<400xf32, #tpu.memory_space<vmem>>) target_semaphore(%run_scoped3A : memref<!tpu.dma_semaphore, #tpu.memory_space<semaphore_mem>>)
      tpu.wait_dma2 semaphore(%run_scoped3A : memref<!tpu.dma_semaphore, #tpu.memory_space<semaphore_mem>>) src(%arg25 : memref<400xf32, #tpu.memory_space<vmem_shared>>) dst(%arg21 : memref<400xf32, #tpu.memory_space<vmem>>)
      tpu.yield
    }) : () -> ()
    %scan3A = arith.constant 0 : i32
    %scan3A_40 = arith.constant 0 : i32
    %scan3A_41 = arith.constant 4 : i32
    %scan3A_42 = arith.addi %scan3A_40, %scan3A_41 : i32
    %scan3A_43 = arith.constant 1 : i32
    %scan3A_44 = scf.for %scan3A_316 = %scan3A_40 to %scan3A_42 step %scan3A_43 iter_args(%scan3A_317 = %scan3A) -> (i32)  : i32 {
      %mul3A_318 = arith.constant 64 : i32
      %mul3A_319 = arith.muli %arg1, %mul3A_318 : i32
      %mul3A_320 = arith.constant 16 : i32
      %mul3A_321 = arith.muli %scan3A_316, %mul3A_320 : i32
      %add3A_322 = arith.addi %mul3A_319, %mul3A_321 : i32
      %add3A_323 = vector.broadcast %add3A_322 : i32 to vector<16xi32>
      %add3A_324 = arith.addi %iota3A, %add3A_323 : vector<16xi32>
      %min3A = arith.constant 999 : i32
      %min3A_325 = vector.broadcast %min3A : i32 to vector<16xi32>
      %min3A_326 = arith.minsi %add3A_324, %min3A_325 : vector<16xi32>
      %mul3A_327 = arith.constant 16 : i32
      %mul3A_328 = arith.muli %scan3A_316, %mul3A_327 : i32
      %swap3A = arith.index_cast %mul3A_328 : i32 to index
      %swap3A_329 = tpu.vector_load %arg24[%swap3A] {strides = array<i32>} : memref<128xi32, #tpu.memory_space<vmem>>, vector<16xi32>,
      %swap3A_330 = vector.shape_cast %swap3A_329 : vector<16xi32> to vector<16xi32>
      %swap3A_331 = vector.shape_cast %min3A_326 : vector<16xi32> to vector<16xi32>
      tpu.vector_store %arg24[%swap3A], %swap3A_331 {strides = array<i32>} : memref<128xi32, #tpu.memory_space<vmem>>, vector<16xi32>,
      %scan3A_332 = arith.constant 0 : i32
      scf.yield %scan3A_332 : i32
    }
    %scan3A_45 = arith.constant 4 : i32
    %dma_start3A_46 = arith.constant 0 : i32
    %dma_start3A_47 = tpu.memref_slice %arg24[%dma_start3A_46] : memref<128xi32, #tpu.memory_space<vmem>> -> memref<64xi32, #tpu.memory_space<vmem>>
    %dma_start3A_48 = arith.constant 0 : i32
    %dma_start3A_49 = arith.constant 0 : i32
    %dma_start3A_50 = tpu.memref_slice %arg7[%dma_start3A_48, %dma_start3A_49] : memref<1000x128xf32, #tpu.memory_space<hbm>> -> memref<1000x128xf32, #tpu.memory_space<hbm>>
    tpu.enqueue_indirect_dma source(%dma_start3A_50 : memref<1000x128xf32, #tpu.memory_space<hbm>>) target(%arg17 : memref<64x128xf32, #tpu.memory_space<vmem>>) offsets(%dma_start3A_47 : memref<64xi32, #tpu.memory_space<vmem>>) semaphore(%arg31 : memref<!tpu.dma_semaphore, #tpu.memory_space<semaphore_mem>>)
    %dma_wait3A_51 = arith.constant 0 : i32
    %dma_wait3A_52 = tpu.memref_slice %arg24[%dma_wait3A_51] : memref<128xi32, #tpu.memory_space<vmem>> -> memref<64xi32, #tpu.memory_space<vmem>>
    %dma_wait3A_53 = arith.constant 0 : i32
    %dma_wait3A_54 = arith.constant 0 : i32
    %dma_wait3A_55 = tpu.memref_slice %arg7[%dma_wait3A_53, %dma_wait3A_54] : memref<1000x128xf32, #tpu.memory_space<hbm>> -> memref<1000x128xf32, #tpu.memory_space<hbm>>
    tpu.wait_indirect_dma semaphore(%arg31 : memref<!tpu.dma_semaphore, #tpu.memory_space<semaphore_mem>>) src(%dma_wait3A_55 : memref<1000x128xf32, #tpu.memory_space<hbm>>) dst(%arg17 : memref<64x128xf32, #tpu.memory_space<vmem>>)
    %get3A = arith.constant 256 : index
    %get3A_56 = tpu.vector_load %arg21[%get3A] {strides = array<i32>} : memref<400xf32, #tpu.memory_space<vmem>>, vector<16xf32>,
    %get3A_57 = vector.shape_cast %get3A_56 : vector<16xf32> to vector<16xf32>
    %get3A_58 = arith.constant 272 : index
    %get3A_59 = tpu.vector_load %arg21[%get3A_58] {strides = array<i32>} : memref<400xf32, #tpu.memory_space<vmem>>, vector<16xf32>,
    %get3A_60 = vector.shape_cast %get3A_59 : vector<16xf32> to vector<16xf32>
    %get3A_61 = arith.constant 288 : index
    %get3A_62 = tpu.vector_load %arg21[%get3A_61] {strides = array<i32>} : memref<400xf32, #tpu.memory_space<vmem>>, vector<16xf32>,
    %get3A_63 = vector.shape_cast %get3A_62 : vector<16xf32> to vector<16xf32>
    %get3A_64 = arith.constant 304 : index
    %get3A_65 = tpu.vector_load %arg21[%get3A_64] {strides = array<i32>} : memref<400xf32, #tpu.memory_space<vmem>>, vector<16xf32>,
    %get3A_66 = vector.shape_cast %get3A_65 : vector<16xf32> to vector<16xf32>
    %get3A_67 = arith.constant 320 : index
    %get3A_68 = tpu.vector_load %arg21[%get3A_67] {strides = array<i32>} : memref<400xf32, #tpu.memory_space<vmem>>, vector<16xf32>,
    %get3A_69 = vector.shape_cast %get3A_68 : vector<16xf32> to vector<16xf32>
    %get3A_70 = arith.constant 336 : index
    %get3A_71 = tpu.vector_load %arg21[%get3A_70] {strides = array<i32>} : memref<400xf32, #tpu.memory_space<vmem>>, vector<16xf32>,
    %get3A_72 = vector.shape_cast %get3A_71 : vector<16xf32> to vector<16xf32>
    %get3A_73 = arith.constant 352 : index
    %get3A_74 = tpu.vector_load %arg21[%get3A_73] {strides = array<i32>} : memref<400xf32, #tpu.memory_space<vmem>>, vector<16xf32>,
    %get3A_75 = vector.shape_cast %get3A_74 : vector<16xf32> to vector<16xf32>
    %get3A_76 = arith.constant 368 : index
    %get3A_77 = tpu.vector_load %arg21[%get3A_76] {strides = array<i32>} : memref<400xf32, #tpu.memory_space<vmem>>, vector<16xf32>,
    %get3A_78 = vector.shape_cast %get3A_77 : vector<16xf32> to vector<16xf32>
    %scan3A_79 = arith.constant 0 : i32
    %scan3A_80 = arith.constant 0 : i32
    %scan3A_81 = arith.constant 4 : i32
    %scan3A_82 = arith.addi %scan3A_80, %scan3A_81 : i32
    %scan3A_83 = arith.constant 1 : i32
    %scan3A_84 = scf.for %scan3A_316 = %scan3A_80 to %scan3A_82 step %scan3A_83 iter_args(%scan3A_317 = %scan3A_79) -> (i32)  : i32 {
      %broadcast_in_dim3A = arith.constant 0.000000e+00 : f32
      %broadcast_in_dim3A_318 = vector.broadcast %broadcast_in_dim3A : f32 to vector<16xf32>
      %scan3A_319 = arith.constant 0 : i32
      %scan3A_320 = arith.constant 16 : i32
      %scan3A_321 = arith.addi %scan3A_319, %scan3A_320 : i32
      %scan3A_322 = arith.constant 1 : i32
      %scan3A_323 = scf.for %scan3A_333 = %scan3A_319 to %scan3A_321 step %scan3A_322 iter_args(%scan3A_334 = %broadcast_in_dim3A_318) -> (vector<16xf32>)  : i32 {
        %mul3A_335 = arith.constant 16 : i32
        %mul3A_336 = arith.muli %scan3A_316, %mul3A_335 : i32
        %add3A_337 = arith.addi %mul3A_336, %scan3A_333 : i32
        %get3A_338 = arith.index_cast %add3A_337 : i32 to index
        %get3A_339 = arith.constant 0 : index
        %get3A_340 = tpu.vector_load %arg17[%get3A_338, %get3A_339] {strides = array<i32>} : memref<64x128xf32, #tpu.memory_space<vmem>>, vector<1x16xf32>,
        %get3A_341 = vector.shape_cast %get3A_340 : vector<1x16xf32> to vector<16xf32>
        %mul3A_342 = arith.mulf %get3A_341, %get3A_57 : vector<16xf32>
        %get3A_343 = arith.index_cast %add3A_337 : i32 to index
        %get3A_344 = arith.constant 16 : index
        %get3A_345 = tpu.vector_load %arg17[%get3A_343, %get3A_344] {strides = array<i32>} : memref<64x128xf32, #tpu.memory_space<vmem>>, vector<1x16xf32>,
        %get3A_346 = vector.shape_cast %get3A_345 : vector<1x16xf32> to vector<16xf32>
        %mul3A_347 = arith.mulf %get3A_346, %get3A_60 : vector<16xf32>
        %get3A_348 = arith.index_cast %add3A_337 : i32 to index
        %get3A_349 = arith.constant 32 : index
        %get3A_350 = tpu.vector_load %arg17[%get3A_348, %get3A_349] {strides = array<i32>} : memref<64x128xf32, #tpu.memory_space<vmem>>, vector<1x16xf32>,
        %get3A_351 = vector.shape_cast %get3A_350 : vector<1x16xf32> to vector<16xf32>
        %mul3A_352 = arith.mulf %get3A_351, %get3A_63 : vector<16xf32>
        %get3A_353 = arith.index_cast %add3A_337 : i32 to index
        %get3A_354 = arith.constant 48 : index
        %get3A_355 = tpu.vector_load %arg17[%get3A_353, %get3A_354] {strides = array<i32>} : memref<64x128xf32, #tpu.memory_space<vmem>>, vector<1x16xf32>,
        %get3A_356 = vector.shape_cast %get3A_355 : vector<1x16xf32> to vector<16xf32>
        %mul3A_357 = arith.mulf %get3A_356, %get3A_66 : vector<16xf32>
        %get3A_358 = arith.index_cast %add3A_337 : i32 to index
        %get3A_359 = arith.constant 64 : index
        %get3A_360 = tpu.vector_load %arg17[%get3A_358, %get3A_359] {strides = array<i32>} : memref<64x128xf32, #tpu.memory_space<vmem>>, vector<1x16xf32>,
        %get3A_361 = vector.shape_cast %get3A_360 : vector<1x16xf32> to vector<16xf32>
        %mul3A_362 = arith.mulf %get3A_361, %get3A_69 : vector<16xf32>
        %get3A_363 = arith.index_cast %add3A_337 : i32 to index
        %get3A_364 = arith.constant 80 : index
        %get3A_365 = tpu.vector_load %arg17[%get3A_363, %get3A_364] {strides = array<i32>} : memref<64x128xf32, #tpu.memory_space<vmem>>, vector<1x16xf32>,
        %get3A_366 = vector.shape_cast %get3A_365 : vector<1x16xf32> to vector<16xf32>
        %mul3A_367 = arith.mulf %get3A_366, %get3A_72 : vector<16xf32>
        %get3A_368 = arith.index_cast %add3A_337 : i32 to index
        %get3A_369 = arith.constant 96 : index
        %get3A_370 = tpu.vector_load %arg17[%get3A_368, %get3A_369] {strides = array<i32>} : memref<64x128xf32, #tpu.memory_space<vmem>>, vector<1x16xf32>,
        %get3A_371 = vector.shape_cast %get3A_370 : vector<1x16xf32> to vector<16xf32>
        %mul3A_372 = arith.mulf %get3A_371, %get3A_75 : vector<16xf32>
        %get3A_373 = arith.index_cast %add3A_337 : i32 to index
        %get3A_374 = arith.constant 112 : index
        %get3A_375 = tpu.vector_load %arg17[%get3A_373, %get3A_374] {strides = array<i32>} : memref<64x128xf32, #tpu.memory_space<vmem>>, vector<1x16xf32>,
        %get3A_376 = vector.shape_cast %get3A_375 : vector<1x16xf32> to vector<16xf32>
        %mul3A_377 = arith.mulf %get3A_376, %get3A_78 : vector<16xf32>
        %add3A_378 = arith.addf %mul3A_342, %mul3A_347 : vector<16xf32>
        %add3A_379 = arith.addf %mul3A_352, %mul3A_357 : vector<16xf32>
        %add3A_380 = arith.addf %mul3A_362, %mul3A_367 : vector<16xf32>
        %add3A_381 = arith.addf %mul3A_372, %mul3A_377 : vector<16xf32>
        %add3A_382 = arith.addf %add3A_378, %add3A_379 : vector<16xf32>
        %add3A_383 = arith.addf %add3A_380, %add3A_381 : vector<16xf32>
        %add3A_384 = arith.addf %add3A_382, %add3A_383 : vector<16xf32>
        %eq3A_385 = vector.broadcast %scan3A_333 : i32 to vector<16xi32>
        %eq3A_386 = arith.cmpi eq, %iota3A, %eq3A_385 : vector<16xi32>
        %xor3A = arith.constant 8 : i32
        %xor3A_387 = vector.broadcast %xor3A : i32 to vector<16xi32>
        %xor3A_388 = arith.xori %iota3A, %xor3A_387 : vector<16xi32>
        %lt3A_389 = arith.constant 0 : i32
        %lt3A_390 = vector.broadcast %lt3A_389 : i32 to vector<16xi32>
        %lt3A_391 = arith.cmpi slt, %xor3A_388, %lt3A_390 : vector<16xi32>
        %add3A_392 = arith.constant 16 : i32
        %add3A_393 = vector.broadcast %add3A_392 : i32 to vector<16xi32>
        %add3A_394 = arith.addi %xor3A_388, %add3A_393 : vector<16xi32>
        %select_n3A = arith.select %lt3A_391, %add3A_394, %xor3A_388 : vector<16xi1>, vector<16xi32>
        %broadcast_in_dim3A_395 = vector.shape_cast %select_n3A : vector<16xi32> to vector<16x1xi32>
        %gather3A = vector.shape_cast %broadcast_in_dim3A_395 : vector<16x1xi32> to vector<16xi32>
        %gather3A_396 = tpu.dynamic_gather %add3A_384[%gather3A] in [0] : vector<16xf32>, vector<16xi32> -> vector<16xf32>
        %add3A_397 = arith.addf %add3A_384, %gather3A_396 : vector<16xf32>
        %xor3A_398 = arith.constant 4 : i32
        %xor3A_399 = vector.broadcast %xor3A_398 : i32 to vector<16xi32>
        %xor3A_400 = arith.xori %iota3A, %xor3A_399 : vector<16xi32>
        %lt3A_401 = arith.constant 0 : i32
        %lt3A_402 = vector.broadcast %lt3A_401 : i32 to vector<16xi32>
        %lt3A_403 = arith.cmpi slt, %xor3A_400, %lt3A_402 : vector<16xi32>
        %add3A_404 = arith.constant 16 : i32
        %add3A_405 = vector.broadcast %add3A_404 : i32 to vector<16xi32>
        %add3A_406 = arith.addi %xor3A_400, %add3A_405 : vector<16xi32>
        %select_n3A_407 = arith.select %lt3A_403, %add3A_406, %xor3A_400 : vector<16xi1>, vector<16xi32>
        %broadcast_in_dim3A_408 = vector.shape_cast %select_n3A_407 : vector<16xi32> to vector<16x1xi32>
        %gather3A_409 = vector.shape_cast %broadcast_in_dim3A_408 : vector<16x1xi32> to vector<16xi32>
        %gather3A_410 = tpu.dynamic_gather %add3A_397[%gather3A_409] in [0] : vector<16xf32>, vector<16xi32> -> vector<16xf32>
        %add3A_411 = arith.addf %add3A_397, %gather3A_410 : vector<16xf32>
        %xor3A_412 = arith.constant 2 : i32
        %xor3A_413 = vector.broadcast %xor3A_412 : i32 to vector<16xi32>
        %xor3A_414 = arith.xori %iota3A, %xor3A_413 : vector<16xi32>
        %lt3A_415 = arith.constant 0 : i32
        %lt3A_416 = vector.broadcast %lt3A_415 : i32 to vector<16xi32>
        %lt3A_417 = arith.cmpi slt, %xor3A_414, %lt3A_416 : vector<16xi32>
        %add3A_418 = arith.constant 16 : i32
        %add3A_419 = vector.broadcast %add3A_418 : i32 to vector<16xi32>
        %add3A_420 = arith.addi %xor3A_414, %add3A_419 : vector<16xi32>
        %select_n3A_421 = arith.select %lt3A_417, %add3A_420, %xor3A_414 : vector<16xi1>, vector<16xi32>
        %broadcast_in_dim3A_422 = vector.shape_cast %select_n3A_421 : vector<16xi32> to vector<16x1xi32>
        %gather3A_423 = vector.shape_cast %broadcast_in_dim3A_422 : vector<16x1xi32> to vector<16xi32>
        %gather3A_424 = tpu.dynamic_gather %add3A_411[%gather3A_423] in [0] : vector<16xf32>, vector<16xi32> -> vector<16xf32>
        %add3A_425 = arith.addf %add3A_411, %gather3A_424 : vector<16xf32>
        %xor3A_426 = arith.constant 1 : i32
        %xor3A_427 = vector.broadcast %xor3A_426 : i32 to vector<16xi32>
        %xor3A_428 = arith.xori %iota3A, %xor3A_427 : vector<16xi32>
        %lt3A_429 = arith.constant 0 : i32
        %lt3A_430 = vector.broadcast %lt3A_429 : i32 to vector<16xi32>
        %lt3A_431 = arith.cmpi slt, %xor3A_428, %lt3A_430 : vector<16xi32>
        %add3A_432 = arith.constant 16 : i32
        %add3A_433 = vector.broadcast %add3A_432 : i32 to vector<16xi32>
        %add3A_434 = arith.addi %xor3A_428, %add3A_433 : vector<16xi32>
        %select_n3A_435 = arith.select %lt3A_431, %add3A_434, %xor3A_428 : vector<16xi1>, vector<16xi32>
        %broadcast_in_dim3A_436 = vector.shape_cast %select_n3A_435 : vector<16xi32> to vector<16x1xi32>
        %gather3A_437 = vector.shape_cast %broadcast_in_dim3A_436 : vector<16x1xi32> to vector<16xi32>
        %gather3A_438 = tpu.dynamic_gather %add3A_425[%gather3A_437] in [0] : vector<16xf32>, vector<16xi32> -> vector<16xf32>
        %add3A_439 = arith.addf %add3A_425, %gather3A_438 : vector<16xf32>
        %select_n3A_440 = arith.select %eq3A_386, %add3A_439, %scan3A_334 : vector<16xi1>, vector<16xf32>
        scf.yield %select_n3A_440 : vector<16xf32>
      }
      %scan3A_324 = arith.constant 16 : i32
      %mul3A_325 = arith.constant 16 : i32
      %mul3A_326 = arith.muli %scan3A_316, %mul3A_325 : i32
      %add3A_327 = arith.constant 0 : i32
      %add3A_328 = arith.addi %add3A_327, %mul3A_326 : i32
      %multiple_of3A = tpu.assume_multiple %add3A_328, 16 : i32
      %swap3A = arith.index_cast %multiple_of3A : i32 to index
      %swap3A_329 = tpu.vector_load %arg22[%swap3A] {strides = array<i32>} : memref<512xf32, #tpu.memory_space<vmem>>, vector<16xf32>,
      %swap3A_330 = vector.shape_cast %swap3A_329 : vector<16xf32> to vector<16xf32>
      %swap3A_331 = vector.shape_cast %scan3A_323 : vector<16xf32> to vector<16xf32>
      tpu.vector_store %arg22[%swap3A], %swap3A_331 {strides = array<i32>} : memref<512xf32, #tpu.memory_space<vmem>>, vector<16xf32>,
      %scan3A_332 = arith.constant 0 : i32
      scf.yield %scan3A_332 : i32
    }
    %scan3A_85 = arith.constant 4 : i32
    %mul3A_86 = arith.constant 64 : i32
    %mul3A_87 = arith.muli %arg1, %mul3A_86 : i32
    "tpu.region"() ({
      %run_scoped3A = tpu.sem_alloc : memref<!tpu.dma_semaphore, #tpu.memory_space<semaphore_mem>>
      %dma_start3A_316 = arith.constant 0 : i32
      %dma_start3A_317 = tpu.memref_slice %arg22[%dma_start3A_316] : memref<512xf32, #tpu.memory_space<vmem>> -> memref<64xf32, #tpu.memory_space<vmem>>
      %dma_start3A_318 = tpu.memref_slice %arg26[%mul3A_87] : memref<1024xf32, #tpu.memory_space<vmem_shared>> -> memref<64xf32, #tpu.memory_space<vmem_shared>>
      %dma_start3A_319 = tpu.memref_slice %arg26[%mul3A_87] : memref<1024xf32, #tpu.memory_space<vmem_shared>> -> memref<64xf32, #tpu.memory_space<vmem_shared>>
      %dma_start3A_320 = arith.constant 0 : i32
      %dma_start3A_321 = tpu.memref_slice %arg22[%dma_start3A_320] : memref<512xf32, #tpu.memory_space<vmem>> -> memref<64xf32, #tpu.memory_space<vmem>>
      tpu.enqueue_dma source(%dma_start3A_321 : memref<64xf32, #tpu.memory_space<vmem>>) target(%dma_start3A_319 : memref<64xf32, #tpu.memory_space<vmem_shared>>) target_semaphore(%run_scoped3A : memref<!tpu.dma_semaphore, #tpu.memory_space<semaphore_mem>>)
      %dma_wait3A_322 = arith.constant 0 : i32
      %dma_wait3A_323 = tpu.memref_slice %arg22[%dma_wait3A_322] : memref<512xf32, #tpu.memory_space<vmem>> -> memref<64xf32, #tpu.memory_space<vmem>>
      %dma_wait3A_324 = tpu.memref_slice %arg26[%mul3A_87] : memref<1024xf32, #tpu.memory_space<vmem_shared>> -> memref<64xf32, #tpu.memory_space<vmem_shared>>
      %dma_wait3A_325 = tpu.memref_slice %arg26[%mul3A_87] : memref<1024xf32, #tpu.memory_space<vmem_shared>> -> memref<64xf32, #tpu.memory_space<vmem_shared>>
      %dma_wait3A_326 = arith.constant 0 : i32
      %dma_wait3A_327 = tpu.memref_slice %arg22[%dma_wait3A_326] : memref<512xf32, #tpu.memory_space<vmem>> -> memref<64xf32, #tpu.memory_space<vmem>>
      tpu.wait_dma2 semaphore(%run_scoped3A : memref<!tpu.dma_semaphore, #tpu.memory_space<semaphore_mem>>) src(%dma_wait3A_327 : memref<64xf32, #tpu.memory_space<vmem>>) dst(%dma_wait3A_325 : memref<64xf32, #tpu.memory_space<vmem_shared>>)
      tpu.yield
    }) : () -> ()
    %barrier3A_88 = arith.constant 0 : index
    tpu.barrier barrier_id(%barrier3A_88)
    %dma_start3A_89 = arith.constant 0 : i32
    %dma_start3A_90 = tpu.memref_slice %arg23[%dma_start3A_89] : memref<512xf32, #tpu.memory_space<vmem>> -> memref<128xf32, #tpu.memory_space<vmem>>
    %dma_start3A_91 = arith.constant 0 : i32
    %dma_start3A_92 = tpu.memref_slice %arg12[%dma_start3A_91] : memref<512xi32, #tpu.memory_space<vmem>> -> memref<128xi32, #tpu.memory_space<vmem>>
    %dma_start3A_93 = arith.constant 0 : i32
    %dma_start3A_94 = tpu.memref_slice %arg26[%dma_start3A_93] : memref<1024xf32, #tpu.memory_space<vmem_shared>> -> memref<1024xf32, #tpu.memory_space<vmem_shared>>
    tpu.enqueue_indirect_dma source(%dma_start3A_94 : memref<1024xf32, #tpu.memory_space<vmem_shared>>) target(%dma_start3A_90 : memref<128xf32, #tpu.memory_space<vmem>>) offsets(%dma_start3A_92 : memref<128xi32, #tpu.memory_space<vmem>>) semaphore(%arg31 : memref<!tpu.dma_semaphore, #tpu.memory_space<semaphore_mem>>)
    %dma_start3A_95 = arith.constant 128 : i32
    %dma_start3A_96 = tpu.memref_slice %arg23[%dma_start3A_95] : memref<512xf32, #tpu.memory_space<vmem>> -> memref<128xf32, #tpu.memory_space<vmem>>
    %dma_start3A_97 = arith.constant 128 : i32
    %dma_start3A_98 = tpu.memref_slice %arg12[%dma_start3A_97] : memref<512xi32, #tpu.memory_space<vmem>> -> memref<128xi32, #tpu.memory_space<vmem>>
    %dma_start3A_99 = arith.constant 0 : i32
    %dma_start3A_100 = tpu.memref_slice %arg26[%dma_start3A_99] : memref<1024xf32, #tpu.memory_space<vmem_shared>> -> memref<1024xf32, #tpu.memory_space<vmem_shared>>
    tpu.enqueue_indirect_dma source(%dma_start3A_100 : memref<1024xf32, #tpu.memory_space<vmem_shared>>) target(%dma_start3A_96 : memref<128xf32, #tpu.memory_space<vmem>>) offsets(%dma_start3A_98 : memref<128xi32, #tpu.memory_space<vmem>>) semaphore(%arg31 : memref<!tpu.dma_semaphore, #tpu.memory_space<semaphore_mem>>)
    %dma_start3A_101 = arith.constant 256 : i32
    %dma_start3A_102 = tpu.memref_slice %arg23[%dma_start3A_101] : memref<512xf32, #tpu.memory_space<vmem>> -> memref<128xf32, #tpu.memory_space<vmem>>
    %dma_start3A_103 = arith.constant 256 : i32
    %dma_start3A_104 = tpu.memref_slice %arg12[%dma_start3A_103] : memref<512xi32, #tpu.memory_space<vmem>> -> memref<128xi32, #tpu.memory_space<vmem>>
    %dma_start3A_105 = arith.constant 0 : i32
    %dma_start3A_106 = tpu.memref_slice %arg26[%dma_start3A_105] : memref<1024xf32, #tpu.memory_space<vmem_shared>> -> memref<1024xf32, #tpu.memory_space<vmem_shared>>
    tpu.enqueue_indirect_dma source(%dma_start3A_106 : memref<1024xf32, #tpu.memory_space<vmem_shared>>) target(%dma_start3A_102 : memref<128xf32, #tpu.memory_space<vmem>>) offsets(%dma_start3A_104 : memref<128xi32, #tpu.memory_space<vmem>>) semaphore(%arg31 : memref<!tpu.dma_semaphore, #tpu.memory_space<semaphore_mem>>)
    %dma_start3A_107 = arith.constant 384 : i32
    %dma_start3A_108 = tpu.memref_slice %arg23[%dma_start3A_107] : memref<512xf32, #tpu.memory_space<vmem>> -> memref<128xf32, #tpu.memory_space<vmem>>
    %dma_start3A_109 = arith.constant 384 : i32
    %dma_start3A_110 = tpu.memref_slice %arg12[%dma_start3A_109] : memref<512xi32, #tpu.memory_space<vmem>> -> memref<128xi32, #tpu.memory_space<vmem>>
    %dma_start3A_111 = arith.constant 0 : i32
    %dma_start3A_112 = tpu.memref_slice %arg26[%dma_start3A_111] : memref<1024xf32, #tpu.memory_space<vmem_shared>> -> memref<1024xf32, #tpu.memory_space<vmem_shared>>
    tpu.enqueue_indirect_dma source(%dma_start3A_112 : memref<1024xf32, #tpu.memory_space<vmem_shared>>) target(%dma_start3A_108 : memref<128xf32, #tpu.memory_space<vmem>>) offsets(%dma_start3A_110 : memref<128xi32, #tpu.memory_space<vmem>>) semaphore(%arg31 : memref<!tpu.dma_semaphore, #tpu.memory_space<semaphore_mem>>)
    %get3A_113 = arith.constant 0 : index
    %get3A_114 = tpu.vector_load %arg21[%get3A_113] {strides = array<i32>} : memref<400xf32, #tpu.memory_space<vmem>>, vector<16xf32>,
    %get3A_115 = vector.shape_cast %get3A_114 : vector<16xf32> to vector<16xf32>
    %get3A_116 = arith.constant 16 : index
    %get3A_117 = tpu.vector_load %arg21[%get3A_116] {strides = array<i32>} : memref<400xf32, #tpu.memory_space<vmem>>, vector<16xf32>,
    %get3A_118 = vector.shape_cast %get3A_117 : vector<16xf32> to vector<16xf32>
    %get3A_119 = arith.constant 32 : index
    %get3A_120 = tpu.vector_load %arg21[%get3A_119] {strides = array<i32>} : memref<400xf32, #tpu.memory_space<vmem>>, vector<16xf32>,
    %get3A_121 = vector.shape_cast %get3A_120 : vector<16xf32> to vector<16xf32>
    %get3A_122 = arith.constant 48 : index
    %get3A_123 = tpu.vector_load %arg21[%get3A_122] {strides = array<i32>} : memref<400xf32, #tpu.memory_space<vmem>>, vector<16xf32>,
    %get3A_124 = vector.shape_cast %get3A_123 : vector<16xf32> to vector<16xf32>
    %get3A_125 = arith.constant 64 : index
    %get3A_126 = tpu.vector_load %arg21[%get3A_125] {strides = array<i32>} : memref<400xf32, #tpu.memory_space<vmem>>, vector<16xf32>,
    %get3A_127 = vector.shape_cast %get3A_126 : vector<16xf32> to vector<16xf32>
    %get3A_128 = arith.constant 80 : index
    %get3A_129 = tpu.vector_load %arg21[%get3A_128] {strides = array<i32>} : memref<400xf32, #tpu.memory_space<vmem>>, vector<16xf32>,
    %get3A_130 = vector.shape_cast %get3A_129 : vector<16xf32> to vector<16xf32>
    %get3A_131 = arith.constant 96 : index
    %get3A_132 = tpu.vector_load %arg21[%get3A_131] {strides = array<i32>} : memref<400xf32, #tpu.memory_space<vmem>>, vector<16xf32>,
    %get3A_133 = vector.shape_cast %get3A_132 : vector<16xf32> to vector<16xf32>
    %get3A_134 = arith.constant 112 : index
    %get3A_135 = tpu.vector_load %arg21[%get3A_134] {strides = array<i32>} : memref<400xf32, #tpu.memory_space<vmem>>, vector<16xf32>,
    %get3A_136 = vector.shape_cast %get3A_135 : vector<16xf32> to vector<16xf32>
    %get3A_137 = arith.constant 128 : index
    %get3A_138 = tpu.vector_load %arg21[%get3A_137] {strides = array<i32>} : memref<400xf32, #tpu.memory_space<vmem>>, vector<16xf32>,
    %get3A_139 = vector.shape_cast %get3A_138 : vector<16xf32> to vector<16xf32>
    %get3A_140 = arith.constant 144 : index
    %get3A_141 = tpu.vector_load %arg21[%get3A_140] {strides = array<i32>} : memref<400xf32, #tpu.memory_space<vmem>>, vector<16xf32>,
    %get3A_142 = vector.shape_cast %get3A_141 : vector<16xf32> to vector<16xf32>
    %get3A_143 = arith.constant 160 : index
    %get3A_144 = tpu.vector_load %arg21[%get3A_143] {strides = array<i32>} : memref<400xf32, #tpu.memory_space<vmem>>, vector<16xf32>,
    %get3A_145 = vector.shape_cast %get3A_144 : vector<16xf32> to vector<16xf32>
    %get3A_146 = arith.constant 176 : index
    %get3A_147 = tpu.vector_load %arg21[%get3A_146] {strides = array<i32>} : memref<400xf32, #tpu.memory_space<vmem>>, vector<16xf32>,
    %get3A_148 = vector.shape_cast %get3A_147 : vector<16xf32> to vector<16xf32>
    %get3A_149 = arith.constant 192 : index
    %get3A_150 = tpu.vector_load %arg21[%get3A_149] {strides = array<i32>} : memref<400xf32, #tpu.memory_space<vmem>>, vector<16xf32>,
    %get3A_151 = vector.shape_cast %get3A_150 : vector<16xf32> to vector<16xf32>
    %get3A_152 = arith.constant 208 : index
    %get3A_153 = tpu.vector_load %arg21[%get3A_152] {strides = array<i32>} : memref<400xf32, #tpu.memory_space<vmem>>, vector<16xf32>,
    %get3A_154 = vector.shape_cast %get3A_153 : vector<16xf32> to vector<16xf32>
    %get3A_155 = arith.constant 224 : index
    %get3A_156 = tpu.vector_load %arg21[%get3A_155] {strides = array<i32>} : memref<400xf32, #tpu.memory_space<vmem>>, vector<16xf32>,
    %get3A_157 = vector.shape_cast %get3A_156 : vector<16xf32> to vector<16xf32>
    %get3A_158 = arith.constant 240 : index
    %get3A_159 = tpu.vector_load %arg21[%get3A_158] {strides = array<i32>} : memref<400xf32, #tpu.memory_space<vmem>>, vector<16xf32>,
    %get3A_160 = vector.shape_cast %get3A_159 : vector<16xf32> to vector<16xf32>
    %dma_start3A_161 = arith.constant 384 : i32
    %dma_start3A_162 = tpu.memref_slice %arg10[%dma_start3A_161] : memref<512xi32, #tpu.memory_space<vmem>> -> memref<128xi32, #tpu.memory_space<vmem>>
    %dma_start3A_163 = arith.constant 0 : i32
    %dma_start3A_164 = arith.constant 0 : i32
    %dma_start3A_165 = tpu.memref_slice %arg5[%dma_start3A_163, %dma_start3A_164] : memref<1000000x128xf32, #tpu.memory_space<hbm>> -> memref<1000000x128xf32, #tpu.memory_space<hbm>>
    tpu.enqueue_indirect_dma source(%dma_start3A_165 : memref<1000000x128xf32, #tpu.memory_space<hbm>>) target(%arg16 : memref<128x128xf32, #tpu.memory_space<vmem>>) offsets(%dma_start3A_162 : memref<128xi32, #tpu.memory_space<vmem>>) semaphore(%arg30 : memref<!tpu.dma_semaphore, #tpu.memory_space<semaphore_mem>>)
    %dma_wait3A_166 = arith.constant 0 : i32
    %dma_wait3A_167 = tpu.memref_slice %arg10[%dma_wait3A_166] : memref<512xi32, #tpu.memory_space<vmem>> -> memref<128xi32, #tpu.memory_space<vmem>>
    %dma_wait3A_168 = arith.constant 0 : i32
    %dma_wait3A_169 = arith.constant 0 : i32
    %dma_wait3A_170 = tpu.memref_slice %arg5[%dma_wait3A_168, %dma_wait3A_169] : memref<1000000x128xf32, #tpu.memory_space<hbm>> -> memref<1000000x128xf32, #tpu.memory_space<hbm>>
    tpu.wait_indirect_dma semaphore(%arg27 : memref<!tpu.dma_semaphore, #tpu.memory_space<semaphore_mem>>) src(%dma_wait3A_170 : memref<1000000x128xf32, #tpu.memory_space<hbm>>) dst(%arg13 : memref<128x128xf32, #tpu.memory_space<vmem>>)
    %scan3A_171 = arith.constant 0 : i32
    %scan3A_172 = arith.constant 0 : i32
    %scan3A_173 = arith.constant 8 : i32
    %scan3A_174 = arith.addi %scan3A_172, %scan3A_173 : i32
    %scan3A_175 = arith.constant 1 : i32
    %scan3A_176 = scf.for %scan3A_316 = %scan3A_172 to %scan3A_174 step %scan3A_175 iter_args(%scan3A_317 = %scan3A_171) -> (i32)  : i32 {
      %broadcast_in_dim3A = arith.constant 0.000000e+00 : f32
      %broadcast_in_dim3A_318 = vector.broadcast %broadcast_in_dim3A : f32 to vector<16xf32>
      %scan3A_319 = arith.constant 0 : i32
      %scan3A_320 = arith.constant 16 : i32
      %scan3A_321 = arith.addi %scan3A_319, %scan3A_320 : i32
      %scan3A_322 = arith.constant 1 : i32
      %scan3A_323 = scf.for %scan3A_333 = %scan3A_319 to %scan3A_321 step %scan3A_322 iter_args(%scan3A_334 = %broadcast_in_dim3A_318) -> (vector<16xf32>)  : i32 {
        %mul3A_335 = arith.constant 16 : i32
        %mul3A_336 = arith.muli %scan3A_316, %mul3A_335 : i32
        %add3A_337 = arith.addi %mul3A_336, %scan3A_333 : i32
        %get3A_338 = arith.index_cast %add3A_337 : i32 to index
        %get3A_339 = arith.constant 0 : index
        %get3A_340 = tpu.vector_load %arg13[%get3A_338, %get3A_339] {strides = array<i32>} : memref<128x128xf32, #tpu.memory_space<vmem>>, vector<1x16xf32>,
        %get3A_341 = vector.shape_cast %get3A_340 : vector<1x16xf32> to vector<16xf32>
        %mul3A_342 = arith.mulf %get3A_341, %get3A_115 : vector<16xf32>
        %get3A_343 = arith.index_cast %add3A_337 : i32 to index
        %get3A_344 = arith.constant 16 : index
        %get3A_345 = tpu.vector_load %arg13[%get3A_343, %get3A_344] {strides = array<i32>} : memref<128x128xf32, #tpu.memory_space<vmem>>, vector<1x16xf32>,
        %get3A_346 = vector.shape_cast %get3A_345 : vector<1x16xf32> to vector<16xf32>
        %mul3A_347 = arith.mulf %get3A_346, %get3A_118 : vector<16xf32>
        %get3A_348 = arith.index_cast %add3A_337 : i32 to index
        %get3A_349 = arith.constant 32 : index
        %get3A_350 = tpu.vector_load %arg13[%get3A_348, %get3A_349] {strides = array<i32>} : memref<128x128xf32, #tpu.memory_space<vmem>>, vector<1x16xf32>,
        %get3A_351 = vector.shape_cast %get3A_350 : vector<1x16xf32> to vector<16xf32>
        %mul3A_352 = arith.mulf %get3A_351, %get3A_121 : vector<16xf32>
        %get3A_353 = arith.index_cast %add3A_337 : i32 to index
        %get3A_354 = arith.constant 48 : index
        %get3A_355 = tpu.vector_load %arg13[%get3A_353, %get3A_354] {strides = array<i32>} : memref<128x128xf32, #tpu.memory_space<vmem>>, vector<1x16xf32>,
        %get3A_356 = vector.shape_cast %get3A_355 : vector<1x16xf32> to vector<16xf32>
        %mul3A_357 = arith.mulf %get3A_356, %get3A_124 : vector<16xf32>
        %get3A_358 = arith.index_cast %add3A_337 : i32 to index
        %get3A_359 = arith.constant 64 : index
        %get3A_360 = tpu.vector_load %arg13[%get3A_358, %get3A_359] {strides = array<i32>} : memref<128x128xf32, #tpu.memory_space<vmem>>, vector<1x16xf32>,
        %get3A_361 = vector.shape_cast %get3A_360 : vector<1x16xf32> to vector<16xf32>
        %mul3A_362 = arith.mulf %get3A_361, %get3A_127 : vector<16xf32>
        %get3A_363 = arith.index_cast %add3A_337 : i32 to index
        %get3A_364 = arith.constant 80 : index
        %get3A_365 = tpu.vector_load %arg13[%get3A_363, %get3A_364] {strides = array<i32>} : memref<128x128xf32, #tpu.memory_space<vmem>>, vector<1x16xf32>,
        %get3A_366 = vector.shape_cast %get3A_365 : vector<1x16xf32> to vector<16xf32>
        %mul3A_367 = arith.mulf %get3A_366, %get3A_130 : vector<16xf32>
        %get3A_368 = arith.index_cast %add3A_337 : i32 to index
        %get3A_369 = arith.constant 96 : index
        %get3A_370 = tpu.vector_load %arg13[%get3A_368, %get3A_369] {strides = array<i32>} : memref<128x128xf32, #tpu.memory_space<vmem>>, vector<1x16xf32>,
        %get3A_371 = vector.shape_cast %get3A_370 : vector<1x16xf32> to vector<16xf32>
        %mul3A_372 = arith.mulf %get3A_371, %get3A_133 : vector<16xf32>
        %get3A_373 = arith.index_cast %add3A_337 : i32 to index
        %get3A_374 = arith.constant 112 : index
        %get3A_375 = tpu.vector_load %arg13[%get3A_373, %get3A_374] {strides = array<i32>} : memref<128x128xf32, #tpu.memory_space<vmem>>, vector<1x16xf32>,
        %get3A_376 = vector.shape_cast %get3A_375 : vector<1x16xf32> to vector<16xf32>
        %mul3A_377 = arith.mulf %get3A_376, %get3A_136 : vector<16xf32>
        %add3A_378 = arith.addf %mul3A_342, %mul3A_347 : vector<16xf32>
        %add3A_379 = arith.addf %mul3A_352, %mul3A_357 : vector<16xf32>
        %add3A_380 = arith.addf %mul3A_362, %mul3A_367 : vector<16xf32>
        %add3A_381 = arith.addf %mul3A_372, %mul3A_377 : vector<16xf32>
        %add3A_382 = arith.addf %add3A_378, %add3A_379 : vector<16xf32>
        %add3A_383 = arith.addf %add3A_380, %add3A_381 : vector<16xf32>
        %add3A_384 = arith.addf %add3A_382, %add3A_383 : vector<16xf32>
        %eq3A_385 = vector.broadcast %scan3A_333 : i32 to vector<16xi32>
        %eq3A_386 = arith.cmpi eq, %iota3A, %eq3A_385 : vector<16xi32>
        %xor3A = arith.constant 8 : i32
        %xor3A_387 = vector.broadcast %xor3A : i32 to vector<16xi32>
        %xor3A_388 = arith.xori %iota3A, %xor3A_387 : vector<16xi32>
        %lt3A_389 = arith.constant 0 : i32
        %lt3A_390 = vector.broadcast %lt3A_389 : i32 to vector<16xi32>
        %lt3A_391 = arith.cmpi slt, %xor3A_388, %lt3A_390 : vector<16xi32>
        %add3A_392 = arith.constant 16 : i32
        %add3A_393 = vector.broadcast %add3A_392 : i32 to vector<16xi32>
        %add3A_394 = arith.addi %xor3A_388, %add3A_393 : vector<16xi32>
        %select_n3A = arith.select %lt3A_391, %add3A_394, %xor3A_388 : vector<16xi1>, vector<16xi32>
        %broadcast_in_dim3A_395 = vector.shape_cast %select_n3A : vector<16xi32> to vector<16x1xi32>
        %gather3A = vector.shape_cast %broadcast_in_dim3A_395 : vector<16x1xi32> to vector<16xi32>
        %gather3A_396 = tpu.dynamic_gather %add3A_384[%gather3A] in [0] : vector<16xf32>, vector<16xi32> -> vector<16xf32>
        %add3A_397 = arith.addf %add3A_384, %gather3A_396 : vector<16xf32>
        %xor3A_398 = arith.constant 4 : i32
        %xor3A_399 = vector.broadcast %xor3A_398 : i32 to vector<16xi32>
        %xor3A_400 = arith.xori %iota3A, %xor3A_399 : vector<16xi32>
        %lt3A_401 = arith.constant 0 : i32
        %lt3A_402 = vector.broadcast %lt3A_401 : i32 to vector<16xi32>
        %lt3A_403 = arith.cmpi slt, %xor3A_400, %lt3A_402 : vector<16xi32>
        %add3A_404 = arith.constant 16 : i32
        %add3A_405 = vector.broadcast %add3A_404 : i32 to vector<16xi32>
        %add3A_406 = arith.addi %xor3A_400, %add3A_405 : vector<16xi32>
        %select_n3A_407 = arith.select %lt3A_403, %add3A_406, %xor3A_400 : vector<16xi1>, vector<16xi32>
        %broadcast_in_dim3A_408 = vector.shape_cast %select_n3A_407 : vector<16xi32> to vector<16x1xi32>
        %gather3A_409 = vector.shape_cast %broadcast_in_dim3A_408 : vector<16x1xi32> to vector<16xi32>
        %gather3A_410 = tpu.dynamic_gather %add3A_397[%gather3A_409] in [0] : vector<16xf32>, vector<16xi32> -> vector<16xf32>
        %add3A_411 = arith.addf %add3A_397, %gather3A_410 : vector<16xf32>
        %xor3A_412 = arith.constant 2 : i32
        %xor3A_413 = vector.broadcast %xor3A_412 : i32 to vector<16xi32>
        %xor3A_414 = arith.xori %iota3A, %xor3A_413 : vector<16xi32>
        %lt3A_415 = arith.constant 0 : i32
        %lt3A_416 = vector.broadcast %lt3A_415 : i32 to vector<16xi32>
        %lt3A_417 = arith.cmpi slt, %xor3A_414, %lt3A_416 : vector<16xi32>
        %add3A_418 = arith.constant 16 : i32
        %add3A_419 = vector.broadcast %add3A_418 : i32 to vector<16xi32>
        %add3A_420 = arith.addi %xor3A_414, %add3A_419 : vector<16xi32>
        %select_n3A_421 = arith.select %lt3A_417, %add3A_420, %xor3A_414 : vector<16xi1>, vector<16xi32>
        %broadcast_in_dim3A_422 = vector.shape_cast %select_n3A_421 : vector<16xi32> to vector<16x1xi32>
        %gather3A_423 = vector.shape_cast %broadcast_in_dim3A_422 : vector<16x1xi32> to vector<16xi32>
        %gather3A_424 = tpu.dynamic_gather %add3A_411[%gather3A_423] in [0] : vector<16xf32>, vector<16xi32> -> vector<16xf32>
        %add3A_425 = arith.addf %add3A_411, %gather3A_424 : vector<16xf32>
        %xor3A_426 = arith.constant 1 : i32
        %xor3A_427 = vector.broadcast %xor3A_426 : i32 to vector<16xi32>
        %xor3A_428 = arith.xori %iota3A, %xor3A_427 : vector<16xi32>
        %lt3A_429 = arith.constant 0 : i32
        %lt3A_430 = vector.broadcast %lt3A_429 : i32 to vector<16xi32>
        %lt3A_431 = arith.cmpi slt, %xor3A_428, %lt3A_430 : vector<16xi32>
        %add3A_432 = arith.constant 16 : i32
        %add3A_433 = vector.broadcast %add3A_432 : i32 to vector<16xi32>
        %add3A_434 = arith.addi %xor3A_428, %add3A_433 : vector<16xi32>
        %select_n3A_435 = arith.select %lt3A_431, %add3A_434, %xor3A_428 : vector<16xi1>, vector<16xi32>
        %broadcast_in_dim3A_436 = vector.shape_cast %select_n3A_435 : vector<16xi32> to vector<16x1xi32>
        %gather3A_437 = vector.shape_cast %broadcast_in_dim3A_436 : vector<16x1xi32> to vector<16xi32>
        %gather3A_438 = tpu.dynamic_gather %add3A_425[%gather3A_437] in [0] : vector<16xf32>, vector<16xi32> -> vector<16xf32>
        %add3A_439 = arith.addf %add3A_425, %gather3A_438 : vector<16xf32>
        %select_n3A_440 = arith.select %eq3A_386, %add3A_439, %scan3A_334 : vector<16xi1>, vector<16xf32>
        scf.yield %select_n3A_440 : vector<16xf32>
      }
      %scan3A_324 = arith.constant 16 : i32
      %mul3A_325 = arith.constant 16 : i32
      %mul3A_326 = arith.muli %scan3A_316, %mul3A_325 : i32
      %add3A_327 = arith.constant 0 : i32
      %add3A_328 = arith.addi %add3A_327, %mul3A_326 : i32
      %multiple_of3A = tpu.assume_multiple %add3A_328, 16 : i32
      %swap3A = arith.index_cast %multiple_of3A : i32 to index
      %swap3A_329 = tpu.vector_load %arg22[%swap3A] {strides = array<i32>} : memref<512xf32, #tpu.memory_space<vmem>>, vector<16xf32>,
      %swap3A_330 = vector.shape_cast %swap3A_329 : vector<16xf32> to vector<16xf32>
      %swap3A_331 = vector.shape_cast %scan3A_323 : vector<16xf32> to vector<16xf32>
      tpu.vector_store %arg22[%swap3A], %swap3A_331 {strides = array<i32>} : memref<512xf32, #tpu.memory_space<vmem>>, vector<16xf32>,
      %scan3A_332 = arith.constant 0 : i32
      scf.yield %scan3A_332 : i32
    }
    %scan3A_177 = arith.constant 8 : i32
    %dma_start3A_178 = arith.constant 0 : i32
    %dma_start3A_179 = tpu.memref_slice %arg11[%dma_start3A_178] : memref<512xi32, #tpu.memory_space<vmem>> -> memref<128xi32, #tpu.memory_space<vmem>>
    %dma_start3A_180 = arith.constant 0 : i32
    %dma_start3A_181 = arith.constant 0 : i32
    %dma_start3A_182 = tpu.memref_slice %arg6[%dma_start3A_180, %dma_start3A_181] : memref<100000x128xf32, #tpu.memory_space<hbm>> -> memref<100000x128xf32, #tpu.memory_space<hbm>>
    tpu.enqueue_indirect_dma source(%dma_start3A_182 : memref<100000x128xf32, #tpu.memory_space<hbm>>) target(%arg13 : memref<128x128xf32, #tpu.memory_space<vmem>>) offsets(%dma_start3A_179 : memref<128xi32, #tpu.memory_space<vmem>>) semaphore(%arg27 : memref<!tpu.dma_semaphore, #tpu.memory_space<semaphore_mem>>)
    %dma_wait3A_183 = arith.constant 128 : i32
    %dma_wait3A_184 = tpu.memref_slice %arg10[%dma_wait3A_183] : memref<512xi32, #tpu.memory_space<vmem>> -> memref<128xi32, #tpu.memory_space<vmem>>
    %dma_wait3A_185 = arith.constant 0 : i32
    %dma_wait3A_186 = arith.constant 0 : i32
    %dma_wait3A_187 = tpu.memref_slice %arg5[%dma_wait3A_185, %dma_wait3A_186] : memref<1000000x128xf32, #tpu.memory_space<hbm>> -> memref<1000000x128xf32, #tpu.memory_space<hbm>>
    tpu.wait_indirect_dma semaphore(%arg28 : memref<!tpu.dma_semaphore, #tpu.memory_space<semaphore_mem>>) src(%dma_wait3A_187 : memref<1000000x128xf32, #tpu.memory_space<hbm>>) dst(%arg14 : memref<128x128xf32, #tpu.memory_space<vmem>>)
    %scan3A_188 = arith.constant 0 : i32
    %scan3A_189 = arith.constant 0 : i32
    %scan3A_190 = arith.constant 8 : i32
    %scan3A_191 = arith.addi %scan3A_189, %scan3A_190 : i32
    %scan3A_192 = arith.constant 1 : i32
    %scan3A_193 = scf.for %scan3A_316 = %scan3A_189 to %scan3A_191 step %scan3A_192 iter_args(%scan3A_317 = %scan3A_188) -> (i32)  : i32 {
      %broadcast_in_dim3A = arith.constant 0.000000e+00 : f32
      %broadcast_in_dim3A_318 = vector.broadcast %broadcast_in_dim3A : f32 to vector<16xf32>
      %scan3A_319 = arith.constant 0 : i32
      %scan3A_320 = arith.constant 16 : i32
      %scan3A_321 = arith.addi %scan3A_319, %scan3A_320 : i32
      %scan3A_322 = arith.constant 1 : i32
      %scan3A_323 = scf.for %scan3A_333 = %scan3A_319 to %scan3A_321 step %scan3A_322 iter_args(%scan3A_334 = %broadcast_in_dim3A_318) -> (vector<16xf32>)  : i32 {
        %mul3A_335 = arith.constant 16 : i32
        %mul3A_336 = arith.muli %scan3A_316, %mul3A_335 : i32
        %add3A_337 = arith.addi %mul3A_336, %scan3A_333 : i32
        %get3A_338 = arith.index_cast %add3A_337 : i32 to index
        %get3A_339 = arith.constant 0 : index
        %get3A_340 = tpu.vector_load %arg14[%get3A_338, %get3A_339] {strides = array<i32>} : memref<128x128xf32, #tpu.memory_space<vmem>>, vector<1x16xf32>,
        %get3A_341 = vector.shape_cast %get3A_340 : vector<1x16xf32> to vector<16xf32>
        %mul3A_342 = arith.mulf %get3A_341, %get3A_115 : vector<16xf32>
        %get3A_343 = arith.index_cast %add3A_337 : i32 to index
        %get3A_344 = arith.constant 16 : index
        %get3A_345 = tpu.vector_load %arg14[%get3A_343, %get3A_344] {strides = array<i32>} : memref<128x128xf32, #tpu.memory_space<vmem>>, vector<1x16xf32>,
        %get3A_346 = vector.shape_cast %get3A_345 : vector<1x16xf32> to vector<16xf32>
        %mul3A_347 = arith.mulf %get3A_346, %get3A_118 : vector<16xf32>
        %get3A_348 = arith.index_cast %add3A_337 : i32 to index
        %get3A_349 = arith.constant 32 : index
        %get3A_350 = tpu.vector_load %arg14[%get3A_348, %get3A_349] {strides = array<i32>} : memref<128x128xf32, #tpu.memory_space<vmem>>, vector<1x16xf32>,
        %get3A_351 = vector.shape_cast %get3A_350 : vector<1x16xf32> to vector<16xf32>
        %mul3A_352 = arith.mulf %get3A_351, %get3A_121 : vector<16xf32>
        %get3A_353 = arith.index_cast %add3A_337 : i32 to index
        %get3A_354 = arith.constant 48 : index
        %get3A_355 = tpu.vector_load %arg14[%get3A_353, %get3A_354] {strides = array<i32>} : memref<128x128xf32, #tpu.memory_space<vmem>>, vector<1x16xf32>,
        %get3A_356 = vector.shape_cast %get3A_355 : vector<1x16xf32> to vector<16xf32>
        %mul3A_357 = arith.mulf %get3A_356, %get3A_124 : vector<16xf32>
        %get3A_358 = arith.index_cast %add3A_337 : i32 to index
        %get3A_359 = arith.constant 64 : index
        %get3A_360 = tpu.vector_load %arg14[%get3A_358, %get3A_359] {strides = array<i32>} : memref<128x128xf32, #tpu.memory_space<vmem>>, vector<1x16xf32>,
        %get3A_361 = vector.shape_cast %get3A_360 : vector<1x16xf32> to vector<16xf32>
        %mul3A_362 = arith.mulf %get3A_361, %get3A_127 : vector<16xf32>
        %get3A_363 = arith.index_cast %add3A_337 : i32 to index
        %get3A_364 = arith.constant 80 : index
        %get3A_365 = tpu.vector_load %arg14[%get3A_363, %get3A_364] {strides = array<i32>} : memref<128x128xf32, #tpu.memory_space<vmem>>, vector<1x16xf32>,
        %get3A_366 = vector.shape_cast %get3A_365 : vector<1x16xf32> to vector<16xf32>
        %mul3A_367 = arith.mulf %get3A_366, %get3A_130 : vector<16xf32>
        %get3A_368 = arith.index_cast %add3A_337 : i32 to index
        %get3A_369 = arith.constant 96 : index
        %get3A_370 = tpu.vector_load %arg14[%get3A_368, %get3A_369] {strides = array<i32>} : memref<128x128xf32, #tpu.memory_space<vmem>>, vector<1x16xf32>,
        %get3A_371 = vector.shape_cast %get3A_370 : vector<1x16xf32> to vector<16xf32>
        %mul3A_372 = arith.mulf %get3A_371, %get3A_133 : vector<16xf32>
        %get3A_373 = arith.index_cast %add3A_337 : i32 to index
        %get3A_374 = arith.constant 112 : index
        %get3A_375 = tpu.vector_load %arg14[%get3A_373, %get3A_374] {strides = array<i32>} : memref<128x128xf32, #tpu.memory_space<vmem>>, vector<1x16xf32>,
        %get3A_376 = vector.shape_cast %get3A_375 : vector<1x16xf32> to vector<16xf32>
        %mul3A_377 = arith.mulf %get3A_376, %get3A_136 : vector<16xf32>
        %add3A_378 = arith.addf %mul3A_342, %mul3A_347 : vector<16xf32>
        %add3A_379 = arith.addf %mul3A_352, %mul3A_357 : vector<16xf32>
        %add3A_380 = arith.addf %mul3A_362, %mul3A_367 : vector<16xf32>
        %add3A_381 = arith.addf %mul3A_372, %mul3A_377 : vector<16xf32>
        %add3A_382 = arith.addf %add3A_378, %add3A_379 : vector<16xf32>
        %add3A_383 = arith.addf %add3A_380, %add3A_381 : vector<16xf32>
        %add3A_384 = arith.addf %add3A_382, %add3A_383 : vector<16xf32>
        %eq3A_385 = vector.broadcast %scan3A_333 : i32 to vector<16xi32>
        %eq3A_386 = arith.cmpi eq, %iota3A, %eq3A_385 : vector<16xi32>
        %xor3A = arith.constant 8 : i32
        %xor3A_387 = vector.broadcast %xor3A : i32 to vector<16xi32>
        %xor3A_388 = arith.xori %iota3A, %xor3A_387 : vector<16xi32>
        %lt3A_389 = arith.constant 0 : i32
        %lt3A_390 = vector.broadcast %lt3A_389 : i32 to vector<16xi32>
        %lt3A_391 = arith.cmpi slt, %xor3A_388, %lt3A_390 : vector<16xi32>
        %add3A_392 = arith.constant 16 : i32
        %add3A_393 = vector.broadcast %add3A_392 : i32 to vector<16xi32>
        %add3A_394 = arith.addi %xor3A_388, %add3A_393 : vector<16xi32>
        %select_n3A = arith.select %lt3A_391, %add3A_394, %xor3A_388 : vector<16xi1>, vector<16xi32>
        %broadcast_in_dim3A_395 = vector.shape_cast %select_n3A : vector<16xi32> to vector<16x1xi32>
        %gather3A = vector.shape_cast %broadcast_in_dim3A_395 : vector<16x1xi32> to vector<16xi32>
        %gather3A_396 = tpu.dynamic_gather %add3A_384[%gather3A] in [0] : vector<16xf32>, vector<16xi32> -> vector<16xf32>
        %add3A_397 = arith.addf %add3A_384, %gather3A_396 : vector<16xf32>
        %xor3A_398 = arith.constant 4 : i32
        %xor3A_399 = vector.broadcast %xor3A_398 : i32 to vector<16xi32>
        %xor3A_400 = arith.xori %iota3A, %xor3A_399 : vector<16xi32>
        %lt3A_401 = arith.constant 0 : i32
        %lt3A_402 = vector.broadcast %lt3A_401 : i32 to vector<16xi32>
        %lt3A_403 = arith.cmpi slt, %xor3A_400, %lt3A_402 : vector<16xi32>
        %add3A_404 = arith.constant 16 : i32
        %add3A_405 = vector.broadcast %add3A_404 : i32 to vector<16xi32>
        %add3A_406 = arith.addi %xor3A_400, %add3A_405 : vector<16xi32>
        %select_n3A_407 = arith.select %lt3A_403, %add3A_406, %xor3A_400 : vector<16xi1>, vector<16xi32>
        %broadcast_in_dim3A_408 = vector.shape_cast %select_n3A_407 : vector<16xi32> to vector<16x1xi32>
        %gather3A_409 = vector.shape_cast %broadcast_in_dim3A_408 : vector<16x1xi32> to vector<16xi32>
        %gather3A_410 = tpu.dynamic_gather %add3A_397[%gather3A_409] in [0] : vector<16xf32>, vector<16xi32> -> vector<16xf32>
        %add3A_411 = arith.addf %add3A_397, %gather3A_410 : vector<16xf32>
        %xor3A_412 = arith.constant 2 : i32
        %xor3A_413 = vector.broadcast %xor3A_412 : i32 to vector<16xi32>
        %xor3A_414 = arith.xori %iota3A, %xor3A_413 : vector<16xi32>
        %lt3A_415 = arith.constant 0 : i32
        %lt3A_416 = vector.broadcast %lt3A_415 : i32 to vector<16xi32>
        %lt3A_417 = arith.cmpi slt, %xor3A_414, %lt3A_416 : vector<16xi32>
        %add3A_418 = arith.constant 16 : i32
        %add3A_419 = vector.broadcast %add3A_418 : i32 to vector<16xi32>
        %add3A_420 = arith.addi %xor3A_414, %add3A_419 : vector<16xi32>
        %select_n3A_421 = arith.select %lt3A_417, %add3A_420, %xor3A_414 : vector<16xi1>, vector<16xi32>
        %broadcast_in_dim3A_422 = vector.shape_cast %select_n3A_421 : vector<16xi32> to vector<16x1xi32>
        %gather3A_423 = vector.shape_cast %broadcast_in_dim3A_422 : vector<16x1xi32> to vector<16xi32>
        %gather3A_424 = tpu.dynamic_gather %add3A_411[%gather3A_423] in [0] : vector<16xf32>, vector<16xi32> -> vector<16xf32>
        %add3A_425 = arith.addf %add3A_411, %gather3A_424 : vector<16xf32>
        %xor3A_426 = arith.constant 1 : i32
        %xor3A_427 = vector.broadcast %xor3A_426 : i32 to vector<16xi32>
        %xor3A_428 = arith.xori %iota3A, %xor3A_427 : vector<16xi32>
        %lt3A_429 = arith.constant 0 : i32
        %lt3A_430 = vector.broadcast %lt3A_429 : i32 to vector<16xi32>
        %lt3A_431 = arith.cmpi slt, %xor3A_428, %lt3A_430 : vector<16xi32>
        %add3A_432 = arith.constant 16 : i32
        %add3A_433 = vector.broadcast %add3A_432 : i32 to vector<16xi32>
        %add3A_434 = arith.addi %xor3A_428, %add3A_433 : vector<16xi32>
        %select_n3A_435 = arith.select %lt3A_431, %add3A_434, %xor3A_428 : vector<16xi1>, vector<16xi32>
        %broadcast_in_dim3A_436 = vector.shape_cast %select_n3A_435 : vector<16xi32> to vector<16x1xi32>
        %gather3A_437 = vector.shape_cast %broadcast_in_dim3A_436 : vector<16x1xi32> to vector<16xi32>
        %gather3A_438 = tpu.dynamic_gather %add3A_425[%gather3A_437] in [0] : vector<16xf32>, vector<16xi32> -> vector<16xf32>
        %add3A_439 = arith.addf %add3A_425, %gather3A_438 : vector<16xf32>
        %select_n3A_440 = arith.select %eq3A_386, %add3A_439, %scan3A_334 : vector<16xi1>, vector<16xf32>
        scf.yield %select_n3A_440 : vector<16xf32>
      }
      %scan3A_324 = arith.constant 16 : i32
      %mul3A_325 = arith.constant 16 : i32
      %mul3A_326 = arith.muli %scan3A_316, %mul3A_325 : i32
      %add3A_327 = arith.constant 128 : i32
      %add3A_328 = arith.addi %add3A_327, %mul3A_326 : i32
      %multiple_of3A = tpu.assume_multiple %add3A_328, 16 : i32
      %swap3A = arith.index_cast %multiple_of3A : i32 to index
      %swap3A_329 = tpu.vector_load %arg22[%swap3A] {strides = array<i32>} : memref<512xf32, #tpu.memory_space<vmem>>, vector<16xf32>,
      %swap3A_330 = vector.shape_cast %swap3A_329 : vector<16xf32> to vector<16xf32>
      %swap3A_331 = vector.shape_cast %scan3A_323 : vector<16xf32> to vector<16xf32>
      tpu.vector_store %arg22[%swap3A], %swap3A_331 {strides = array<i32>} : memref<512xf32, #tpu.memory_space<vmem>>, vector<16xf32>,
      %scan3A_332 = arith.constant 0 : i32
      scf.yield %scan3A_332 : i32
    }
    %scan3A_194 = arith.constant 8 : i32
    %dma_start3A_195 = arith.constant 128 : i32
    %dma_start3A_196 = tpu.memref_slice %arg11[%dma_start3A_195] : memref<512xi32, #tpu.memory_space<vmem>> -> memref<128xi32, #tpu.memory_space<vmem>>
    %dma_start3A_197 = arith.constant 0 : i32
    %dma_start3A_198 = arith.constant 0 : i32
    %dma_start3A_199 = tpu.memref_slice %arg6[%dma_start3A_197, %dma_start3A_198] : memref<100000x128xf32, #tpu.memory_space<hbm>> -> memref<100000x128xf32, #tpu.memory_space<hbm>>
    tpu.enqueue_indirect_dma source(%dma_start3A_199 : memref<100000x128xf32, #tpu.memory_space<hbm>>) target(%arg14 : memref<128x128xf32, #tpu.memory_space<vmem>>) offsets(%dma_start3A_196 : memref<128xi32, #tpu.memory_space<vmem>>) semaphore(%arg28 : memref<!tpu.dma_semaphore, #tpu.memory_space<semaphore_mem>>)
    %dma_wait3A_200 = arith.constant 256 : i32
    %dma_wait3A_201 = tpu.memref_slice %arg10[%dma_wait3A_200] : memref<512xi32, #tpu.memory_space<vmem>> -> memref<128xi32, #tpu.memory_space<vmem>>
    %dma_wait3A_202 = arith.constant 0 : i32
    %dma_wait3A_203 = arith.constant 0 : i32
    %dma_wait3A_204 = tpu.memref_slice %arg5[%dma_wait3A_202, %dma_wait3A_203] : memref<1000000x128xf32, #tpu.memory_space<hbm>> -> memref<1000000x128xf32, #tpu.memory_space<hbm>>
    tpu.wait_indirect_dma semaphore(%arg29 : memref<!tpu.dma_semaphore, #tpu.memory_space<semaphore_mem>>) src(%dma_wait3A_204 : memref<1000000x128xf32, #tpu.memory_space<hbm>>) dst(%arg15 : memref<128x128xf32, #tpu.memory_space<vmem>>)
    %scan3A_205 = arith.constant 0 : i32
    %scan3A_206 = arith.constant 0 : i32
    %scan3A_207 = arith.constant 8 : i32
    %scan3A_208 = arith.addi %scan3A_206, %scan3A_207 : i32
    %scan3A_209 = arith.constant 1 : i32
    %scan3A_210 = scf.for %scan3A_316 = %scan3A_206 to %scan3A_208 step %scan3A_209 iter_args(%scan3A_317 = %scan3A_205) -> (i32)  : i32 {
      %broadcast_in_dim3A = arith.constant 0.000000e+00 : f32
      %broadcast_in_dim3A_318 = vector.broadcast %broadcast_in_dim3A : f32 to vector<16xf32>
      %scan3A_319 = arith.constant 0 : i32
      %scan3A_320 = arith.constant 16 : i32
      %scan3A_321 = arith.addi %scan3A_319, %scan3A_320 : i32
      %scan3A_322 = arith.constant 1 : i32
      %scan3A_323 = scf.for %scan3A_333 = %scan3A_319 to %scan3A_321 step %scan3A_322 iter_args(%scan3A_334 = %broadcast_in_dim3A_318) -> (vector<16xf32>)  : i32 {
        %mul3A_335 = arith.constant 16 : i32
        %mul3A_336 = arith.muli %scan3A_316, %mul3A_335 : i32
        %add3A_337 = arith.addi %mul3A_336, %scan3A_333 : i32
        %get3A_338 = arith.index_cast %add3A_337 : i32 to index
        %get3A_339 = arith.constant 0 : index
        %get3A_340 = tpu.vector_load %arg15[%get3A_338, %get3A_339] {strides = array<i32>} : memref<128x128xf32, #tpu.memory_space<vmem>>, vector<1x16xf32>,
        %get3A_341 = vector.shape_cast %get3A_340 : vector<1x16xf32> to vector<16xf32>
        %mul3A_342 = arith.mulf %get3A_341, %get3A_115 : vector<16xf32>
        %get3A_343 = arith.index_cast %add3A_337 : i32 to index
        %get3A_344 = arith.constant 16 : index
        %get3A_345 = tpu.vector_load %arg15[%get3A_343, %get3A_344] {strides = array<i32>} : memref<128x128xf32, #tpu.memory_space<vmem>>, vector<1x16xf32>,
        %get3A_346 = vector.shape_cast %get3A_345 : vector<1x16xf32> to vector<16xf32>
        %mul3A_347 = arith.mulf %get3A_346, %get3A_118 : vector<16xf32>
        %get3A_348 = arith.index_cast %add3A_337 : i32 to index
        %get3A_349 = arith.constant 32 : index
        %get3A_350 = tpu.vector_load %arg15[%get3A_348, %get3A_349] {strides = array<i32>} : memref<128x128xf32, #tpu.memory_space<vmem>>, vector<1x16xf32>,
        %get3A_351 = vector.shape_cast %get3A_350 : vector<1x16xf32> to vector<16xf32>
        %mul3A_352 = arith.mulf %get3A_351, %get3A_121 : vector<16xf32>
        %get3A_353 = arith.index_cast %add3A_337 : i32 to index
        %get3A_354 = arith.constant 48 : index
        %get3A_355 = tpu.vector_load %arg15[%get3A_353, %get3A_354] {strides = array<i32>} : memref<128x128xf32, #tpu.memory_space<vmem>>, vector<1x16xf32>,
        %get3A_356 = vector.shape_cast %get3A_355 : vector<1x16xf32> to vector<16xf32>
        %mul3A_357 = arith.mulf %get3A_356, %get3A_124 : vector<16xf32>
        %get3A_358 = arith.index_cast %add3A_337 : i32 to index
        %get3A_359 = arith.constant 64 : index
        %get3A_360 = tpu.vector_load %arg15[%get3A_358, %get3A_359] {strides = array<i32>} : memref<128x128xf32, #tpu.memory_space<vmem>>, vector<1x16xf32>,
        %get3A_361 = vector.shape_cast %get3A_360 : vector<1x16xf32> to vector<16xf32>
        %mul3A_362 = arith.mulf %get3A_361, %get3A_127 : vector<16xf32>
        %get3A_363 = arith.index_cast %add3A_337 : i32 to index
        %get3A_364 = arith.constant 80 : index
        %get3A_365 = tpu.vector_load %arg15[%get3A_363, %get3A_364] {strides = array<i32>} : memref<128x128xf32, #tpu.memory_space<vmem>>, vector<1x16xf32>,
        %get3A_366 = vector.shape_cast %get3A_365 : vector<1x16xf32> to vector<16xf32>
        %mul3A_367 = arith.mulf %get3A_366, %get3A_130 : vector<16xf32>
        %get3A_368 = arith.index_cast %add3A_337 : i32 to index
        %get3A_369 = arith.constant 96 : index
        %get3A_370 = tpu.vector_load %arg15[%get3A_368, %get3A_369] {strides = array<i32>} : memref<128x128xf32, #tpu.memory_space<vmem>>, vector<1x16xf32>,
        %get3A_371 = vector.shape_cast %get3A_370 : vector<1x16xf32> to vector<16xf32>
        %mul3A_372 = arith.mulf %get3A_371, %get3A_133 : vector<16xf32>
        %get3A_373 = arith.index_cast %add3A_337 : i32 to index
        %get3A_374 = arith.constant 112 : index
        %get3A_375 = tpu.vector_load %arg15[%get3A_373, %get3A_374] {strides = array<i32>} : memref<128x128xf32, #tpu.memory_space<vmem>>, vector<1x16xf32>,
        %get3A_376 = vector.shape_cast %get3A_375 : vector<1x16xf32> to vector<16xf32>
        %mul3A_377 = arith.mulf %get3A_376, %get3A_136 : vector<16xf32>
        %add3A_378 = arith.addf %mul3A_342, %mul3A_347 : vector<16xf32>
        %add3A_379 = arith.addf %mul3A_352, %mul3A_357 : vector<16xf32>
        %add3A_380 = arith.addf %mul3A_362, %mul3A_367 : vector<16xf32>
        %add3A_381 = arith.addf %mul3A_372, %mul3A_377 : vector<16xf32>
        %add3A_382 = arith.addf %add3A_378, %add3A_379 : vector<16xf32>
        %add3A_383 = arith.addf %add3A_380, %add3A_381 : vector<16xf32>
        %add3A_384 = arith.addf %add3A_382, %add3A_383 : vector<16xf32>
        %eq3A_385 = vector.broadcast %scan3A_333 : i32 to vector<16xi32>
        %eq3A_386 = arith.cmpi eq, %iota3A, %eq3A_385 : vector<16xi32>
        %xor3A = arith.constant 8 : i32
        %xor3A_387 = vector.broadcast %xor3A : i32 to vector<16xi32>
        %xor3A_388 = arith.xori %iota3A, %xor3A_387 : vector<16xi32>
        %lt3A_389 = arith.constant 0 : i32
        %lt3A_390 = vector.broadcast %lt3A_389 : i32 to vector<16xi32>
        %lt3A_391 = arith.cmpi slt, %xor3A_388, %lt3A_390 : vector<16xi32>
        %add3A_392 = arith.constant 16 : i32
        %add3A_393 = vector.broadcast %add3A_392 : i32 to vector<16xi32>
        %add3A_394 = arith.addi %xor3A_388, %add3A_393 : vector<16xi32>
        %select_n3A = arith.select %lt3A_391, %add3A_394, %xor3A_388 : vector<16xi1>, vector<16xi32>
        %broadcast_in_dim3A_395 = vector.shape_cast %select_n3A : vector<16xi32> to vector<16x1xi32>
        %gather3A = vector.shape_cast %broadcast_in_dim3A_395 : vector<16x1xi32> to vector<16xi32>
        %gather3A_396 = tpu.dynamic_gather %add3A_384[%gather3A] in [0] : vector<16xf32>, vector<16xi32> -> vector<16xf32>
        %add3A_397 = arith.addf %add3A_384, %gather3A_396 : vector<16xf32>
        %xor3A_398 = arith.constant 4 : i32
        %xor3A_399 = vector.broadcast %xor3A_398 : i32 to vector<16xi32>
        %xor3A_400 = arith.xori %iota3A, %xor3A_399 : vector<16xi32>
        %lt3A_401 = arith.constant 0 : i32
        %lt3A_402 = vector.broadcast %lt3A_401 : i32 to vector<16xi32>
        %lt3A_403 = arith.cmpi slt, %xor3A_400, %lt3A_402 : vector<16xi32>
        %add3A_404 = arith.constant 16 : i32
        %add3A_405 = vector.broadcast %add3A_404 : i32 to vector<16xi32>
        %add3A_406 = arith.addi %xor3A_400, %add3A_405 : vector<16xi32>
        %select_n3A_407 = arith.select %lt3A_403, %add3A_406, %xor3A_400 : vector<16xi1>, vector<16xi32>
        %broadcast_in_dim3A_408 = vector.shape_cast %select_n3A_407 : vector<16xi32> to vector<16x1xi32>
        %gather3A_409 = vector.shape_cast %broadcast_in_dim3A_408 : vector<16x1xi32> to vector<16xi32>
        %gather3A_410 = tpu.dynamic_gather %add3A_397[%gather3A_409] in [0] : vector<16xf32>, vector<16xi32> -> vector<16xf32>
        %add3A_411 = arith.addf %add3A_397, %gather3A_410 : vector<16xf32>
        %xor3A_412 = arith.constant 2 : i32
        %xor3A_413 = vector.broadcast %xor3A_412 : i32 to vector<16xi32>
        %xor3A_414 = arith.xori %iota3A, %xor3A_413 : vector<16xi32>
        %lt3A_415 = arith.constant 0 : i32
        %lt3A_416 = vector.broadcast %lt3A_415 : i32 to vector<16xi32>
        %lt3A_417 = arith.cmpi slt, %xor3A_414, %lt3A_416 : vector<16xi32>
        %add3A_418 = arith.constant 16 : i32
        %add3A_419 = vector.broadcast %add3A_418 : i32 to vector<16xi32>
        %add3A_420 = arith.addi %xor3A_414, %add3A_419 : vector<16xi32>
        %select_n3A_421 = arith.select %lt3A_417, %add3A_420, %xor3A_414 : vector<16xi1>, vector<16xi32>
        %broadcast_in_dim3A_422 = vector.shape_cast %select_n3A_421 : vector<16xi32> to vector<16x1xi32>
        %gather3A_423 = vector.shape_cast %broadcast_in_dim3A_422 : vector<16x1xi32> to vector<16xi32>
        %gather3A_424 = tpu.dynamic_gather %add3A_411[%gather3A_423] in [0] : vector<16xf32>, vector<16xi32> -> vector<16xf32>
        %add3A_425 = arith.addf %add3A_411, %gather3A_424 : vector<16xf32>
        %xor3A_426 = arith.constant 1 : i32
        %xor3A_427 = vector.broadcast %xor3A_426 : i32 to vector<16xi32>
        %xor3A_428 = arith.xori %iota3A, %xor3A_427 : vector<16xi32>
        %lt3A_429 = arith.constant 0 : i32
        %lt3A_430 = vector.broadcast %lt3A_429 : i32 to vector<16xi32>
        %lt3A_431 = arith.cmpi slt, %xor3A_428, %lt3A_430 : vector<16xi32>
        %add3A_432 = arith.constant 16 : i32
        %add3A_433 = vector.broadcast %add3A_432 : i32 to vector<16xi32>
        %add3A_434 = arith.addi %xor3A_428, %add3A_433 : vector<16xi32>
        %select_n3A_435 = arith.select %lt3A_431, %add3A_434, %xor3A_428 : vector<16xi1>, vector<16xi32>
        %broadcast_in_dim3A_436 = vector.shape_cast %select_n3A_435 : vector<16xi32> to vector<16x1xi32>
        %gather3A_437 = vector.shape_cast %broadcast_in_dim3A_436 : vector<16x1xi32> to vector<16xi32>
        %gather3A_438 = tpu.dynamic_gather %add3A_425[%gather3A_437] in [0] : vector<16xf32>, vector<16xi32> -> vector<16xf32>
        %add3A_439 = arith.addf %add3A_425, %gather3A_438 : vector<16xf32>
        %select_n3A_440 = arith.select %eq3A_386, %add3A_439, %scan3A_334 : vector<16xi1>, vector<16xf32>
        scf.yield %select_n3A_440 : vector<16xf32>
      }
      %scan3A_324 = arith.constant 16 : i32
      %mul3A_325 = arith.constant 16 : i32
      %mul3A_326 = arith.muli %scan3A_316, %mul3A_325 : i32
      %add3A_327 = arith.constant 256 : i32
      %add3A_328 = arith.addi %add3A_327, %mul3A_326 : i32
      %multiple_of3A = tpu.assume_multiple %add3A_328, 16 : i32
      %swap3A = arith.index_cast %multiple_of3A : i32 to index
      %swap3A_329 = tpu.vector_load %arg22[%swap3A] {strides = array<i32>} : memref<512xf32, #tpu.memory_space<vmem>>, vector<16xf32>,
      %swap3A_330 = vector.shape_cast %swap3A_329 : vector<16xf32> to vector<16xf32>
      %swap3A_331 = vector.shape_cast %scan3A_323 : vector<16xf32> to vector<16xf32>
      tpu.vector_store %arg22[%swap3A], %swap3A_331 {strides = array<i32>} : memref<512xf32, #tpu.memory_space<vmem>>, vector<16xf32>,
      %scan3A_332 = arith.constant 0 : i32
      scf.yield %scan3A_332 : i32
    }
    %scan3A_211 = arith.constant 8 : i32
    %dma_start3A_212 = arith.constant 256 : i32
    %dma_start3A_213 = tpu.memref_slice %arg11[%dma_start3A_212] : memref<512xi32, #tpu.memory_space<vmem>> -> memref<128xi32, #tpu.memory_space<vmem>>
    %dma_start3A_214 = arith.constant 0 : i32
    %dma_start3A_215 = arith.constant 0 : i32
    %dma_start3A_216 = tpu.memref_slice %arg6[%dma_start3A_214, %dma_start3A_215] : memref<100000x128xf32, #tpu.memory_space<hbm>> -> memref<100000x128xf32, #tpu.memory_space<hbm>>
    tpu.enqueue_indirect_dma source(%dma_start3A_216 : memref<100000x128xf32, #tpu.memory_space<hbm>>) target(%arg15 : memref<128x128xf32, #tpu.memory_space<vmem>>) offsets(%dma_start3A_213 : memref<128xi32, #tpu.memory_space<vmem>>) semaphore(%arg29 : memref<!tpu.dma_semaphore, #tpu.memory_space<semaphore_mem>>)
    %dma_wait3A_217 = arith.constant 384 : i32
    %dma_wait3A_218 = tpu.memref_slice %arg10[%dma_wait3A_217] : memref<512xi32, #tpu.memory_space<vmem>> -> memref<128xi32, #tpu.memory_space<vmem>>
    %dma_wait3A_219 = arith.constant 0 : i32
    %dma_wait3A_220 = arith.constant 0 : i32
    %dma_wait3A_221 = tpu.memref_slice %arg5[%dma_wait3A_219, %dma_wait3A_220] : memref<1000000x128xf32, #tpu.memory_space<hbm>> -> memref<1000000x128xf32, #tpu.memory_space<hbm>>
    tpu.wait_indirect_dma semaphore(%arg30 : memref<!tpu.dma_semaphore, #tpu.memory_space<semaphore_mem>>) src(%dma_wait3A_221 : memref<1000000x128xf32, #tpu.memory_space<hbm>>) dst(%arg16 : memref<128x128xf32, #tpu.memory_space<vmem>>)
    %scan3A_222 = arith.constant 0 : i32
    %scan3A_223 = arith.constant 0 : i32
    %scan3A_224 = arith.constant 8 : i32
    %scan3A_225 = arith.addi %scan3A_223, %scan3A_224 : i32
    %scan3A_226 = arith.constant 1 : i32
    %scan3A_227 = scf.for %scan3A_316 = %scan3A_223 to %scan3A_225 step %scan3A_226 iter_args(%scan3A_317 = %scan3A_222) -> (i32)  : i32 {
      %broadcast_in_dim3A = arith.constant 0.000000e+00 : f32
      %broadcast_in_dim3A_318 = vector.broadcast %broadcast_in_dim3A : f32 to vector<16xf32>
      %scan3A_319 = arith.constant 0 : i32
      %scan3A_320 = arith.constant 16 : i32
      %scan3A_321 = arith.addi %scan3A_319, %scan3A_320 : i32
      %scan3A_322 = arith.constant 1 : i32
      %scan3A_323 = scf.for %scan3A_333 = %scan3A_319 to %scan3A_321 step %scan3A_322 iter_args(%scan3A_334 = %broadcast_in_dim3A_318) -> (vector<16xf32>)  : i32 {
        %mul3A_335 = arith.constant 16 : i32
        %mul3A_336 = arith.muli %scan3A_316, %mul3A_335 : i32
        %add3A_337 = arith.addi %mul3A_336, %scan3A_333 : i32
        %get3A_338 = arith.index_cast %add3A_337 : i32 to index
        %get3A_339 = arith.constant 0 : index
        %get3A_340 = tpu.vector_load %arg16[%get3A_338, %get3A_339] {strides = array<i32>} : memref<128x128xf32, #tpu.memory_space<vmem>>, vector<1x16xf32>,
        %get3A_341 = vector.shape_cast %get3A_340 : vector<1x16xf32> to vector<16xf32>
        %mul3A_342 = arith.mulf %get3A_341, %get3A_115 : vector<16xf32>
        %get3A_343 = arith.index_cast %add3A_337 : i32 to index
        %get3A_344 = arith.constant 16 : index
        %get3A_345 = tpu.vector_load %arg16[%get3A_343, %get3A_344] {strides = array<i32>} : memref<128x128xf32, #tpu.memory_space<vmem>>, vector<1x16xf32>,
        %get3A_346 = vector.shape_cast %get3A_345 : vector<1x16xf32> to vector<16xf32>
        %mul3A_347 = arith.mulf %get3A_346, %get3A_118 : vector<16xf32>
        %get3A_348 = arith.index_cast %add3A_337 : i32 to index
        %get3A_349 = arith.constant 32 : index
        %get3A_350 = tpu.vector_load %arg16[%get3A_348, %get3A_349] {strides = array<i32>} : memref<128x128xf32, #tpu.memory_space<vmem>>, vector<1x16xf32>,
        %get3A_351 = vector.shape_cast %get3A_350 : vector<1x16xf32> to vector<16xf32>
        %mul3A_352 = arith.mulf %get3A_351, %get3A_121 : vector<16xf32>
        %get3A_353 = arith.index_cast %add3A_337 : i32 to index
        %get3A_354 = arith.constant 48 : index
        %get3A_355 = tpu.vector_load %arg16[%get3A_353, %get3A_354] {strides = array<i32>} : memref<128x128xf32, #tpu.memory_space<vmem>>, vector<1x16xf32>,
        %get3A_356 = vector.shape_cast %get3A_355 : vector<1x16xf32> to vector<16xf32>
        %mul3A_357 = arith.mulf %get3A_356, %get3A_124 : vector<16xf32>
        %get3A_358 = arith.index_cast %add3A_337 : i32 to index
        %get3A_359 = arith.constant 64 : index
        %get3A_360 = tpu.vector_load %arg16[%get3A_358, %get3A_359] {strides = array<i32>} : memref<128x128xf32, #tpu.memory_space<vmem>>, vector<1x16xf32>,
        %get3A_361 = vector.shape_cast %get3A_360 : vector<1x16xf32> to vector<16xf32>
        %mul3A_362 = arith.mulf %get3A_361, %get3A_127 : vector<16xf32>
        %get3A_363 = arith.index_cast %add3A_337 : i32 to index
        %get3A_364 = arith.constant 80 : index
        %get3A_365 = tpu.vector_load %arg16[%get3A_363, %get3A_364] {strides = array<i32>} : memref<128x128xf32, #tpu.memory_space<vmem>>, vector<1x16xf32>,
        %get3A_366 = vector.shape_cast %get3A_365 : vector<1x16xf32> to vector<16xf32>
        %mul3A_367 = arith.mulf %get3A_366, %get3A_130 : vector<16xf32>
        %get3A_368 = arith.index_cast %add3A_337 : i32 to index
        %get3A_369 = arith.constant 96 : index
        %get3A_370 = tpu.vector_load %arg16[%get3A_368, %get3A_369] {strides = array<i32>} : memref<128x128xf32, #tpu.memory_space<vmem>>, vector<1x16xf32>,
        %get3A_371 = vector.shape_cast %get3A_370 : vector<1x16xf32> to vector<16xf32>
        %mul3A_372 = arith.mulf %get3A_371, %get3A_133 : vector<16xf32>
        %get3A_373 = arith.index_cast %add3A_337 : i32 to index
        %get3A_374 = arith.constant 112 : index
        %get3A_375 = tpu.vector_load %arg16[%get3A_373, %get3A_374] {strides = array<i32>} : memref<128x128xf32, #tpu.memory_space<vmem>>, vector<1x16xf32>,
        %get3A_376 = vector.shape_cast %get3A_375 : vector<1x16xf32> to vector<16xf32>
        %mul3A_377 = arith.mulf %get3A_376, %get3A_136 : vector<16xf32>
        %add3A_378 = arith.addf %mul3A_342, %mul3A_347 : vector<16xf32>
        %add3A_379 = arith.addf %mul3A_352, %mul3A_357 : vector<16xf32>
        %add3A_380 = arith.addf %mul3A_362, %mul3A_367 : vector<16xf32>
        %add3A_381 = arith.addf %mul3A_372, %mul3A_377 : vector<16xf32>
        %add3A_382 = arith.addf %add3A_378, %add3A_379 : vector<16xf32>
        %add3A_383 = arith.addf %add3A_380, %add3A_381 : vector<16xf32>
        %add3A_384 = arith.addf %add3A_382, %add3A_383 : vector<16xf32>
        %eq3A_385 = vector.broadcast %scan3A_333 : i32 to vector<16xi32>
        %eq3A_386 = arith.cmpi eq, %iota3A, %eq3A_385 : vector<16xi32>
        %xor3A = arith.constant 8 : i32
        %xor3A_387 = vector.broadcast %xor3A : i32 to vector<16xi32>
        %xor3A_388 = arith.xori %iota3A, %xor3A_387 : vector<16xi32>
        %lt3A_389 = arith.constant 0 : i32
        %lt3A_390 = vector.broadcast %lt3A_389 : i32 to vector<16xi32>
        %lt3A_391 = arith.cmpi slt, %xor3A_388, %lt3A_390 : vector<16xi32>
        %add3A_392 = arith.constant 16 : i32
        %add3A_393 = vector.broadcast %add3A_392 : i32 to vector<16xi32>
        %add3A_394 = arith.addi %xor3A_388, %add3A_393 : vector<16xi32>
        %select_n3A = arith.select %lt3A_391, %add3A_394, %xor3A_388 : vector<16xi1>, vector<16xi32>
        %broadcast_in_dim3A_395 = vector.shape_cast %select_n3A : vector<16xi32> to vector<16x1xi32>
        %gather3A = vector.shape_cast %broadcast_in_dim3A_395 : vector<16x1xi32> to vector<16xi32>
        %gather3A_396 = tpu.dynamic_gather %add3A_384[%gather3A] in [0] : vector<16xf32>, vector<16xi32> -> vector<16xf32>
        %add3A_397 = arith.addf %add3A_384, %gather3A_396 : vector<16xf32>
        %xor3A_398 = arith.constant 4 : i32
        %xor3A_399 = vector.broadcast %xor3A_398 : i32 to vector<16xi32>
        %xor3A_400 = arith.xori %iota3A, %xor3A_399 : vector<16xi32>
        %lt3A_401 = arith.constant 0 : i32
        %lt3A_402 = vector.broadcast %lt3A_401 : i32 to vector<16xi32>
        %lt3A_403 = arith.cmpi slt, %xor3A_400, %lt3A_402 : vector<16xi32>
        %add3A_404 = arith.constant 16 : i32
        %add3A_405 = vector.broadcast %add3A_404 : i32 to vector<16xi32>
        %add3A_406 = arith.addi %xor3A_400, %add3A_405 : vector<16xi32>
        %select_n3A_407 = arith.select %lt3A_403, %add3A_406, %xor3A_400 : vector<16xi1>, vector<16xi32>
        %broadcast_in_dim3A_408 = vector.shape_cast %select_n3A_407 : vector<16xi32> to vector<16x1xi32>
        %gather3A_409 = vector.shape_cast %broadcast_in_dim3A_408 : vector<16x1xi32> to vector<16xi32>
        %gather3A_410 = tpu.dynamic_gather %add3A_397[%gather3A_409] in [0] : vector<16xf32>, vector<16xi32> -> vector<16xf32>
        %add3A_411 = arith.addf %add3A_397, %gather3A_410 : vector<16xf32>
        %xor3A_412 = arith.constant 2 : i32
        %xor3A_413 = vector.broadcast %xor3A_412 : i32 to vector<16xi32>
        %xor3A_414 = arith.xori %iota3A, %xor3A_413 : vector<16xi32>
        %lt3A_415 = arith.constant 0 : i32
        %lt3A_416 = vector.broadcast %lt3A_415 : i32 to vector<16xi32>
        %lt3A_417 = arith.cmpi slt, %xor3A_414, %lt3A_416 : vector<16xi32>
        %add3A_418 = arith.constant 16 : i32
        %add3A_419 = vector.broadcast %add3A_418 : i32 to vector<16xi32>
        %add3A_420 = arith.addi %xor3A_414, %add3A_419 : vector<16xi32>
        %select_n3A_421 = arith.select %lt3A_417, %add3A_420, %xor3A_414 : vector<16xi1>, vector<16xi32>
        %broadcast_in_dim3A_422 = vector.shape_cast %select_n3A_421 : vector<16xi32> to vector<16x1xi32>
        %gather3A_423 = vector.shape_cast %broadcast_in_dim3A_422 : vector<16x1xi32> to vector<16xi32>
        %gather3A_424 = tpu.dynamic_gather %add3A_411[%gather3A_423] in [0] : vector<16xf32>, vector<16xi32> -> vector<16xf32>
        %add3A_425 = arith.addf %add3A_411, %gather3A_424 : vector<16xf32>
        %xor3A_426 = arith.constant 1 : i32
        %xor3A_427 = vector.broadcast %xor3A_426 : i32 to vector<16xi32>
        %xor3A_428 = arith.xori %iota3A, %xor3A_427 : vector<16xi32>
        %lt3A_429 = arith.constant 0 : i32
        %lt3A_430 = vector.broadcast %lt3A_429 : i32 to vector<16xi32>
        %lt3A_431 = arith.cmpi slt, %xor3A_428, %lt3A_430 : vector<16xi32>
        %add3A_432 = arith.constant 16 : i32
        %add3A_433 = vector.broadcast %add3A_432 : i32 to vector<16xi32>
        %add3A_434 = arith.addi %xor3A_428, %add3A_433 : vector<16xi32>
        %select_n3A_435 = arith.select %lt3A_431, %add3A_434, %xor3A_428 : vector<16xi1>, vector<16xi32>
        %broadcast_in_dim3A_436 = vector.shape_cast %select_n3A_435 : vector<16xi32> to vector<16x1xi32>
        %gather3A_437 = vector.shape_cast %broadcast_in_dim3A_436 : vector<16x1xi32> to vector<16xi32>
        %gather3A_438 = tpu.dynamic_gather %add3A_425[%gather3A_437] in [0] : vector<16xf32>, vector<16xi32> -> vector<16xf32>
        %add3A_439 = arith.addf %add3A_425, %gather3A_438 : vector<16xf32>
        %select_n3A_440 = arith.select %eq3A_386, %add3A_439, %scan3A_334 : vector<16xi1>, vector<16xf32>
        scf.yield %select_n3A_440 : vector<16xf32>
      }
      %scan3A_324 = arith.constant 16 : i32
      %mul3A_325 = arith.constant 16 : i32
      %mul3A_326 = arith.muli %scan3A_316, %mul3A_325 : i32
      %add3A_327 = arith.constant 384 : i32
      %add3A_328 = arith.addi %add3A_327, %mul3A_326 : i32
      %multiple_of3A = tpu.assume_multiple %add3A_328, 16 : i32
      %swap3A = arith.index_cast %multiple_of3A : i32 to index
      %swap3A_329 = tpu.vector_load %arg22[%swap3A] {strides = array<i32>} : memref<512xf32, #tpu.memory_space<vmem>>, vector<16xf32>,
      %swap3A_330 = vector.shape_cast %swap3A_329 : vector<16xf32> to vector<16xf32>
      %swap3A_331 = vector.shape_cast %scan3A_323 : vector<16xf32> to vector<16xf32>
      tpu.vector_store %arg22[%swap3A], %swap3A_331 {strides = array<i32>} : memref<512xf32, #tpu.memory_space<vmem>>, vector<16xf32>,
      %scan3A_332 = arith.constant 0 : i32
      scf.yield %scan3A_332 : i32
    }
    %scan3A_228 = arith.constant 8 : i32
    %dma_start3A_229 = arith.constant 384 : i32
    %dma_start3A_230 = tpu.memref_slice %arg11[%dma_start3A_229] : memref<512xi32, #tpu.memory_space<vmem>> -> memref<128xi32, #tpu.memory_space<vmem>>
    %dma_start3A_231 = arith.constant 0 : i32
    %dma_start3A_232 = arith.constant 0 : i32
    %dma_start3A_233 = tpu.memref_slice %arg6[%dma_start3A_231, %dma_start3A_232] : memref<100000x128xf32, #tpu.memory_space<hbm>> -> memref<100000x128xf32, #tpu.memory_space<hbm>>
    tpu.enqueue_indirect_dma source(%dma_start3A_233 : memref<100000x128xf32, #tpu.memory_space<hbm>>) target(%arg16 : memref<128x128xf32, #tpu.memory_space<vmem>>) offsets(%dma_start3A_230 : memref<128xi32, #tpu.memory_space<vmem>>) semaphore(%arg30 : memref<!tpu.dma_semaphore, #tpu.memory_space<semaphore_mem>>)
    %dma_wait3A_234 = arith.constant 0 : i32
    %dma_wait3A_235 = tpu.memref_slice %arg11[%dma_wait3A_234] : memref<512xi32, #tpu.memory_space<vmem>> -> memref<128xi32, #tpu.memory_space<vmem>>
    %dma_wait3A_236 = arith.constant 0 : i32
    %dma_wait3A_237 = arith.constant 0 : i32
    %dma_wait3A_238 = tpu.memref_slice %arg6[%dma_wait3A_236, %dma_wait3A_237] : memref<100000x128xf32, #tpu.memory_space<hbm>> -> memref<100000x128xf32, #tpu.memory_space<hbm>>
    tpu.wait_indirect_dma semaphore(%arg27 : memref<!tpu.dma_semaphore, #tpu.memory_space<semaphore_mem>>) src(%dma_wait3A_238 : memref<100000x128xf32, #tpu.memory_space<hbm>>) dst(%arg13 : memref<128x128xf32, #tpu.memory_space<vmem>>)
    %scan3A_239 = arith.constant 0 : i32
    %scan3A_240 = arith.constant 0 : i32
    %scan3A_241 = arith.constant 8 : i32
    %scan3A_242 = arith.addi %scan3A_240, %scan3A_241 : i32
    %scan3A_243 = arith.constant 1 : i32
    %scan3A_244 = scf.for %scan3A_316 = %scan3A_240 to %scan3A_242 step %scan3A_243 iter_args(%scan3A_317 = %scan3A_239) -> (i32)  : i32 {
      %broadcast_in_dim3A = arith.constant 0.000000e+00 : f32
      %broadcast_in_dim3A_318 = vector.broadcast %broadcast_in_dim3A : f32 to vector<16xf32>
      %scan3A_319 = arith.constant 0 : i32
      %scan3A_320 = arith.constant 16 : i32
      %scan3A_321 = arith.addi %scan3A_319, %scan3A_320 : i32
      %scan3A_322 = arith.constant 1 : i32
      %scan3A_323 = scf.for %scan3A_337 = %scan3A_319 to %scan3A_321 step %scan3A_322 iter_args(%scan3A_338 = %broadcast_in_dim3A_318) -> (vector<16xf32>)  : i32 {
        %mul3A_339 = arith.constant 16 : i32
        %mul3A_340 = arith.muli %scan3A_316, %mul3A_339 : i32
        %add3A_341 = arith.addi %mul3A_340, %scan3A_337 : i32
        %get3A_342 = arith.index_cast %add3A_341 : i32 to index
        %get3A_343 = arith.constant 0 : index
        %get3A_344 = tpu.vector_load %arg13[%get3A_342, %get3A_343] {strides = array<i32>} : memref<128x128xf32, #tpu.memory_space<vmem>>, vector<1x16xf32>,
        %get3A_345 = vector.shape_cast %get3A_344 : vector<1x16xf32> to vector<16xf32>
        %mul3A_346 = arith.mulf %get3A_345, %get3A_139 : vector<16xf32>
        %get3A_347 = arith.index_cast %add3A_341 : i32 to index
        %get3A_348 = arith.constant 16 : index
        %get3A_349 = tpu.vector_load %arg13[%get3A_347, %get3A_348] {strides = array<i32>} : memref<128x128xf32, #tpu.memory_space<vmem>>, vector<1x16xf32>,
        %get3A_350 = vector.shape_cast %get3A_349 : vector<1x16xf32> to vector<16xf32>
        %mul3A_351 = arith.mulf %get3A_350, %get3A_142 : vector<16xf32>
        %get3A_352 = arith.index_cast %add3A_341 : i32 to index
        %get3A_353 = arith.constant 32 : index
        %get3A_354 = tpu.vector_load %arg13[%get3A_352, %get3A_353] {strides = array<i32>} : memref<128x128xf32, #tpu.memory_space<vmem>>, vector<1x16xf32>,
        %get3A_355 = vector.shape_cast %get3A_354 : vector<1x16xf32> to vector<16xf32>
        %mul3A_356 = arith.mulf %get3A_355, %get3A_145 : vector<16xf32>
        %get3A_357 = arith.index_cast %add3A_341 : i32 to index
        %get3A_358 = arith.constant 48 : index
        %get3A_359 = tpu.vector_load %arg13[%get3A_357, %get3A_358] {strides = array<i32>} : memref<128x128xf32, #tpu.memory_space<vmem>>, vector<1x16xf32>,
        %get3A_360 = vector.shape_cast %get3A_359 : vector<1x16xf32> to vector<16xf32>
        %mul3A_361 = arith.mulf %get3A_360, %get3A_148 : vector<16xf32>
        %get3A_362 = arith.index_cast %add3A_341 : i32 to index
        %get3A_363 = arith.constant 64 : index
        %get3A_364 = tpu.vector_load %arg13[%get3A_362, %get3A_363] {strides = array<i32>} : memref<128x128xf32, #tpu.memory_space<vmem>>, vector<1x16xf32>,
        %get3A_365 = vector.shape_cast %get3A_364 : vector<1x16xf32> to vector<16xf32>
        %mul3A_366 = arith.mulf %get3A_365, %get3A_151 : vector<16xf32>
        %get3A_367 = arith.index_cast %add3A_341 : i32 to index
        %get3A_368 = arith.constant 80 : index
        %get3A_369 = tpu.vector_load %arg13[%get3A_367, %get3A_368] {strides = array<i32>} : memref<128x128xf32, #tpu.memory_space<vmem>>, vector<1x16xf32>,
        %get3A_370 = vector.shape_cast %get3A_369 : vector<1x16xf32> to vector<16xf32>
        %mul3A_371 = arith.mulf %get3A_370, %get3A_154 : vector<16xf32>
        %get3A_372 = arith.index_cast %add3A_341 : i32 to index
        %get3A_373 = arith.constant 96 : index
        %get3A_374 = tpu.vector_load %arg13[%get3A_372, %get3A_373] {strides = array<i32>} : memref<128x128xf32, #tpu.memory_space<vmem>>, vector<1x16xf32>,
        %get3A_375 = vector.shape_cast %get3A_374 : vector<1x16xf32> to vector<16xf32>
        %mul3A_376 = arith.mulf %get3A_375, %get3A_157 : vector<16xf32>
        %get3A_377 = arith.index_cast %add3A_341 : i32 to index
        %get3A_378 = arith.constant 112 : index
        %get3A_379 = tpu.vector_load %arg13[%get3A_377, %get3A_378] {strides = array<i32>} : memref<128x128xf32, #tpu.memory_space<vmem>>, vector<1x16xf32>,
        %get3A_380 = vector.shape_cast %get3A_379 : vector<1x16xf32> to vector<16xf32>
        %mul3A_381 = arith.mulf %get3A_380, %get3A_160 : vector<16xf32>
        %add3A_382 = arith.addf %mul3A_346, %mul3A_351 : vector<16xf32>
        %add3A_383 = arith.addf %mul3A_356, %mul3A_361 : vector<16xf32>
        %add3A_384 = arith.addf %mul3A_366, %mul3A_371 : vector<16xf32>
        %add3A_385 = arith.addf %mul3A_376, %mul3A_381 : vector<16xf32>
        %add3A_386 = arith.addf %add3A_382, %add3A_383 : vector<16xf32>
        %add3A_387 = arith.addf %add3A_384, %add3A_385 : vector<16xf32>
        %add3A_388 = arith.addf %add3A_386, %add3A_387 : vector<16xf32>
        %eq3A_389 = vector.broadcast %scan3A_337 : i32 to vector<16xi32>
        %eq3A_390 = arith.cmpi eq, %iota3A, %eq3A_389 : vector<16xi32>
        %xor3A = arith.constant 8 : i32
        %xor3A_391 = vector.broadcast %xor3A : i32 to vector<16xi32>
        %xor3A_392 = arith.xori %iota3A, %xor3A_391 : vector<16xi32>
        %lt3A_393 = arith.constant 0 : i32
        %lt3A_394 = vector.broadcast %lt3A_393 : i32 to vector<16xi32>
        %lt3A_395 = arith.cmpi slt, %xor3A_392, %lt3A_394 : vector<16xi32>
        %add3A_396 = arith.constant 16 : i32
        %add3A_397 = vector.broadcast %add3A_396 : i32 to vector<16xi32>
        %add3A_398 = arith.addi %xor3A_392, %add3A_397 : vector<16xi32>
        %select_n3A = arith.select %lt3A_395, %add3A_398, %xor3A_392 : vector<16xi1>, vector<16xi32>
        %broadcast_in_dim3A_399 = vector.shape_cast %select_n3A : vector<16xi32> to vector<16x1xi32>
        %gather3A = vector.shape_cast %broadcast_in_dim3A_399 : vector<16x1xi32> to vector<16xi32>
        %gather3A_400 = tpu.dynamic_gather %add3A_388[%gather3A] in [0] : vector<16xf32>, vector<16xi32> -> vector<16xf32>
        %add3A_401 = arith.addf %add3A_388, %gather3A_400 : vector<16xf32>
        %xor3A_402 = arith.constant 4 : i32
        %xor3A_403 = vector.broadcast %xor3A_402 : i32 to vector<16xi32>
        %xor3A_404 = arith.xori %iota3A, %xor3A_403 : vector<16xi32>
        %lt3A_405 = arith.constant 0 : i32
        %lt3A_406 = vector.broadcast %lt3A_405 : i32 to vector<16xi32>
        %lt3A_407 = arith.cmpi slt, %xor3A_404, %lt3A_406 : vector<16xi32>
        %add3A_408 = arith.constant 16 : i32
        %add3A_409 = vector.broadcast %add3A_408 : i32 to vector<16xi32>
        %add3A_410 = arith.addi %xor3A_404, %add3A_409 : vector<16xi32>
        %select_n3A_411 = arith.select %lt3A_407, %add3A_410, %xor3A_404 : vector<16xi1>, vector<16xi32>
        %broadcast_in_dim3A_412 = vector.shape_cast %select_n3A_411 : vector<16xi32> to vector<16x1xi32>
        %gather3A_413 = vector.shape_cast %broadcast_in_dim3A_412 : vector<16x1xi32> to vector<16xi32>
        %gather3A_414 = tpu.dynamic_gather %add3A_401[%gather3A_413] in [0] : vector<16xf32>, vector<16xi32> -> vector<16xf32>
        %add3A_415 = arith.addf %add3A_401, %gather3A_414 : vector<16xf32>
        %xor3A_416 = arith.constant 2 : i32
        %xor3A_417 = vector.broadcast %xor3A_416 : i32 to vector<16xi32>
        %xor3A_418 = arith.xori %iota3A, %xor3A_417 : vector<16xi32>
        %lt3A_419 = arith.constant 0 : i32
        %lt3A_420 = vector.broadcast %lt3A_419 : i32 to vector<16xi32>
        %lt3A_421 = arith.cmpi slt, %xor3A_418, %lt3A_420 : vector<16xi32>
        %add3A_422 = arith.constant 16 : i32
        %add3A_423 = vector.broadcast %add3A_422 : i32 to vector<16xi32>
        %add3A_424 = arith.addi %xor3A_418, %add3A_423 : vector<16xi32>
        %select_n3A_425 = arith.select %lt3A_421, %add3A_424, %xor3A_418 : vector<16xi1>, vector<16xi32>
        %broadcast_in_dim3A_426 = vector.shape_cast %select_n3A_425 : vector<16xi32> to vector<16x1xi32>
        %gather3A_427 = vector.shape_cast %broadcast_in_dim3A_426 : vector<16x1xi32> to vector<16xi32>
        %gather3A_428 = tpu.dynamic_gather %add3A_415[%gather3A_427] in [0] : vector<16xf32>, vector<16xi32> -> vector<16xf32>
        %add3A_429 = arith.addf %add3A_415, %gather3A_428 : vector<16xf32>
        %xor3A_430 = arith.constant 1 : i32
        %xor3A_431 = vector.broadcast %xor3A_430 : i32 to vector<16xi32>
        %xor3A_432 = arith.xori %iota3A, %xor3A_431 : vector<16xi32>
        %lt3A_433 = arith.constant 0 : i32
        %lt3A_434 = vector.broadcast %lt3A_433 : i32 to vector<16xi32>
        %lt3A_435 = arith.cmpi slt, %xor3A_432, %lt3A_434 : vector<16xi32>
        %add3A_436 = arith.constant 16 : i32
        %add3A_437 = vector.broadcast %add3A_436 : i32 to vector<16xi32>
        %add3A_438 = arith.addi %xor3A_432, %add3A_437 : vector<16xi32>
        %select_n3A_439 = arith.select %lt3A_435, %add3A_438, %xor3A_432 : vector<16xi1>, vector<16xi32>
        %broadcast_in_dim3A_440 = vector.shape_cast %select_n3A_439 : vector<16xi32> to vector<16x1xi32>
        %gather3A_441 = vector.shape_cast %broadcast_in_dim3A_440 : vector<16x1xi32> to vector<16xi32>
        %gather3A_442 = tpu.dynamic_gather %add3A_429[%gather3A_441] in [0] : vector<16xf32>, vector<16xi32> -> vector<16xf32>
        %add3A_443 = arith.addf %add3A_429, %gather3A_442 : vector<16xf32>
        %select_n3A_444 = arith.select %eq3A_390, %add3A_443, %scan3A_338 : vector<16xi1>, vector<16xf32>
        scf.yield %select_n3A_444 : vector<16xf32>
      }
      %scan3A_324 = arith.constant 16 : i32
      %mul3A_325 = arith.constant 16 : i32
      %mul3A_326 = arith.muli %scan3A_316, %mul3A_325 : i32
      %add3A_327 = arith.constant 0 : i32
      %add3A_328 = arith.addi %add3A_327, %mul3A_326 : i32
      %multiple_of3A = tpu.assume_multiple %add3A_328, 16 : i32
      %get3A_329 = arith.index_cast %multiple_of3A : i32 to index
      %get3A_330 = tpu.vector_load %arg22[%get3A_329] {strides = array<i32>} : memref<512xf32, #tpu.memory_space<vmem>>, vector<16xf32>,
      %get3A_331 = vector.shape_cast %get3A_330 : vector<16xf32> to vector<16xf32>
      %add3A_332 = arith.addf %get3A_331, %scan3A_323 : vector<16xf32>
      %swap3A = arith.index_cast %multiple_of3A : i32 to index
      %swap3A_333 = tpu.vector_load %arg22[%swap3A] {strides = array<i32>} : memref<512xf32, #tpu.memory_space<vmem>>, vector<16xf32>,
      %swap3A_334 = vector.shape_cast %swap3A_333 : vector<16xf32> to vector<16xf32>
      %swap3A_335 = vector.shape_cast %add3A_332 : vector<16xf32> to vector<16xf32>
      tpu.vector_store %arg22[%swap3A], %swap3A_335 {strides = array<i32>} : memref<512xf32, #tpu.memory_space<vmem>>, vector<16xf32>,
      %scan3A_336 = arith.constant 0 : i32
      scf.yield %scan3A_336 : i32
    }
    %scan3A_245 = arith.constant 8 : i32
    %dma_wait3A_246 = arith.constant 128 : i32
    %dma_wait3A_247 = tpu.memref_slice %arg11[%dma_wait3A_246] : memref<512xi32, #tpu.memory_space<vmem>> -> memref<128xi32, #tpu.memory_space<vmem>>
    %dma_wait3A_248 = arith.constant 0 : i32
    %dma_wait3A_249 = arith.constant 0 : i32
    %dma_wait3A_250 = tpu.memref_slice %arg6[%dma_wait3A_248, %dma_wait3A_249] : memref<100000x128xf32, #tpu.memory_space<hbm>> -> memref<100000x128xf32, #tpu.memory_space<hbm>>
    tpu.wait_indirect_dma semaphore(%arg28 : memref<!tpu.dma_semaphore, #tpu.memory_space<semaphore_mem>>) src(%dma_wait3A_250 : memref<100000x128xf32, #tpu.memory_space<hbm>>) dst(%arg14 : memref<128x128xf32, #tpu.memory_space<vmem>>)
    %scan3A_251 = arith.constant 0 : i32
    %scan3A_252 = arith.constant 0 : i32
    %scan3A_253 = arith.constant 8 : i32
    %scan3A_254 = arith.addi %scan3A_252, %scan3A_253 : i32
    %scan3A_255 = arith.constant 1 : i32
    %scan3A_256 = scf.for %scan3A_316 = %scan3A_252 to %scan3A_254 step %scan3A_255 iter_args(%scan3A_317 = %scan3A_251) -> (i32)  : i32 {
      %broadcast_in_dim3A = arith.constant 0.000000e+00 : f32
      %broadcast_in_dim3A_318 = vector.broadcast %broadcast_in_dim3A : f32 to vector<16xf32>
      %scan3A_319 = arith.constant 0 : i32
      %scan3A_320 = arith.constant 16 : i32
      %scan3A_321 = arith.addi %scan3A_319, %scan3A_320 : i32
      %scan3A_322 = arith.constant 1 : i32
      %scan3A_323 = scf.for %scan3A_337 = %scan3A_319 to %scan3A_321 step %scan3A_322 iter_args(%scan3A_338 = %broadcast_in_dim3A_318) -> (vector<16xf32>)  : i32 {
        %mul3A_339 = arith.constant 16 : i32
        %mul3A_340 = arith.muli %scan3A_316, %mul3A_339 : i32
        %add3A_341 = arith.addi %mul3A_340, %scan3A_337 : i32
        %get3A_342 = arith.index_cast %add3A_341 : i32 to index
        %get3A_343 = arith.constant 0 : index
        %get3A_344 = tpu.vector_load %arg14[%get3A_342, %get3A_343] {strides = array<i32>} : memref<128x128xf32, #tpu.memory_space<vmem>>, vector<1x16xf32>,
        %get3A_345 = vector.shape_cast %get3A_344 : vector<1x16xf32> to vector<16xf32>
        %mul3A_346 = arith.mulf %get3A_345, %get3A_139 : vector<16xf32>
        %get3A_347 = arith.index_cast %add3A_341 : i32 to index
        %get3A_348 = arith.constant 16 : index
        %get3A_349 = tpu.vector_load %arg14[%get3A_347, %get3A_348] {strides = array<i32>} : memref<128x128xf32, #tpu.memory_space<vmem>>, vector<1x16xf32>,
        %get3A_350 = vector.shape_cast %get3A_349 : vector<1x16xf32> to vector<16xf32>
        %mul3A_351 = arith.mulf %get3A_350, %get3A_142 : vector<16xf32>
        %get3A_352 = arith.index_cast %add3A_341 : i32 to index
        %get3A_353 = arith.constant 32 : index
        %get3A_354 = tpu.vector_load %arg14[%get3A_352, %get3A_353] {strides = array<i32>} : memref<128x128xf32, #tpu.memory_space<vmem>>, vector<1x16xf32>,
        %get3A_355 = vector.shape_cast %get3A_354 : vector<1x16xf32> to vector<16xf32>
        %mul3A_356 = arith.mulf %get3A_355, %get3A_145 : vector<16xf32>
        %get3A_357 = arith.index_cast %add3A_341 : i32 to index
        %get3A_358 = arith.constant 48 : index
        %get3A_359 = tpu.vector_load %arg14[%get3A_357, %get3A_358] {strides = array<i32>} : memref<128x128xf32, #tpu.memory_space<vmem>>, vector<1x16xf32>,
        %get3A_360 = vector.shape_cast %get3A_359 : vector<1x16xf32> to vector<16xf32>
        %mul3A_361 = arith.mulf %get3A_360, %get3A_148 : vector<16xf32>
        %get3A_362 = arith.index_cast %add3A_341 : i32 to index
        %get3A_363 = arith.constant 64 : index
        %get3A_364 = tpu.vector_load %arg14[%get3A_362, %get3A_363] {strides = array<i32>} : memref<128x128xf32, #tpu.memory_space<vmem>>, vector<1x16xf32>,
        %get3A_365 = vector.shape_cast %get3A_364 : vector<1x16xf32> to vector<16xf32>
        %mul3A_366 = arith.mulf %get3A_365, %get3A_151 : vector<16xf32>
        %get3A_367 = arith.index_cast %add3A_341 : i32 to index
        %get3A_368 = arith.constant 80 : index
        %get3A_369 = tpu.vector_load %arg14[%get3A_367, %get3A_368] {strides = array<i32>} : memref<128x128xf32, #tpu.memory_space<vmem>>, vector<1x16xf32>,
        %get3A_370 = vector.shape_cast %get3A_369 : vector<1x16xf32> to vector<16xf32>
        %mul3A_371 = arith.mulf %get3A_370, %get3A_154 : vector<16xf32>
        %get3A_372 = arith.index_cast %add3A_341 : i32 to index
        %get3A_373 = arith.constant 96 : index
        %get3A_374 = tpu.vector_load %arg14[%get3A_372, %get3A_373] {strides = array<i32>} : memref<128x128xf32, #tpu.memory_space<vmem>>, vector<1x16xf32>,
        %get3A_375 = vector.shape_cast %get3A_374 : vector<1x16xf32> to vector<16xf32>
        %mul3A_376 = arith.mulf %get3A_375, %get3A_157 : vector<16xf32>
        %get3A_377 = arith.index_cast %add3A_341 : i32 to index
        %get3A_378 = arith.constant 112 : index
        %get3A_379 = tpu.vector_load %arg14[%get3A_377, %get3A_378] {strides = array<i32>} : memref<128x128xf32, #tpu.memory_space<vmem>>, vector<1x16xf32>,
        %get3A_380 = vector.shape_cast %get3A_379 : vector<1x16xf32> to vector<16xf32>
        %mul3A_381 = arith.mulf %get3A_380, %get3A_160 : vector<16xf32>
        %add3A_382 = arith.addf %mul3A_346, %mul3A_351 : vector<16xf32>
        %add3A_383 = arith.addf %mul3A_356, %mul3A_361 : vector<16xf32>
        %add3A_384 = arith.addf %mul3A_366, %mul3A_371 : vector<16xf32>
        %add3A_385 = arith.addf %mul3A_376, %mul3A_381 : vector<16xf32>
        %add3A_386 = arith.addf %add3A_382, %add3A_383 : vector<16xf32>
        %add3A_387 = arith.addf %add3A_384, %add3A_385 : vector<16xf32>
        %add3A_388 = arith.addf %add3A_386, %add3A_387 : vector<16xf32>
        %eq3A_389 = vector.broadcast %scan3A_337 : i32 to vector<16xi32>
        %eq3A_390 = arith.cmpi eq, %iota3A, %eq3A_389 : vector<16xi32>
        %xor3A = arith.constant 8 : i32
        %xor3A_391 = vector.broadcast %xor3A : i32 to vector<16xi32>
        %xor3A_392 = arith.xori %iota3A, %xor3A_391 : vector<16xi32>
        %lt3A_393 = arith.constant 0 : i32
        %lt3A_394 = vector.broadcast %lt3A_393 : i32 to vector<16xi32>
        %lt3A_395 = arith.cmpi slt, %xor3A_392, %lt3A_394 : vector<16xi32>
        %add3A_396 = arith.constant 16 : i32
        %add3A_397 = vector.broadcast %add3A_396 : i32 to vector<16xi32>
        %add3A_398 = arith.addi %xor3A_392, %add3A_397 : vector<16xi32>
        %select_n3A = arith.select %lt3A_395, %add3A_398, %xor3A_392 : vector<16xi1>, vector<16xi32>
        %broadcast_in_dim3A_399 = vector.shape_cast %select_n3A : vector<16xi32> to vector<16x1xi32>
        %gather3A = vector.shape_cast %broadcast_in_dim3A_399 : vector<16x1xi32> to vector<16xi32>
        %gather3A_400 = tpu.dynamic_gather %add3A_388[%gather3A] in [0] : vector<16xf32>, vector<16xi32> -> vector<16xf32>
        %add3A_401 = arith.addf %add3A_388, %gather3A_400 : vector<16xf32>
        %xor3A_402 = arith.constant 4 : i32
        %xor3A_403 = vector.broadcast %xor3A_402 : i32 to vector<16xi32>
        %xor3A_404 = arith.xori %iota3A, %xor3A_403 : vector<16xi32>
        %lt3A_405 = arith.constant 0 : i32
        %lt3A_406 = vector.broadcast %lt3A_405 : i32 to vector<16xi32>
        %lt3A_407 = arith.cmpi slt, %xor3A_404, %lt3A_406 : vector<16xi32>
        %add3A_408 = arith.constant 16 : i32
        %add3A_409 = vector.broadcast %add3A_408 : i32 to vector<16xi32>
        %add3A_410 = arith.addi %xor3A_404, %add3A_409 : vector<16xi32>
        %select_n3A_411 = arith.select %lt3A_407, %add3A_410, %xor3A_404 : vector<16xi1>, vector<16xi32>
        %broadcast_in_dim3A_412 = vector.shape_cast %select_n3A_411 : vector<16xi32> to vector<16x1xi32>
        %gather3A_413 = vector.shape_cast %broadcast_in_dim3A_412 : vector<16x1xi32> to vector<16xi32>
        %gather3A_414 = tpu.dynamic_gather %add3A_401[%gather3A_413] in [0] : vector<16xf32>, vector<16xi32> -> vector<16xf32>
        %add3A_415 = arith.addf %add3A_401, %gather3A_414 : vector<16xf32>
        %xor3A_416 = arith.constant 2 : i32
        %xor3A_417 = vector.broadcast %xor3A_416 : i32 to vector<16xi32>
        %xor3A_418 = arith.xori %iota3A, %xor3A_417 : vector<16xi32>
        %lt3A_419 = arith.constant 0 : i32
        %lt3A_420 = vector.broadcast %lt3A_419 : i32 to vector<16xi32>
        %lt3A_421 = arith.cmpi slt, %xor3A_418, %lt3A_420 : vector<16xi32>
        %add3A_422 = arith.constant 16 : i32
        %add3A_423 = vector.broadcast %add3A_422 : i32 to vector<16xi32>
        %add3A_424 = arith.addi %xor3A_418, %add3A_423 : vector<16xi32>
        %select_n3A_425 = arith.select %lt3A_421, %add3A_424, %xor3A_418 : vector<16xi1>, vector<16xi32>
        %broadcast_in_dim3A_426 = vector.shape_cast %select_n3A_425 : vector<16xi32> to vector<16x1xi32>
        %gather3A_427 = vector.shape_cast %broadcast_in_dim3A_426 : vector<16x1xi32> to vector<16xi32>
        %gather3A_428 = tpu.dynamic_gather %add3A_415[%gather3A_427] in [0] : vector<16xf32>, vector<16xi32> -> vector<16xf32>
        %add3A_429 = arith.addf %add3A_415, %gather3A_428 : vector<16xf32>
        %xor3A_430 = arith.constant 1 : i32
        %xor3A_431 = vector.broadcast %xor3A_430 : i32 to vector<16xi32>
        %xor3A_432 = arith.xori %iota3A, %xor3A_431 : vector<16xi32>
        %lt3A_433 = arith.constant 0 : i32
        %lt3A_434 = vector.broadcast %lt3A_433 : i32 to vector<16xi32>
        %lt3A_435 = arith.cmpi slt, %xor3A_432, %lt3A_434 : vector<16xi32>
        %add3A_436 = arith.constant 16 : i32
        %add3A_437 = vector.broadcast %add3A_436 : i32 to vector<16xi32>
        %add3A_438 = arith.addi %xor3A_432, %add3A_437 : vector<16xi32>
        %select_n3A_439 = arith.select %lt3A_435, %add3A_438, %xor3A_432 : vector<16xi1>, vector<16xi32>
        %broadcast_in_dim3A_440 = vector.shape_cast %select_n3A_439 : vector<16xi32> to vector<16x1xi32>
        %gather3A_441 = vector.shape_cast %broadcast_in_dim3A_440 : vector<16x1xi32> to vector<16xi32>
        %gather3A_442 = tpu.dynamic_gather %add3A_429[%gather3A_441] in [0] : vector<16xf32>, vector<16xi32> -> vector<16xf32>
        %add3A_443 = arith.addf %add3A_429, %gather3A_442 : vector<16xf32>
        %select_n3A_444 = arith.select %eq3A_390, %add3A_443, %scan3A_338 : vector<16xi1>, vector<16xf32>
        scf.yield %select_n3A_444 : vector<16xf32>
      }
      %scan3A_324 = arith.constant 16 : i32
      %mul3A_325 = arith.constant 16 : i32
      %mul3A_326 = arith.muli %scan3A_316, %mul3A_325 : i32
      %add3A_327 = arith.constant 128 : i32
      %add3A_328 = arith.addi %add3A_327, %mul3A_326 : i32
      %multiple_of3A = tpu.assume_multiple %add3A_328, 16 : i32
      %get3A_329 = arith.index_cast %multiple_of3A : i32 to index
      %get3A_330 = tpu.vector_load %arg22[%get3A_329] {strides = array<i32>} : memref<512xf32, #tpu.memory_space<vmem>>, vector<16xf32>,
      %get3A_331 = vector.shape_cast %get3A_330 : vector<16xf32> to vector<16xf32>
      %add3A_332 = arith.addf %get3A_331, %scan3A_323 : vector<16xf32>
      %swap3A = arith.index_cast %multiple_of3A : i32 to index
      %swap3A_333 = tpu.vector_load %arg22[%swap3A] {strides = array<i32>} : memref<512xf32, #tpu.memory_space<vmem>>, vector<16xf32>,
      %swap3A_334 = vector.shape_cast %swap3A_333 : vector<16xf32> to vector<16xf32>
      %swap3A_335 = vector.shape_cast %add3A_332 : vector<16xf32> to vector<16xf32>
      tpu.vector_store %arg22[%swap3A], %swap3A_335 {strides = array<i32>} : memref<512xf32, #tpu.memory_space<vmem>>, vector<16xf32>,
      %scan3A_336 = arith.constant 0 : i32
      scf.yield %scan3A_336 : i32
    }
    %scan3A_257 = arith.constant 8 : i32
    %dma_wait3A_258 = arith.constant 256 : i32
    %dma_wait3A_259 = tpu.memref_slice %arg11[%dma_wait3A_258] : memref<512xi32, #tpu.memory_space<vmem>> -> memref<128xi32, #tpu.memory_space<vmem>>
    %dma_wait3A_260 = arith.constant 0 : i32
    %dma_wait3A_261 = arith.constant 0 : i32
    %dma_wait3A_262 = tpu.memref_slice %arg6[%dma_wait3A_260, %dma_wait3A_261] : memref<100000x128xf32, #tpu.memory_space<hbm>> -> memref<100000x128xf32, #tpu.memory_space<hbm>>
    tpu.wait_indirect_dma semaphore(%arg29 : memref<!tpu.dma_semaphore, #tpu.memory_space<semaphore_mem>>) src(%dma_wait3A_262 : memref<100000x128xf32, #tpu.memory_space<hbm>>) dst(%arg15 : memref<128x128xf32, #tpu.memory_space<vmem>>)
    %scan3A_263 = arith.constant 0 : i32
    %scan3A_264 = arith.constant 0 : i32
    %scan3A_265 = arith.constant 8 : i32
    %scan3A_266 = arith.addi %scan3A_264, %scan3A_265 : i32
    %scan3A_267 = arith.constant 1 : i32
    %scan3A_268 = scf.for %scan3A_316 = %scan3A_264 to %scan3A_266 step %scan3A_267 iter_args(%scan3A_317 = %scan3A_263) -> (i32)  : i32 {
      %broadcast_in_dim3A = arith.constant 0.000000e+00 : f32
      %broadcast_in_dim3A_318 = vector.broadcast %broadcast_in_dim3A : f32 to vector<16xf32>
      %scan3A_319 = arith.constant 0 : i32
      %scan3A_320 = arith.constant 16 : i32
      %scan3A_321 = arith.addi %scan3A_319, %scan3A_320 : i32
      %scan3A_322 = arith.constant 1 : i32
      %scan3A_323 = scf.for %scan3A_337 = %scan3A_319 to %scan3A_321 step %scan3A_322 iter_args(%scan3A_338 = %broadcast_in_dim3A_318) -> (vector<16xf32>)  : i32 {
        %mul3A_339 = arith.constant 16 : i32
        %mul3A_340 = arith.muli %scan3A_316, %mul3A_339 : i32
        %add3A_341 = arith.addi %mul3A_340, %scan3A_337 : i32
        %get3A_342 = arith.index_cast %add3A_341 : i32 to index
        %get3A_343 = arith.constant 0 : index
        %get3A_344 = tpu.vector_load %arg15[%get3A_342, %get3A_343] {strides = array<i32>} : memref<128x128xf32, #tpu.memory_space<vmem>>, vector<1x16xf32>,
        %get3A_345 = vector.shape_cast %get3A_344 : vector<1x16xf32> to vector<16xf32>
        %mul3A_346 = arith.mulf %get3A_345, %get3A_139 : vector<16xf32>
        %get3A_347 = arith.index_cast %add3A_341 : i32 to index
        %get3A_348 = arith.constant 16 : index
        %get3A_349 = tpu.vector_load %arg15[%get3A_347, %get3A_348] {strides = array<i32>} : memref<128x128xf32, #tpu.memory_space<vmem>>, vector<1x16xf32>,
        %get3A_350 = vector.shape_cast %get3A_349 : vector<1x16xf32> to vector<16xf32>
        %mul3A_351 = arith.mulf %get3A_350, %get3A_142 : vector<16xf32>
        %get3A_352 = arith.index_cast %add3A_341 : i32 to index
        %get3A_353 = arith.constant 32 : index
        %get3A_354 = tpu.vector_load %arg15[%get3A_352, %get3A_353] {strides = array<i32>} : memref<128x128xf32, #tpu.memory_space<vmem>>, vector<1x16xf32>,
        %get3A_355 = vector.shape_cast %get3A_354 : vector<1x16xf32> to vector<16xf32>
        %mul3A_356 = arith.mulf %get3A_355, %get3A_145 : vector<16xf32>
        %get3A_357 = arith.index_cast %add3A_341 : i32 to index
        %get3A_358 = arith.constant 48 : index
        %get3A_359 = tpu.vector_load %arg15[%get3A_357, %get3A_358] {strides = array<i32>} : memref<128x128xf32, #tpu.memory_space<vmem>>, vector<1x16xf32>,
        %get3A_360 = vector.shape_cast %get3A_359 : vector<1x16xf32> to vector<16xf32>
        %mul3A_361 = arith.mulf %get3A_360, %get3A_148 : vector<16xf32>
        %get3A_362 = arith.index_cast %add3A_341 : i32 to index
        %get3A_363 = arith.constant 64 : index
        %get3A_364 = tpu.vector_load %arg15[%get3A_362, %get3A_363] {strides = array<i32>} : memref<128x128xf32, #tpu.memory_space<vmem>>, vector<1x16xf32>,
        %get3A_365 = vector.shape_cast %get3A_364 : vector<1x16xf32> to vector<16xf32>
        %mul3A_366 = arith.mulf %get3A_365, %get3A_151 : vector<16xf32>
        %get3A_367 = arith.index_cast %add3A_341 : i32 to index
        %get3A_368 = arith.constant 80 : index
        %get3A_369 = tpu.vector_load %arg15[%get3A_367, %get3A_368] {strides = array<i32>} : memref<128x128xf32, #tpu.memory_space<vmem>>, vector<1x16xf32>,
        %get3A_370 = vector.shape_cast %get3A_369 : vector<1x16xf32> to vector<16xf32>
        %mul3A_371 = arith.mulf %get3A_370, %get3A_154 : vector<16xf32>
        %get3A_372 = arith.index_cast %add3A_341 : i32 to index
        %get3A_373 = arith.constant 96 : index
        %get3A_374 = tpu.vector_load %arg15[%get3A_372, %get3A_373] {strides = array<i32>} : memref<128x128xf32, #tpu.memory_space<vmem>>, vector<1x16xf32>,
        %get3A_375 = vector.shape_cast %get3A_374 : vector<1x16xf32> to vector<16xf32>
        %mul3A_376 = arith.mulf %get3A_375, %get3A_157 : vector<16xf32>
        %get3A_377 = arith.index_cast %add3A_341 : i32 to index
        %get3A_378 = arith.constant 112 : index
        %get3A_379 = tpu.vector_load %arg15[%get3A_377, %get3A_378] {strides = array<i32>} : memref<128x128xf32, #tpu.memory_space<vmem>>, vector<1x16xf32>,
        %get3A_380 = vector.shape_cast %get3A_379 : vector<1x16xf32> to vector<16xf32>
        %mul3A_381 = arith.mulf %get3A_380, %get3A_160 : vector<16xf32>
        %add3A_382 = arith.addf %mul3A_346, %mul3A_351 : vector<16xf32>
        %add3A_383 = arith.addf %mul3A_356, %mul3A_361 : vector<16xf32>
        %add3A_384 = arith.addf %mul3A_366, %mul3A_371 : vector<16xf32>
        %add3A_385 = arith.addf %mul3A_376, %mul3A_381 : vector<16xf32>
        %add3A_386 = arith.addf %add3A_382, %add3A_383 : vector<16xf32>
        %add3A_387 = arith.addf %add3A_384, %add3A_385 : vector<16xf32>
        %add3A_388 = arith.addf %add3A_386, %add3A_387 : vector<16xf32>
        %eq3A_389 = vector.broadcast %scan3A_337 : i32 to vector<16xi32>
        %eq3A_390 = arith.cmpi eq, %iota3A, %eq3A_389 : vector<16xi32>
        %xor3A = arith.constant 8 : i32
        %xor3A_391 = vector.broadcast %xor3A : i32 to vector<16xi32>
        %xor3A_392 = arith.xori %iota3A, %xor3A_391 : vector<16xi32>
        %lt3A_393 = arith.constant 0 : i32
        %lt3A_394 = vector.broadcast %lt3A_393 : i32 to vector<16xi32>
        %lt3A_395 = arith.cmpi slt, %xor3A_392, %lt3A_394 : vector<16xi32>
        %add3A_396 = arith.constant 16 : i32
        %add3A_397 = vector.broadcast %add3A_396 : i32 to vector<16xi32>
        %add3A_398 = arith.addi %xor3A_392, %add3A_397 : vector<16xi32>
        %select_n3A = arith.select %lt3A_395, %add3A_398, %xor3A_392 : vector<16xi1>, vector<16xi32>
        %broadcast_in_dim3A_399 = vector.shape_cast %select_n3A : vector<16xi32> to vector<16x1xi32>
        %gather3A = vector.shape_cast %broadcast_in_dim3A_399 : vector<16x1xi32> to vector<16xi32>
        %gather3A_400 = tpu.dynamic_gather %add3A_388[%gather3A] in [0] : vector<16xf32>, vector<16xi32> -> vector<16xf32>
        %add3A_401 = arith.addf %add3A_388, %gather3A_400 : vector<16xf32>
        %xor3A_402 = arith.constant 4 : i32
        %xor3A_403 = vector.broadcast %xor3A_402 : i32 to vector<16xi32>
        %xor3A_404 = arith.xori %iota3A, %xor3A_403 : vector<16xi32>
        %lt3A_405 = arith.constant 0 : i32
        %lt3A_406 = vector.broadcast %lt3A_405 : i32 to vector<16xi32>
        %lt3A_407 = arith.cmpi slt, %xor3A_404, %lt3A_406 : vector<16xi32>
        %add3A_408 = arith.constant 16 : i32
        %add3A_409 = vector.broadcast %add3A_408 : i32 to vector<16xi32>
        %add3A_410 = arith.addi %xor3A_404, %add3A_409 : vector<16xi32>
        %select_n3A_411 = arith.select %lt3A_407, %add3A_410, %xor3A_404 : vector<16xi1>, vector<16xi32>
        %broadcast_in_dim3A_412 = vector.shape_cast %select_n3A_411 : vector<16xi32> to vector<16x1xi32>
        %gather3A_413 = vector.shape_cast %broadcast_in_dim3A_412 : vector<16x1xi32> to vector<16xi32>
        %gather3A_414 = tpu.dynamic_gather %add3A_401[%gather3A_413] in [0] : vector<16xf32>, vector<16xi32> -> vector<16xf32>
        %add3A_415 = arith.addf %add3A_401, %gather3A_414 : vector<16xf32>
        %xor3A_416 = arith.constant 2 : i32
        %xor3A_417 = vector.broadcast %xor3A_416 : i32 to vector<16xi32>
        %xor3A_418 = arith.xori %iota3A, %xor3A_417 : vector<16xi32>
        %lt3A_419 = arith.constant 0 : i32
        %lt3A_420 = vector.broadcast %lt3A_419 : i32 to vector<16xi32>
        %lt3A_421 = arith.cmpi slt, %xor3A_418, %lt3A_420 : vector<16xi32>
        %add3A_422 = arith.constant 16 : i32
        %add3A_423 = vector.broadcast %add3A_422 : i32 to vector<16xi32>
        %add3A_424 = arith.addi %xor3A_418, %add3A_423 : vector<16xi32>
        %select_n3A_425 = arith.select %lt3A_421, %add3A_424, %xor3A_418 : vector<16xi1>, vector<16xi32>
        %broadcast_in_dim3A_426 = vector.shape_cast %select_n3A_425 : vector<16xi32> to vector<16x1xi32>
        %gather3A_427 = vector.shape_cast %broadcast_in_dim3A_426 : vector<16x1xi32> to vector<16xi32>
        %gather3A_428 = tpu.dynamic_gather %add3A_415[%gather3A_427] in [0] : vector<16xf32>, vector<16xi32> -> vector<16xf32>
        %add3A_429 = arith.addf %add3A_415, %gather3A_428 : vector<16xf32>
        %xor3A_430 = arith.constant 1 : i32
        %xor3A_431 = vector.broadcast %xor3A_430 : i32 to vector<16xi32>
        %xor3A_432 = arith.xori %iota3A, %xor3A_431 : vector<16xi32>
        %lt3A_433 = arith.constant 0 : i32
        %lt3A_434 = vector.broadcast %lt3A_433 : i32 to vector<16xi32>
        %lt3A_435 = arith.cmpi slt, %xor3A_432, %lt3A_434 : vector<16xi32>
        %add3A_436 = arith.constant 16 : i32
        %add3A_437 = vector.broadcast %add3A_436 : i32 to vector<16xi32>
        %add3A_438 = arith.addi %xor3A_432, %add3A_437 : vector<16xi32>
        %select_n3A_439 = arith.select %lt3A_435, %add3A_438, %xor3A_432 : vector<16xi1>, vector<16xi32>
        %broadcast_in_dim3A_440 = vector.shape_cast %select_n3A_439 : vector<16xi32> to vector<16x1xi32>
        %gather3A_441 = vector.shape_cast %broadcast_in_dim3A_440 : vector<16x1xi32> to vector<16xi32>
        %gather3A_442 = tpu.dynamic_gather %add3A_429[%gather3A_441] in [0] : vector<16xf32>, vector<16xi32> -> vector<16xf32>
        %add3A_443 = arith.addf %add3A_429, %gather3A_442 : vector<16xf32>
        %select_n3A_444 = arith.select %eq3A_390, %add3A_443, %scan3A_338 : vector<16xi1>, vector<16xf32>
        scf.yield %select_n3A_444 : vector<16xf32>
      }
      %scan3A_324 = arith.constant 16 : i32
      %mul3A_325 = arith.constant 16 : i32
      %mul3A_326 = arith.muli %scan3A_316, %mul3A_325 : i32
      %add3A_327 = arith.constant 256 : i32
      %add3A_328 = arith.addi %add3A_327, %mul3A_326 : i32
      %multiple_of3A = tpu.assume_multiple %add3A_328, 16 : i32
      %get3A_329 = arith.index_cast %multiple_of3A : i32 to index
      %get3A_330 = tpu.vector_load %arg22[%get3A_329] {strides = array<i32>} : memref<512xf32, #tpu.memory_space<vmem>>, vector<16xf32>,
      %get3A_331 = vector.shape_cast %get3A_330 : vector<16xf32> to vector<16xf32>
      %add3A_332 = arith.addf %get3A_331, %scan3A_323 : vector<16xf32>
      %swap3A = arith.index_cast %multiple_of3A : i32 to index
      %swap3A_333 = tpu.vector_load %arg22[%swap3A] {strides = array<i32>} : memref<512xf32, #tpu.memory_space<vmem>>, vector<16xf32>,
      %swap3A_334 = vector.shape_cast %swap3A_333 : vector<16xf32> to vector<16xf32>
      %swap3A_335 = vector.shape_cast %add3A_332 : vector<16xf32> to vector<16xf32>
      tpu.vector_store %arg22[%swap3A], %swap3A_335 {strides = array<i32>} : memref<512xf32, #tpu.memory_space<vmem>>, vector<16xf32>,
      %scan3A_336 = arith.constant 0 : i32
      scf.yield %scan3A_336 : i32
    }
    %scan3A_269 = arith.constant 8 : i32
    %dma_wait3A_270 = arith.constant 384 : i32
    %dma_wait3A_271 = tpu.memref_slice %arg11[%dma_wait3A_270] : memref<512xi32, #tpu.memory_space<vmem>> -> memref<128xi32, #tpu.memory_space<vmem>>
    %dma_wait3A_272 = arith.constant 0 : i32
    %dma_wait3A_273 = arith.constant 0 : i32
    %dma_wait3A_274 = tpu.memref_slice %arg6[%dma_wait3A_272, %dma_wait3A_273] : memref<100000x128xf32, #tpu.memory_space<hbm>> -> memref<100000x128xf32, #tpu.memory_space<hbm>>
    tpu.wait_indirect_dma semaphore(%arg30 : memref<!tpu.dma_semaphore, #tpu.memory_space<semaphore_mem>>) src(%dma_wait3A_274 : memref<100000x128xf32, #tpu.memory_space<hbm>>) dst(%arg16 : memref<128x128xf32, #tpu.memory_space<vmem>>)
    %scan3A_275 = arith.constant 0 : i32
    %scan3A_276 = arith.constant 0 : i32
    %scan3A_277 = arith.constant 8 : i32
    %scan3A_278 = arith.addi %scan3A_276, %scan3A_277 : i32
    %scan3A_279 = arith.constant 1 : i32
    %scan3A_280 = scf.for %scan3A_316 = %scan3A_276 to %scan3A_278 step %scan3A_279 iter_args(%scan3A_317 = %scan3A_275) -> (i32)  : i32 {
      %broadcast_in_dim3A = arith.constant 0.000000e+00 : f32
      %broadcast_in_dim3A_318 = vector.broadcast %broadcast_in_dim3A : f32 to vector<16xf32>
      %scan3A_319 = arith.constant 0 : i32
      %scan3A_320 = arith.constant 16 : i32
      %scan3A_321 = arith.addi %scan3A_319, %scan3A_320 : i32
      %scan3A_322 = arith.constant 1 : i32
      %scan3A_323 = scf.for %scan3A_337 = %scan3A_319 to %scan3A_321 step %scan3A_322 iter_args(%scan3A_338 = %broadcast_in_dim3A_318) -> (vector<16xf32>)  : i32 {
        %mul3A_339 = arith.constant 16 : i32
        %mul3A_340 = arith.muli %scan3A_316, %mul3A_339 : i32
        %add3A_341 = arith.addi %mul3A_340, %scan3A_337 : i32
        %get3A_342 = arith.index_cast %add3A_341 : i32 to index
        %get3A_343 = arith.constant 0 : index
        %get3A_344 = tpu.vector_load %arg16[%get3A_342, %get3A_343] {strides = array<i32>} : memref<128x128xf32, #tpu.memory_space<vmem>>, vector<1x16xf32>,
        %get3A_345 = vector.shape_cast %get3A_344 : vector<1x16xf32> to vector<16xf32>
        %mul3A_346 = arith.mulf %get3A_345, %get3A_139 : vector<16xf32>
        %get3A_347 = arith.index_cast %add3A_341 : i32 to index
        %get3A_348 = arith.constant 16 : index
        %get3A_349 = tpu.vector_load %arg16[%get3A_347, %get3A_348] {strides = array<i32>} : memref<128x128xf32, #tpu.memory_space<vmem>>, vector<1x16xf32>,
        %get3A_350 = vector.shape_cast %get3A_349 : vector<1x16xf32> to vector<16xf32>
        %mul3A_351 = arith.mulf %get3A_350, %get3A_142 : vector<16xf32>
        %get3A_352 = arith.index_cast %add3A_341 : i32 to index
        %get3A_353 = arith.constant 32 : index
        %get3A_354 = tpu.vector_load %arg16[%get3A_352, %get3A_353] {strides = array<i32>} : memref<128x128xf32, #tpu.memory_space<vmem>>, vector<1x16xf32>,
        %get3A_355 = vector.shape_cast %get3A_354 : vector<1x16xf32> to vector<16xf32>
        %mul3A_356 = arith.mulf %get3A_355, %get3A_145 : vector<16xf32>
        %get3A_357 = arith.index_cast %add3A_341 : i32 to index
        %get3A_358 = arith.constant 48 : index
        %get3A_359 = tpu.vector_load %arg16[%get3A_357, %get3A_358] {strides = array<i32>} : memref<128x128xf32, #tpu.memory_space<vmem>>, vector<1x16xf32>,
        %get3A_360 = vector.shape_cast %get3A_359 : vector<1x16xf32> to vector<16xf32>
        %mul3A_361 = arith.mulf %get3A_360, %get3A_148 : vector<16xf32>
        %get3A_362 = arith.index_cast %add3A_341 : i32 to index
        %get3A_363 = arith.constant 64 : index
        %get3A_364 = tpu.vector_load %arg16[%get3A_362, %get3A_363] {strides = array<i32>} : memref<128x128xf32, #tpu.memory_space<vmem>>, vector<1x16xf32>,
        %get3A_365 = vector.shape_cast %get3A_364 : vector<1x16xf32> to vector<16xf32>
        %mul3A_366 = arith.mulf %get3A_365, %get3A_151 : vector<16xf32>
        %get3A_367 = arith.index_cast %add3A_341 : i32 to index
        %get3A_368 = arith.constant 80 : index
        %get3A_369 = tpu.vector_load %arg16[%get3A_367, %get3A_368] {strides = array<i32>} : memref<128x128xf32, #tpu.memory_space<vmem>>, vector<1x16xf32>,
        %get3A_370 = vector.shape_cast %get3A_369 : vector<1x16xf32> to vector<16xf32>
        %mul3A_371 = arith.mulf %get3A_370, %get3A_154 : vector<16xf32>
        %get3A_372 = arith.index_cast %add3A_341 : i32 to index
        %get3A_373 = arith.constant 96 : index
        %get3A_374 = tpu.vector_load %arg16[%get3A_372, %get3A_373] {strides = array<i32>} : memref<128x128xf32, #tpu.memory_space<vmem>>, vector<1x16xf32>,
        %get3A_375 = vector.shape_cast %get3A_374 : vector<1x16xf32> to vector<16xf32>
        %mul3A_376 = arith.mulf %get3A_375, %get3A_157 : vector<16xf32>
        %get3A_377 = arith.index_cast %add3A_341 : i32 to index
        %get3A_378 = arith.constant 112 : index
        %get3A_379 = tpu.vector_load %arg16[%get3A_377, %get3A_378] {strides = array<i32>} : memref<128x128xf32, #tpu.memory_space<vmem>>, vector<1x16xf32>,
        %get3A_380 = vector.shape_cast %get3A_379 : vector<1x16xf32> to vector<16xf32>
        %mul3A_381 = arith.mulf %get3A_380, %get3A_160 : vector<16xf32>
        %add3A_382 = arith.addf %mul3A_346, %mul3A_351 : vector<16xf32>
        %add3A_383 = arith.addf %mul3A_356, %mul3A_361 : vector<16xf32>
        %add3A_384 = arith.addf %mul3A_366, %mul3A_371 : vector<16xf32>
        %add3A_385 = arith.addf %mul3A_376, %mul3A_381 : vector<16xf32>
        %add3A_386 = arith.addf %add3A_382, %add3A_383 : vector<16xf32>
        %add3A_387 = arith.addf %add3A_384, %add3A_385 : vector<16xf32>
        %add3A_388 = arith.addf %add3A_386, %add3A_387 : vector<16xf32>
        %eq3A_389 = vector.broadcast %scan3A_337 : i32 to vector<16xi32>
        %eq3A_390 = arith.cmpi eq, %iota3A, %eq3A_389 : vector<16xi32>
        %xor3A = arith.constant 8 : i32
        %xor3A_391 = vector.broadcast %xor3A : i32 to vector<16xi32>
        %xor3A_392 = arith.xori %iota3A, %xor3A_391 : vector<16xi32>
        %lt3A_393 = arith.constant 0 : i32
        %lt3A_394 = vector.broadcast %lt3A_393 : i32 to vector<16xi32>
        %lt3A_395 = arith.cmpi slt, %xor3A_392, %lt3A_394 : vector<16xi32>
        %add3A_396 = arith.constant 16 : i32
        %add3A_397 = vector.broadcast %add3A_396 : i32 to vector<16xi32>
        %add3A_398 = arith.addi %xor3A_392, %add3A_397 : vector<16xi32>
        %select_n3A = arith.select %lt3A_395, %add3A_398, %xor3A_392 : vector<16xi1>, vector<16xi32>
        %broadcast_in_dim3A_399 = vector.shape_cast %select_n3A : vector<16xi32> to vector<16x1xi32>
        %gather3A = vector.shape_cast %broadcast_in_dim3A_399 : vector<16x1xi32> to vector<16xi32>
        %gather3A_400 = tpu.dynamic_gather %add3A_388[%gather3A] in [0] : vector<16xf32>, vector<16xi32> -> vector<16xf32>
        %add3A_401 = arith.addf %add3A_388, %gather3A_400 : vector<16xf32>
        %xor3A_402 = arith.constant 4 : i32
        %xor3A_403 = vector.broadcast %xor3A_402 : i32 to vector<16xi32>
        %xor3A_404 = arith.xori %iota3A, %xor3A_403 : vector<16xi32>
        %lt3A_405 = arith.constant 0 : i32
        %lt3A_406 = vector.broadcast %lt3A_405 : i32 to vector<16xi32>
        %lt3A_407 = arith.cmpi slt, %xor3A_404, %lt3A_406 : vector<16xi32>
        %add3A_408 = arith.constant 16 : i32
        %add3A_409 = vector.broadcast %add3A_408 : i32 to vector<16xi32>
        %add3A_410 = arith.addi %xor3A_404, %add3A_409 : vector<16xi32>
        %select_n3A_411 = arith.select %lt3A_407, %add3A_410, %xor3A_404 : vector<16xi1>, vector<16xi32>
        %broadcast_in_dim3A_412 = vector.shape_cast %select_n3A_411 : vector<16xi32> to vector<16x1xi32>
        %gather3A_413 = vector.shape_cast %broadcast_in_dim3A_412 : vector<16x1xi32> to vector<16xi32>
        %gather3A_414 = tpu.dynamic_gather %add3A_401[%gather3A_413] in [0] : vector<16xf32>, vector<16xi32> -> vector<16xf32>
        %add3A_415 = arith.addf %add3A_401, %gather3A_414 : vector<16xf32>
        %xor3A_416 = arith.constant 2 : i32
        %xor3A_417 = vector.broadcast %xor3A_416 : i32 to vector<16xi32>
        %xor3A_418 = arith.xori %iota3A, %xor3A_417 : vector<16xi32>
        %lt3A_419 = arith.constant 0 : i32
        %lt3A_420 = vector.broadcast %lt3A_419 : i32 to vector<16xi32>
        %lt3A_421 = arith.cmpi slt, %xor3A_418, %lt3A_420 : vector<16xi32>
        %add3A_422 = arith.constant 16 : i32
        %add3A_423 = vector.broadcast %add3A_422 : i32 to vector<16xi32>
        %add3A_424 = arith.addi %xor3A_418, %add3A_423 : vector<16xi32>
        %select_n3A_425 = arith.select %lt3A_421, %add3A_424, %xor3A_418 : vector<16xi1>, vector<16xi32>
        %broadcast_in_dim3A_426 = vector.shape_cast %select_n3A_425 : vector<16xi32> to vector<16x1xi32>
        %gather3A_427 = vector.shape_cast %broadcast_in_dim3A_426 : vector<16x1xi32> to vector<16xi32>
        %gather3A_428 = tpu.dynamic_gather %add3A_415[%gather3A_427] in [0] : vector<16xf32>, vector<16xi32> -> vector<16xf32>
        %add3A_429 = arith.addf %add3A_415, %gather3A_428 : vector<16xf32>
        %xor3A_430 = arith.constant 1 : i32
        %xor3A_431 = vector.broadcast %xor3A_430 : i32 to vector<16xi32>
        %xor3A_432 = arith.xori %iota3A, %xor3A_431 : vector<16xi32>
        %lt3A_433 = arith.constant 0 : i32
        %lt3A_434 = vector.broadcast %lt3A_433 : i32 to vector<16xi32>
        %lt3A_435 = arith.cmpi slt, %xor3A_432, %lt3A_434 : vector<16xi32>
        %add3A_436 = arith.constant 16 : i32
        %add3A_437 = vector.broadcast %add3A_436 : i32 to vector<16xi32>
        %add3A_438 = arith.addi %xor3A_432, %add3A_437 : vector<16xi32>
        %select_n3A_439 = arith.select %lt3A_435, %add3A_438, %xor3A_432 : vector<16xi1>, vector<16xi32>
        %broadcast_in_dim3A_440 = vector.shape_cast %select_n3A_439 : vector<16xi32> to vector<16x1xi32>
        %gather3A_441 = vector.shape_cast %broadcast_in_dim3A_440 : vector<16x1xi32> to vector<16xi32>
        %gather3A_442 = tpu.dynamic_gather %add3A_429[%gather3A_441] in [0] : vector<16xf32>, vector<16xi32> -> vector<16xf32>
        %add3A_443 = arith.addf %add3A_429, %gather3A_442 : vector<16xf32>
        %select_n3A_444 = arith.select %eq3A_390, %add3A_443, %scan3A_338 : vector<16xi1>, vector<16xf32>
        scf.yield %select_n3A_444 : vector<16xf32>
      }
      %scan3A_324 = arith.constant 16 : i32
      %mul3A_325 = arith.constant 16 : i32
      %mul3A_326 = arith.muli %scan3A_316, %mul3A_325 : i32
      %add3A_327 = arith.constant 384 : i32
      %add3A_328 = arith.addi %add3A_327, %mul3A_326 : i32
      %multiple_of3A = tpu.assume_multiple %add3A_328, 16 : i32
      %get3A_329 = arith.index_cast %multiple_of3A : i32 to index
      %get3A_330 = tpu.vector_load %arg22[%get3A_329] {strides = array<i32>} : memref<512xf32, #tpu.memory_space<vmem>>, vector<16xf32>,
      %get3A_331 = vector.shape_cast %get3A_330 : vector<16xf32> to vector<16xf32>
      %add3A_332 = arith.addf %get3A_331, %scan3A_323 : vector<16xf32>
      %swap3A = arith.index_cast %multiple_of3A : i32 to index
      %swap3A_333 = tpu.vector_load %arg22[%swap3A] {strides = array<i32>} : memref<512xf32, #tpu.memory_space<vmem>>, vector<16xf32>,
      %swap3A_334 = vector.shape_cast %swap3A_333 : vector<16xf32> to vector<16xf32>
      %swap3A_335 = vector.shape_cast %add3A_332 : vector<16xf32> to vector<16xf32>
      tpu.vector_store %arg22[%swap3A], %swap3A_335 {strides = array<i32>} : memref<512xf32, #tpu.memory_space<vmem>>, vector<16xf32>,
      %scan3A_336 = arith.constant 0 : i32
      scf.yield %scan3A_336 : i32
    }
    %scan3A_281 = arith.constant 8 : i32
    %get3A_282 = arith.constant 384 : index
    %get3A_283 = tpu.vector_load %arg21[%get3A_282] {strides = array<i32>} : memref<400xf32, #tpu.memory_space<vmem>>, vector<16xf32>,
    %get3A_284 = vector.shape_cast %get3A_283 : vector<16xf32> to vector<16xf32>
    %dma_wait3A_285 = arith.constant 0 : i32
    %dma_wait3A_286 = tpu.memref_slice %arg23[%dma_wait3A_285] : memref<512xf32, #tpu.memory_space<vmem>> -> memref<128xf32, #tpu.memory_space<vmem>>
    %dma_wait3A_287 = arith.constant 0 : i32
    %dma_wait3A_288 = tpu.memref_slice %arg12[%dma_wait3A_287] : memref<512xi32, #tpu.memory_space<vmem>> -> memref<128xi32, #tpu.memory_space<vmem>>
    %dma_wait3A_289 = arith.constant 0 : i32
    %dma_wait3A_290 = tpu.memref_slice %arg26[%dma_wait3A_289] : memref<1024xf32, #tpu.memory_space<vmem_shared>> -> memref<1024xf32, #tpu.memory_space<vmem_shared>>
    tpu.wait_indirect_dma semaphore(%arg31 : memref<!tpu.dma_semaphore, #tpu.memory_space<semaphore_mem>>) src(%dma_wait3A_290 : memref<1024xf32, #tpu.memory_space<vmem_shared>>) dst(%dma_wait3A_286 : memref<128xf32, #tpu.memory_space<vmem>>)
    %dma_wait3A_291 = arith.constant 128 : i32
    %dma_wait3A_292 = tpu.memref_slice %arg23[%dma_wait3A_291] : memref<512xf32, #tpu.memory_space<vmem>> -> memref<128xf32, #tpu.memory_space<vmem>>
    %dma_wait3A_293 = arith.constant 128 : i32
    %dma_wait3A_294 = tpu.memref_slice %arg12[%dma_wait3A_293] : memref<512xi32, #tpu.memory_space<vmem>> -> memref<128xi32, #tpu.memory_space<vmem>>
    %dma_wait3A_295 = arith.constant 0 : i32
    %dma_wait3A_296 = tpu.memref_slice %arg26[%dma_wait3A_295] : memref<1024xf32, #tpu.memory_space<vmem_shared>> -> memref<1024xf32, #tpu.memory_space<vmem_shared>>
    tpu.wait_indirect_dma semaphore(%arg31 : memref<!tpu.dma_semaphore, #tpu.memory_space<semaphore_mem>>) src(%dma_wait3A_296 : memref<1024xf32, #tpu.memory_space<vmem_shared>>) dst(%dma_wait3A_292 : memref<128xf32, #tpu.memory_space<vmem>>)
    %dma_wait3A_297 = arith.constant 256 : i32
    %dma_wait3A_298 = tpu.memref_slice %arg23[%dma_wait3A_297] : memref<512xf32, #tpu.memory_space<vmem>> -> memref<128xf32, #tpu.memory_space<vmem>>
    %dma_wait3A_299 = arith.constant 256 : i32
    %dma_wait3A_300 = tpu.memref_slice %arg12[%dma_wait3A_299] : memref<512xi32, #tpu.memory_space<vmem>> -> memref<128xi32, #tpu.memory_space<vmem>>
    %dma_wait3A_301 = arith.constant 0 : i32
    %dma_wait3A_302 = tpu.memref_slice %arg26[%dma_wait3A_301] : memref<1024xf32, #tpu.memory_space<vmem_shared>> -> memref<1024xf32, #tpu.memory_space<vmem_shared>>
    tpu.wait_indirect_dma semaphore(%arg31 : memref<!tpu.dma_semaphore, #tpu.memory_space<semaphore_mem>>) src(%dma_wait3A_302 : memref<1024xf32, #tpu.memory_space<vmem_shared>>) dst(%dma_wait3A_298 : memref<128xf32, #tpu.memory_space<vmem>>)
    %dma_wait3A_303 = arith.constant 384 : i32
    %dma_wait3A_304 = tpu.memref_slice %arg23[%dma_wait3A_303] : memref<512xf32, #tpu.memory_space<vmem>> -> memref<128xf32, #tpu.memory_space<vmem>>
    %dma_wait3A_305 = arith.constant 384 : i32
    %dma_wait3A_306 = tpu.memref_slice %arg12[%dma_wait3A_305] : memref<512xi32, #tpu.memory_space<vmem>> -> memref<128xi32, #tpu.memory_space<vmem>>
    %dma_wait3A_307 = arith.constant 0 : i32
    %dma_wait3A_308 = tpu.memref_slice %arg26[%dma_wait3A_307] : memref<1024xf32, #tpu.memory_space<vmem_shared>> -> memref<1024xf32, #tpu.memory_space<vmem_shared>>
    tpu.wait_indirect_dma semaphore(%arg31 : memref<!tpu.dma_semaphore, #tpu.memory_space<semaphore_mem>>) src(%dma_wait3A_308 : memref<1024xf32, #tpu.memory_space<vmem_shared>>) dst(%dma_wait3A_304 : memref<128xf32, #tpu.memory_space<vmem>>)
    %scan3A_309 = arith.constant 0 : i32
    %scan3A_310 = arith.constant 0 : i32
    %scan3A_311 = arith.constant 32 : i32
    %scan3A_312 = arith.addi %scan3A_310, %scan3A_311 : i32
    %scan3A_313 = arith.constant 1 : i32
    %scan3A_314 = scf.for %scan3A_316 = %scan3A_310 to %scan3A_312 step %scan3A_313 iter_args(%scan3A_317 = %scan3A_309) -> (i32)  : i32 {
      %mul3A_318 = arith.constant 16 : i32
      %mul3A_319 = arith.muli %scan3A_316, %mul3A_318 : i32
      %multiple_of3A = tpu.assume_multiple %mul3A_319, 16 : i32
      %get3A_320 = arith.index_cast %multiple_of3A : i32 to index
      %get3A_321 = tpu.vector_load %arg22[%get3A_320] {strides = array<i32>} : memref<512xf32, #tpu.memory_space<vmem>>, vector<16xf32>,
      %get3A_322 = vector.shape_cast %get3A_321 : vector<16xf32> to vector<16xf32>
      %get3A_323 = arith.index_cast %multiple_of3A : i32 to index
      %get3A_324 = tpu.vector_load %arg23[%get3A_323] {strides = array<i32>} : memref<512xf32, #tpu.memory_space<vmem>>, vector<16xf32>,
      %get3A_325 = vector.shape_cast %get3A_324 : vector<16xf32> to vector<16xf32>
      %add3A_326 = arith.addf %get3A_322, %get3A_325 : vector<16xf32>
      %add3A_327 = arith.addf %add3A_326, %get3A_284 : vector<16xf32>
      %swap3A = arith.index_cast %multiple_of3A : i32 to index
      %swap3A_328 = tpu.vector_load %arg22[%swap3A] {strides = array<i32>} : memref<512xf32, #tpu.memory_space<vmem>>, vector<16xf32>,
      %swap3A_329 = vector.shape_cast %swap3A_328 : vector<16xf32> to vector<16xf32>
      %swap3A_330 = vector.shape_cast %add3A_327 : vector<16xf32> to vector<16xf32>
      tpu.vector_store %arg22[%swap3A], %swap3A_330 {strides = array<i32>} : memref<512xf32, #tpu.memory_space<vmem>>, vector<16xf32>,
      %scan3A_331 = arith.constant 0 : i32
      scf.yield %scan3A_331 : i32
    }
    %scan3A_315 = arith.constant 32 : i32
    "tpu.region"() ({
      %run_scoped3A = tpu.sem_alloc : memref<!tpu.dma_semaphore, #tpu.memory_space<semaphore_mem>>
      %dma_start3A_316 = tpu.memref_slice %arg9[%mul3A_2] : memref<16384xf32, #tpu.memory_space<hbm>> -> memref<512xf32, #tpu.memory_space<hbm>>
      %dma_start3A_317 = tpu.memref_slice %arg9[%mul3A_2] : memref<16384xf32, #tpu.memory_space<hbm>> -> memref<512xf32, #tpu.memory_space<hbm>>
      tpu.enqueue_dma source(%arg22 : memref<512xf32, #tpu.memory_space<vmem>>) target(%dma_start3A_317 : memref<512xf32, #tpu.memory_space<hbm>>) target_semaphore(%run_scoped3A : memref<!tpu.dma_semaphore, #tpu.memory_space<semaphore_mem>>)
      %dma_wait3A_318 = tpu.memref_slice %arg9[%mul3A_2] : memref<16384xf32, #tpu.memory_space<hbm>> -> memref<512xf32, #tpu.memory_space<hbm>>
      %dma_wait3A_319 = tpu.memref_slice %arg9[%mul3A_2] : memref<16384xf32, #tpu.memory_space<hbm>> -> memref<512xf32, #tpu.memory_space<hbm>>
      tpu.wait_dma2 semaphore(%run_scoped3A : memref<!tpu.dma_semaphore, #tpu.memory_space<semaphore_mem>>) src(%arg22 : memref<512xf32, #tpu.memory_space<vmem>>) dst(%dma_wait3A_319 : memref<512xf32, #tpu.memory_space<hbm>>)
      tpu.yield
    }) : () -> ()
    return
  }
}

</mosaic_0001>

<sc_bundles>
// kernel: kernel.3.cloned.1.call-start
scs
__scs_entry_jumppad:
0x0: {  	(pc) =	sbr.rel $0x88, $3  }
0x1: {  	(tag) =	ssettag $0x0;
	lr =	simm.s32 $0x1  }
0x2: {  	[smem:$0x3F93] =	sst lr;
	_ =	strace $0xD0000000  }
0x3: {  	_ = 	snop  }
0x4: {  	_ = 	snop  }
0x5: {  	_ = 	snop  }
0x6: {  	_ = 	snop  }
0x7: {  	_ = 	snop  }
__scs_overlays_trampoline_lowered:
0x8: {  	[smem:$0x3FA2] =	sst s0  }
0x9: {  	[smem:$0x3FA3] =	sst s1  }
0xa: {  	[smem:$0x3FA4] =	sst s2  }
0xb: {  	[smem:$0x3FA5] =	sst s3  }
0xc: {  	[smem:$0x3FA6] =	sst s4  }
0xd: {  	[smem:$0x3FA7] =	sst s5  }
0xe: {  	[smem:$0x3FA8] =	sst s6  }
0xf: {  	[smem:$0x3FA9] =	sst s7  }
0x10: {  	[smem:$0x3FAA] =	sst s8  }
0x11: {  	[smem:$0x3FAB] =	sst s9;
	s0 =	simm.s32 @!p0 $0x0  }
0x12: {  	s1 =	sld [smem:$0x3F91];
	s0 =	simm.s32 @p0 $0x1  }
0x13: {  	[smem:$0x3FAC] =	sst s0;
	s0 =	simm.s32 @!p1 $0x0  }
0x14: {  	s2 =	sld [smem:$0x3F90];
	s0 =	simm.s32 @p1 $0x1  }
0x15: {  	[smem:$0x3FAD] =	sst s0;
	s0 =	simm.s32 @!p2 $0x0  }
0x16: {  	s3 =	sld [smem:$0x3FDB];
	s0 =	simm.s32 @p2 $0x1  }
0x17: {  	s4 =	simm.s32 $0x1BF5;
	[smem:$0x3FAF] =	sst s0  }
0x18: {  	s0 =	sld [smem:$0x3F92];
	_ =	swait.ge [sflag:s4], $0x0  }
0x19: {  	s7 =	sld [smem:$0x3F93]  }
0x1a: {  	s8 =	sadd.s32 $0xFFFFE003, lr  }
0x1b: {  	s9 =	sadd.s32 $0xFFFFFEF7, lr;
	s5 =	simm.s32 $0xFFFFFFFF;
	p2 =	slt.u32 s8, $0xFFFFF086  }
0x1c: {  	p1 =	slt.u32 s9, $0xF7A;
	s5 =	simm.s32 @!p2 $0x0  }
0x1d: {  	s5 =	simm.s32 @p1 $0x1;
	p0 =	seq.s32 s7, s2  }
0x1e: {  	s7 =	smul.u32 @!p0 $0xF7A, s2;
	p2 =	seq.s32 @!p0 s5, $0x0  }
0x1f: {  	s9 =	smul.u32 $0xF7A, s1;
	s8 =	simm.s32 @!p0 $0x1BF5;
	p2 =	por !p2, p0  }
0x20: {  	[sflag:s8] =	ssyncset.s32 @!p0 $0xFFFFF086;
	s6 =	sadd.s32 @!p0 s3, s7;
	s7 =	simm.s32 @!p0 $0x108  }
0x21: {  	s3 =	sadd.s32 s3, s9;
	s6 =	sadd.s32 @!p0 $0x88, s6;
	s7 =	simm.s32 @p2 $0x1082  }
0x22: {  	[simem:s7], [sflag:s8] =	dma.local @!p0 [hbm:s6], $0xF7A  }
0x23: {  	s9 =	sor.u32 $0xD0000000, s2;
	s6 =	simm.s32 $0x108;
	_ =	swait.ge @!p0 [sflag:s8], $0x0  }
0x24: {  	s3 =	sadd.s32 $0x88, s3;
	s6 =	simm.s32 @!p1 $0x1082;
	[sflag:s4] =	ssyncset.s32 $0xFFFFF086  }
0x25: {  	[simem:s6], [sflag:s4] =	dma.local [hbm:s3], $0xF7A  }
0x26: {  	[smem:$0x3F93] =	sst s1;
	(tag) =	ssettag s2;
	_ =	strace s9  }
0x27: {  	s1 =	sld [smem:$0x3FA3]  }
0x28: {  	s2 =	sld [smem:$0x3FA4]  }
0x29: {  	s4 =	sld [smem:$0x3FA6]  }
0x2a: {  	p0 =	seq.s32 s5, $0x0;
	s5 =	sld [smem:$0x3FA7]  }
0x2b: {  	s6 =	sld [smem:$0x3FA8]  }
0x2c: {  	s7 =	sld [smem:$0x3FA9]  }
0x2d: {  	s3 =	simm.s32 $0x108;
	s8 =	sld [smem:$0x3FAA]  }
0x2e: {  	s3 =	simm.s32 @!p0 $0x1082;
	s9 =	sld [smem:$0x3FAB]  }
0x2f: {  	lr =	sadd.s32 s0, s3;
	s0 =	sld [smem:$0x3FA2]  }
0x30: {  	s3 =	sld [smem:$0x3FA5]  }
0x31: {  	[smem:$0x3FAE] =	sst s10  }
0x32: {  	s10 =	sld [smem:$0x3FAC];
	_ =	sdelay $0x3  }
0x33: {  	p0 =	seq.s32 s10, $0x1;
	s10 =	sld [smem:$0x3FAE];
	_ =	sdelay $0x3  }
0x34: {  	[smem:$0x3FAE] =	sst s10  }
0x35: {  	s10 =	sld [smem:$0x3FAD];
	_ =	sdelay $0x3  }
0x36: {  	p1 =	seq.s32 s10, $0x1;
	s10 =	sld [smem:$0x3FAE];
	_ =	sdelay $0x3  }
0x37: {  	[smem:$0x3FAE] =	sst s10  }
0x38: {  	s10 =	sld [smem:$0x3FAF]  }
0x39: {  	_ = 	snop;
	(pc) =	sbr.ind lr, $3  }
0x3a: {  	_ = 	snop  }
0x3b: {  	_ = 	snop  }
0x3c: {  	p2 =	seq.s32 s10, $0x1;
	s10 =	sld [smem:$0x3FAE]  }
0x3d: {  	_ =	shalt  }
0x3e: {  	_ =	shalt  }
0x3f: {  	_ =	shalt  }
0x40: {  	_ =	shalt  }
0x41: {  	_ =	shalt  }
0x42: {  	_ =	shalt  }
0x43: {  	_ =	shalt  }
0x44: {  	_ =	shalt  }
0x45: {  	_ =	shalt  }
0x46: {  	_ =	shalt  }
0x47: {  	_ =	shalt  }
0x48: {  	_ =	shalt  }
0x49: {  	_ =	shalt  }
0x4a: {  	_ =	shalt  }
0x4b: {  	_ =	shalt  }
0x4c: {  	_ =	shalt  }
0x4d: {  	_ =	shalt  }
0x4e: {  	_ =	shalt  }
0x4f: {  	_ =	shalt  }
0x50: {  	_ =	shalt  }
0x51: {  	_ =	shalt  }
0x52: {  	_ =	shalt  }
0x53: {  	_ =	shalt  }
0x54: {  	_ =	shalt  }
0x55: {  	_ =	shalt  }
0x56: {  	_ =	shalt  }
0x57: {  	_ =	shalt  }
0x58: {  	_ =	shalt  }
0x59: {  	_ =	shalt  }
0x5a: {  	_ =	shalt  }
0x5b: {  	_ =	shalt  }
0x5c: {  	_ =	shalt  }
0x5d: {  	_ =	shalt  }
0x5e: {  	_ =	shalt  }
0x5f: {  	_ =	shalt  }
0x60: {  	_ =	shalt  }
0x61: {  	_ =	shalt  }
0x62: {  	_ =	shalt  }
0x63: {  	_ =	shalt  }
0x64: {  	_ =	shalt  }
0x65: {  	_ =	shalt  }
0x66: {  	_ =	shalt  }
0x67: {  	_ =	shalt  }
0x68: {  	_ =	shalt  }
0x69: {  	_ =	shalt  }
0x6a: {  	_ =	shalt  }
0x6b: {  	_ =	shalt  }
0x6c: {  	_ =	shalt  }
0x6d: {  	_ =	shalt  }
0x6e: {  	_ =	shalt  }
0x6f: {  	_ =	shalt  }
0x70: {  	_ =	shalt  }
0x71: {  	_ =	shalt  }
0x72: {  	_ =	shalt  }
0x73: {  	_ =	shalt  }
0x74: {  	_ =	shalt  }
0x75: {  	_ =	shalt  }
0x76: {  	_ =	shalt  }
0x77: {  	_ =	shalt  }
0x78: {  	_ =	shalt  }
0x79: {  	_ =	shalt  }
0x7a: {  	_ =	shalt  }
0x7b: {  	_ =	shalt  }
0x7c: {  	_ =	shalt  }
0x7d: {  	_ =	shalt  }
0x7e: {  	_ =	shalt  }
0x7f: {  	_ =	shalt  }
0x80: {  	_ =	shalt  }
0x81: {  	_ =	shalt  }
0x82: {  	_ =	shalt  }
0x83: {  	_ =	shalt  }
0x84: {  	_ =	shalt  }
0x85: {  	_ =	shalt  }
0x86: {  	_ =	shalt  }
0x87: {  	_ =	shalt  }
.Lfunc_end0:
.L_simem_size_0:
called_computation_lowered:
.L_overlay_start_0:
0x88: {  	s2 =	sld [smem:$0x3FD9]  }
0x89: {  	s3 =	sld [smem:$0x3FFE];
	_ =	sdelay $0x1  }
0x8a: {  	s1 =	srdreg.scid  }
0x8b: {  	s0 =	sand.u32 $0x1, s1  }
0x8c: {  	s17 =	sshll.u32 s0, $0xA;
	s2 =	sadd.s32 s3, s2  }
0x8d: {  	s2 =	sadd.s32 s2, s17  }
0x8e: {  	[smem:$0x3FBA] =	sst s2  }
0x8f: {  	_ = 	snop  }
0x90: {  	s2 =	sld [smem:$0x3FC9]  }
0x91: {  	s18 =	sld [smem:$0x3FC8]  }
0x92: {  	s4 =	sld [smem:$0x3FC7]  }
0x93: {  	s5 =	sld [smem:$0x3FC6]  }
0x94: {  	s6 =	sld [smem:$0x3FC5]  }
0x95: {  	s7 =	sld [smem:$0x3FC4]  }
0x96: {  	s8 =	sld [smem:$0x3FD0];
	(tm) =	ssettm $0x1  }
0x97: {  	s9 =	sld [smem:$0x3FFB];
	_ =	sdelay $0x3  }
0x98: {  	_ =	strace s9  }
0x99: {  	s9 =	sld [smem:$0x3FFC];
	_ =	sdelay $0x3  }
0x9a: {  	_ =	strace s9  }
0x9b: {  	s9 =	sld [smem:$0x3FFD];
	_ =	sdelay $0x3  }
0x9c: {  	_ =	strace s9  }
0x9d: {  	_ =	strace $0x8FFFFFFF  }
0x9e: {  	s19 =	sld [smem:$0x3FDB];
	_ =	sdelay $0x1  }
0x9f: {  	s10 =	simm.s32 $_scs_section_size  }
0xa0: {  	s11 =	simm.s32 $_size__tile_overlayer_lowered;
	s12 =	simm.s32 $_tile_overlayer_lowered  }
0xa1: {  	s22 =	simm.s32 $0x1BFF;
	s21 =	sshll.u32 s12, $0x1;
	s9 =	sadd.s32 s10, s19  }
0xa2: {  	s13 =	simm.s32 $0x0;
	s20 =	sshll.u32 s11, $0x1;
	s11 =	sadd.s32 s21, s9  }
0xa3: {  	[timem:s13], [sflag:s22] =	dma.local [hbm:s11], s20  }
0xa4: {  	_ =	swait.ge [sflag:s22], s20  }
0xa5: {  	s10 =	ssub.s32 $0x0, s20;
	[sflag:s22] =	ssyncset.done $0x0  }
0xa6: {  	[sflag:s22] =	ssyncadd.s32 s10;
	_ =	sdelay $0x1  }
0xa7: {  	s23 =	simm.s32 $0x1B8B  }
0xa8: {  	_ =	swait.ge [sflag:s23], $0x1  }
0xa9: {  	[sflag:s23] =	ssyncset.done $0x0  }
0xaa: {  	s25 =	simm.s32 $0x1B8E;
	s24 =	sld [smem:$0x3FFE];
	[sflag:s23] =	ssyncadd.s32 $0xFFFFFFFF  }
0xab: {  	s26 =	simm.s32 $execute0_lowered;
	[smem:$0x3FD2] =	sst s25  }
0xac: {  	s11 =	sshll.u32 s26, $0x1;
	_ =	strace $0x80000046;
	[dreg:$0x1] =	wrdreg $0xFFFFFFFF  }
0xad: {  	s28 =	simm.s32 $_size_execute0_lowered;
	s9 =	sadd.s32 s9, s11;
	[dreg:$0x0] =	wrdreg $0x0  }
0xae: {  	s11 =	sshll.u32 s28, $0x1;
	[dreg:$0x2] =	wrdreg s9  }
0xaf: {  	[dreg:$0x3] =	wrdreg s11  }
0xb0: {  	[dreg:$0x4] =	wrdreg $0xC0  }
0xb1: {  	_ =	task [dreg:s13], $0x5FFFF  }
0xb2: {  	[dreg:$0x1] =	wrdreg $0xFFFFFFFF  }
0xb3: {  	[dreg:$0x0] =	wrdreg $0x60  }
0xb4: {  	[dreg:$0x2] =	wrdreg s2  }
0xb5: {  	[dreg:$0x3] =	wrdreg s18  }
0xb6: {  	[dreg:$0x4] =	wrdreg s4  }
0xb7: {  	[dreg:$0x5] =	wrdreg s5  }
0xb8: {  	[dreg:$0x6] =	wrdreg s6  }
0xb9: {  	[dreg:$0x7] =	wrdreg s7  }
0xba: {  	[dreg:$0x8] =	wrdreg s24  }
0xbb: {  	[dreg:$0x9] =	wrdreg s8  }
0xbc: {  	[dreg:$0xa] =	wrdreg $0x13F000  }
0xbd: {  	[dreg:$0xb] =	wrdreg $0x13F200  }
0xbe: {  	[dreg:$0xc] =	wrdreg $0x9  }
0xbf: {  	_ =	task.clear_ibuf [dreg:s13], $0xDFFFF;
	_ =	strace $0x90000046  }
0xc0: {  	s29 =	simm.s32 $0x9;
	_ =	strace $0x80000048  }
0xc1: {  	_ =	swait.ge [sflag:s29], $0x1  }
0xc2: {  	[sflag:s29] =	ssyncadd.s32 $0xFFFFFFFF  }
0xc3: {  	_ =	strace $0x90000048  }
0xc4: {  	_ =	sfence  }
0xc5: {  	s30 =	sld [smem:$0x0];
	_ =	sdelay $0x2  }
0xc6: {  	s31 =	sshll.u32 s1, $0xD;
	s1 =	sshrl.u32 s1, $0x2  }
0xc7: {  	s3 =	sand.u32 $0x4000, s31;
	s1 =	sadd.s32 s1, s30  }
0xc8: {  	s0 =	sor.u32 s3, s0;
	s1 =	sshll.u32 s1, $0x11  }
0xc9: {  	s0 =	sor.u32 s1, s0  }
0xca: {  	s0 =	sadd.s32 $0x8F2B, s0  }
0xcb: {  	[sflag:s0] =	ssyncadd.remote.s32 $0x1  }
0xcc: {  	_ =	sfence.sel $0xFFFF  }
0xcd: {  	[dreg:$0x0] =	wrdreg $0xFFFFFFFF;
	(pc) =	sbr.abs _section_cstart, $3  }
0xce: {  	[dreg:$0x1] =	wrdreg $0xFFFFFFFF  }
0xcf: {  	_ =	task.clear_ibuf [dreg:s13], $0x2FFFF;
	_ =	strace $0x9FFFFFFF  }
0xd0: {  	(tm) =	ssettm $0x7FFFFFFF  }
0xd1: {  	_ =	shalt  }
tec
execute0_lowered:
.L_overlay_start_1:
0x0: {  	(tag) =	ssettag $0x1  }
0x1: {  	s0 =	rddreg [dreg:$0x0]  }
0x2: {  	s3 =	rddreg [dreg:$0x1]  }
0x3: {  	s4 =	rddreg [dreg:$0x2]  }
0x4: {  	s1 =	rddreg [dreg:$0x3]  }
0x5: {  	s2 =	rddreg [dreg:$0x4]  }
0x6: {  	s31 =	rddreg [dreg:$0x5]  }
0x7: {  	s5 =	rddreg [dreg:$0x6]  }
0x8: {  	s8 =	rddreg [dreg:$0x7]  }
0x9: {  	s18 =	rddreg [dreg:$0x8]  }
0xa: {  	s19 =	stileid.u32;
	s6 =	rddreg [dreg:$0x9]  }
0xb: {  	s14 =	srdreg.scid;
	s30 =	simm.s32 $0x200;
	s9 =	sadd.s32 $0xFFFFFFF8, s19  }
0xc: {  	s11 =	sshll.u32 s19, $0x6;
	s17 =	sand.u32 $0x1, s14;
	s15 =	sshll.u32 s19, $0x7  }
0xd: {  	s23 =	sadd.s32 $0x1000, s5;
	s25 =	sadd.s32 $0x180, s18;
	p1 =	sne.s32 s19, $0xE  }
0xe: {  	s7 =	sand.u32 $0x80, s9;
	s12 =	sand.u32 $0x40, s11;
	s14 =	ssub.s32 $0x2, s17  }
0xf: {  	s26 =	sor.u32 $0x10, s11;
	s28 =	sor.u32 $0x20, s11;
	s10 =	sshrl.u32 s7, $0x7  }
0x10: {  	v0 =	vimm.s32 $0xFEDCBA98;
	s29 =	sor.u32 $0x30, s11;
	s7 =	simm.s32 $0x0;
	s10 =	sadd.s32 s10, s9  }
0x11: {  	v2 =	vimm.s32 $0x76543210;
	v1 =	vunpack.c.l.s4.s8 v0;
	v0 =	vlaneseq.u32;
	p0 =	sgt.u32 s9, $0x5;
	[smem:$0x7FF] =	sst s7;
	s10 =	sshra.s32 s10, $0x1  }
0x12: {  	v3 =	vunpack.c.l.s4.s8 v2;
	v2 =	vor.u32 s26, v0;
	s26 =	simm.s32 $0x80;
	_ =	strace $0x80000047;
	s13 =	sshll.u32 s10, $0x7  }
0x13: {  	v5 =	vimm.s32 $0xBA98FEDC;
	v7 =	vimm.s32 $0x32107654;
	v8 =	vimm.s32 $0xDCFE98BA;
	[dreg:$0xd] =	wrdreg s25;
	s21 =	sshll.u32 s10, $0x6;
	s12 =	sor.u32 s12, s13  }
0x14: {  	v9 =	vimm.s32 $0x54761032;
	v10 =	vimm.s32 $0xEFCDAB89;
	v11 =	vimm.s32 $0x67452301;
	s13 =	sshll.u32 s17, $0x6;
	s17 =	sshrl.u32 s14, $0x1;
	s16 =	sshll.u32 s12, $0x3  }
0x15: {  	v5 =	vunpack.c.l.s4.s8 v5;
	v7 =	vunpack.c.l.s4.s8 v7;
	v8 =	vunpack.c.l.s4.s8 v8;
	s15 =	sor.u32 s13, s15;
	s14 =	ssub.s32 s14, s17;
	s24 =	sadd.s32 s12, s18  }
0x16: {  	v9 =	vunpack.c.l.s4.s8 v9;
	v10 =	vunpack.c.l.s4.s8 v10;
	v11 =	vunpack.c.l.s4.s8 v11;
	s12 =	simm.s32 $0x4;
	s20 =	sadd.s32 s16, s5;
	s16 =	sadd.s32 s0, s15  }
0x17: {  	v4 =	vunpack.c.0.s8.s32 v1;
	v1 =	vor.u32 s11, v0;
	v6 =	vor.u32 s28, v0;
	s17 =	sadd.s32 s3, s15;
	s4 =	sadd.s32 s4, s15;
	s0 =	sand.u32 $0xC0, s21  }
0x18: {  	v3 =	vunpack.c.0.s8.s32 v3;
	v5 =	vunpack.c.0.s8.s32 v5;
	v7 =	vunpack.c.0.s8.s32 v7;
	[dreg:$0xc] =	wrdreg s24;
	s24 =	sadd.s32 s11, s6;
	s13 =	sadd.s32 s8, s15  }
0x19: {  	v8 =	vunpack.c.0.s8.s32 v8;
	v9 =	vunpack.c.0.s8.s32 v9;
	v10 =	vunpack.c.0.s8.s32 v10;
	s25 =	smax.u32 s14, $0x1;
	s3 =	simm.s32 $0x400;
	s11 =	simm.s32 $0x600  }
0x1a: {  	v11 =	vunpack.c.0.s8.s32 v11;
	v12 =	vor.u32 s29, v0;
	v4 =	vand.u32 $0xF, v4;
	s21 =	simm.s32 $0x2;
	s14 =	simm.s32 $0x3;
	s22 =	sadd.s32 $0x400, s20  }
0x1b: {  	v6 =	vmin.u32 v6, $0x3E7;
	v3 =	vcombine.low v4, v3;
	v4 =	vcombine.low v7, v5;
	s15 =	simm.s32 $0x0;
	s0 =	sor.u32 $0x12600, s0;
	[dreg:$0xb] =	wrdreg s22  }
0x1c: {  	v5 =	vcombine.low v9, v8;
	v7 =	vmin.u32 v12, $0x3E7;
	v8 =	vcombine.low v11, v10;
	[dreg:$0xe] =	wrdreg s0;
	s22 =	simm.s32 $0x9;
	s0 =	simm.s32 $0x5  }
.LBB2_1:
0x1d: {  	[tilespmem:s7], [sflag:$0x6] =	stream.linear.gather [hbm4b:s16+s7], $0x200, $0x38;
	[tilespmem:$0x13F60] =	vst v63  }
0x1e: {  	_ = 	snop  }
0x1f: {  	[tilespmem:s30], [sflag:$0x7] =	stream.linear.gather [hbm4b:s17+s7], $0x200, $0x38;
	[tilespmem:$0x13F60] =	vst v63  }
0x20: {  	_ = 	snop  }
0x21: {  	[tilespmem:s3], [sflag:$0x8] =	stream.linear.gather [hbm4b:s4+s7], $0x200, $0x38;
	[tilespmem:$0x13F60] =	vst v63  }
0x22: {  	s5 =	simm.s32 $0x12600  }
0x23: {  	[tilespmem:s5], [sflag:$0x9] =	stream.linear.gather [hbm4b:s23+s7], $0x190, $0x38;
	[tilespmem:$0x13F60] =	vst v63  }
0x24: {  	_ =	swait.ge [sflag:s22], $0x190  }
0x25: {  	[sflag:s22] =	ssyncset.done $0x0  }
0x26: {  	s10 =	simm.s32 $0x6;
	[sflag:s22] =	ssyncadd.s32 $0xFFFFFE70  }
0x27: {  	_ =	swait.ge [sflag:s10], $0x200  }
0x28: {  	[sflag:s10] =	ssyncset.done $0x0  }
0x29: {  	s19 =	simm.s32 $0x7;
	[sflag:s10] =	ssyncadd.s32 $0xFFFFFE00  }
0x2a: {  	_ =	swait.ge [sflag:s19], $0x200  }
0x2b: {  	[sflag:s19] =	ssyncset.done $0x0  }
0x2c: {  	s20 =	simm.s32 $0x8;
	[sflag:s19] =	ssyncadd.s32 $0xFFFFFE00  }
0x2d: {  	_ =	swait.ge [sflag:s20], $0x200  }
0x2e: {  	[sflag:s20] =	ssyncset.done $0x0  }
0x2f: {  	[sflag:s20] =	ssyncadd.s32 $0xFFFFFE00  }
0x30: {  	[tilespmem:s11], [sflag:$0x1] =	stream.indirect.gather [hbm4b:s1+s26], $0x80, s7, s26, $0xb8;
	[tilespmem:$0x13F60] =	vst v63  }
.Ltmp0:
0x31: {  	_ = 	snop;
	(pc) =	sbr.rel @p0 .LBB2_7-.Ltmp0, $4  }
0x32: {  	s28 =	simm.s32 $0x4600  }
0x33: {  	[tilespmem:s28], [sflag:$0x2] =	stream.indirect.gather [hbm4b:s1+s26], $0x80, s26, s26, $0xb8;
	[tilespmem:$0x13F60] =	vst v63  }
0x34: {  	s29 =	simm.s32 $0x100;
	s8 =	simm.s32 $0x8600  }
0x35: {  	[tilespmem:s8], [sflag:$0x3] =	stream.indirect.gather [hbm4b:s1+s26], $0x80, s29, s26, $0xb8;
	[tilespmem:$0x13F60] =	vst v63  }
0x36: {  	s7 =	smov.u32 s13;
	s13 =	smov.u32 s6;
	s6 =	smov.u32 s2  }
0x37: {  	s5 =	simm.s32 $0x0;
	s8 =	rddreg [dreg:$0xb];
	s9 =	simm.s32 $0x12800  }
0x38: {  	[tilespmem:s9], [sflag:$0x9] =	stream.linear.gather [hbm4b:s8+s5], $0x1000, $0x38;
	[tilespmem:$0x13F60] =	vst v63  }
0x39: {  	s2 =	smov.u32 s1;
	s1 =	smov.u32 s24;
	_ =	swait.ge [sflag:s22], $0x1000  }
0x3a: {  	s24 =	smov.u32 s4;
	s4 =	smov.u32 s18;
	[sflag:s22] =	ssyncset.done $0x0  }
0x3b: {  	s18 =	smov.u32 s31;
	s31 =	rddreg [dreg:$0xe];
	[sflag:s22] =	ssyncadd.s32 $0xFFFFF000  }
0x3c: {  	v9 =	vld [tilespmem:s31+$0x0]  }
0x3d: {  	v10 =	vld [tilespmem:s31+$0x10]  }
0x3e: {  	s3 =	smov.u32 s25;
	s25 =	smov.u32 s23;
	v11 =	vld [tilespmem:s31+$0x20]  }
0x3f: {  	s23 =	smov.u32 s17;
	s30 =	smov.u32 s16;
	s19 =	simm.s32 $0x0;
	v12 =	vld [tilespmem:s31+$0x30]  }
.LBB2_3:
0x40: {  	s8 =	sshll.u32 s19, $0xA  }
0x41: {  	s8 =	sand.u32 $0x3FFFFC00, s8  }
0x42: {  	s10 =	sand.u32 $0x380, s5;
	s20 =	sadd.s32 $0x12800, s8  }
0x43: {  	s9 =	sand.u32 $0x40, s5;
	s8 =	sadd.s32 s10, s20  }
0x44: {  	s8 =	sadd.s32 s9, s8  }
0x45: {  	v13 =	vld [tilespmem:s8+$0x0]  }
0x46: {  	s11 =	simm.s32 $0x40;
	v14 =	vld [tilespmem:s8+$0x10]  }
0x47: {  	s10 =	sand.u32 $0x380, s11;
	v15 =	vld [tilespmem:s8+$0x20]  }
0x48: {  	s16 =	sand.u32 $0x40, s11;
	s17 =	sadd.s32 s10, s20;
	v16 =	vld [tilespmem:s8+$0x30]  }
0x49: {  	s8 =	sadd.s32 s16, s17  }
0x4a: {  	v17 =	vld [tilespmem:s8+$0x0]  }
0x4b: {  	v18 =	vld [tilespmem:s8+$0x10]  }
0x4c: {  	s10 =	simm.s32 $0x80;
	v20 =	vld [tilespmem:s8+$0x30];
	v13 =	vmul.f32 v13, v9;
	v14 =	vmul.f32 v14, v10  }
0x4d: {  	s11 =	sand.u32 $0x380, s10;
	v19 =	vld [tilespmem:s8+$0x20];
	v15 =	vmul.f32 v15, v11;
	v16 =	vmul.f32 v16, v12  }
0x4e: {  	s16 =	sand.u32 $0x40, s10;
	s17 =	sadd.s32 s11, s20  }
0x4f: {  	s8 =	sadd.s32 s16, s17;
	v13 =	vadd.f32 v14, v13;
	v14 =	vadd.f32 v16, v15  }
0x50: {  	s10 =	simm.s32 $0xC0;
	v15 =	vld [tilespmem:s8+$0x0]  }
0x51: {  	s11 =	sand.u32 $0x380, s10;
	v20 =	vmul.f32 v20, v12;
	v16 =	vmul.f32 v17, v9;
	v17 =	vld [tilespmem:s8+$0x10];
	v13 =	vadd.f32 v14, v13  }
0x52: {  	s16 =	sand.u32 $0x40, s10;
	s17 =	sadd.s32 s11, s20;
	v22 =	vld [tilespmem:s8+$0x30];
	v14 =	vmul.f32 v18, v10;
	v18 =	vmul.f32 v19, v11  }
0x53: {  	v19 =	vld [tilespmem:s8+$0x20];
	s8 =	sadd.s32 s16, s17;
	v21 =	vperm.xlane v13, v3  }
0x54: {  	v24 =	vld [tilespmem:s8+$0x20];
	v14 =	vadd.f32 v14, v16;
	v16 =	vadd.f32 v20, v18  }
0x55: {  	v18 =	vld [tilespmem:s8+$0x0];
	v13 =	vadd.f32 v13, v21  }
0x56: {  	v20 =	vld [tilespmem:s8+$0x10];
	v15 =	vmul.f32 v15, v9;
	v17 =	vmul.f32 v17, v10;
	v14 =	vadd.f32 v16, v14  }
0x57: {  	s10 =	simm.s32 $0x100;
	v21 =	vmul.f32 v22, v12;
	v16 =	vperm.xlane v13, v4  }
0x58: {  	s11 =	sand.u32 $0x380, s10;
	v22 =	vld [tilespmem:s8+$0x30];
	v19 =	vmul.f32 v19, v11;
	v23 =	vperm.xlane v14, v3  }
0x59: {  	s16 =	sand.u32 $0x40, s10;
	s17 =	sadd.s32 s11, s20;
	v15 =	vadd.f32 v17, v15;
	v24 =	vmul.f32 v24, v11;
	v25 =	vadd.f32 v13, v16  }
0x5a: {  	s10 =	sadd.s32 s16, s17;
	v17 =	vadd.f32 v21, v19;
	v18 =	vmul.f32 v18, v9;
	v14 =	vadd.f32 v14, v23  }
0x5b: {  	v20 =	vmul.f32 v20, v10;
	v19 =	vld [tilespmem:s10+$0x10];
	v21 =	vperm.xlane v25, v5  }
0x5c: {  	s29 =	simm.s32 $0x2;
	s28 =	simm.s32 $0x3;
	s31 =	simm.s32 $0x140;
	v13 =	vimm.f32 $0.0e+00;
	v16 =	vld [tilespmem:s10+$0x0];
	v17 =	vadd.f32 v17, v15;
	v23 =	vperm.xlane v14, v4  }
0x5d: {  	s9 =	simm.s32 $0x4;
	s11 =	simm.s32 $0x5;
	s8 =	simm.s32 $0x1;
	v15 =	vadd.f32 v25, v21;
	v21 =	vld [tilespmem:s10+$0x20];
	v25 =	vmul.f32 v22, v12;
	v22 =	vmov s5  }
.LBB2_4:
0x5e: {  	s16 =	sand.u32 $0x380, s31  }
0x5f: {  	v26 =	vld [tilespmem:s10+$0x30];
	v27 =	vperm.xlane v17, v3;
	v28 =	vadd.f32 v14, v23;
	v23 =	vperm.xlane v15, v8;
	s17 =	smov.u32 s28;
	s28 =	smov.u32 s9;
	p2 =	sne.s32 s11, $0xF  }
.Ltmp1:
0x60: {  	s9 =	sand.u32 $0x40, s31;
	v29 =	vadd.f32 v20, v18;
	vm0 =	veq.s32 v22, v0;
	s10 =	sadd.s32 s16, s20;
	v24 =	vadd.f32 v25, v24;
	(pc) =	sbr.rel @p2 .LBB2_4-.Ltmp1, $4  }
0x61: {  	s10 =	sadd.s32 s9, s10;
	v14 =	vadd.f32 v17, v27;
	v22 =	vperm.xlane v28, v5;
	v25 =	vadd.f32 v15, v23;
	s9 =	smov.u32 s11  }
0x62: {  	v18 =	vmul.f32 v16, v9;
	v16 =	vld [tilespmem:s10+$0x0];
	v20 =	vmul.f32 v19, v10;
	v17 =	vadd.f32 v24, v29  }
0x63: {  	s11 =	sadd.s32 $0x1, s11;
	v19 =	vld [tilespmem:s10+$0x10];
	v23 =	vperm.xlane v14, v4;
	v15 =	vadd.f32 v28, v22;
	v13 =	vsel vm0, v25, v13  }
0x64: {  	s31 =	sadd.s32 $0x40, s31;
	v24 =	vmul.f32 v21, v11;
	v22 =	vmov s8;
	s8 =	smov.u32 s29;
	s29 =	smov.u32 s17;
	v21 =	vld [tilespmem:s10+$0x20];
	v25 =	vmul.f32 v26, v12  }
0x65: {  	v26 =	vld [tilespmem:s10+$0x30];
	_ =	sdelay $0x3  }
0x66: {  	v16 =	vmul.f32 v16, v9;
	v19 =	vmul.f32 v19, v10  }
0x67: {  	v21 =	vmul.f32 v21, v11;
	v26 =	vmul.f32 v26, v12  }
0x68: {  	v18 =	vadd.f32 v20, v18;
	v46 =	vadd.f32 v25, v24  }
0x69: {  	v16 =	vadd.f32 v19, v16;
	v47 =	vadd.f32 v26, v21  }
0x6a: {  	v18 =	vadd.f32 v46, v18  }
0x6b: {  	v48 =	vperm.xlane v17, v3;
	v16 =	vadd.f32 v47, v16  }
0x6c: {  	v49 =	vperm.xlane v18, v3  }
0x6d: {  	v17 =	vadd.f32 v17, v48;
	v50 =	vperm.xlane v16, v3  }
0x6e: {  	v18 =	vadd.f32 v18, v49  }
0x6f: {  	v14 =	vadd.f32 v14, v23;
	v21 =	vperm.xlane v17, v4;
	v16 =	vadd.f32 v16, v50  }
0x70: {  	v51 =	vperm.xlane v15, v8;
	v52 =	vperm.xlane v18, v4  }
0x71: {  	v53 =	vperm.xlane v14, v5;
	v17 =	vadd.f32 v17, v21;
	v54 =	vperm.xlane v16, v4  }
0x72: {  	vm0 =	veq.s32 v22, v0;
	v15 =	vadd.f32 v15, v51;
	v18 =	vadd.f32 v18, v52  }
0x73: {  	v14 =	vadd.f32 v14, v53;
	v55 =	vperm.xlane v17, v5;
	v16 =	vadd.f32 v16, v54  }
0x74: {  	v13 =	vsel vm0, v15, v13;
	v56 =	vperm.xlane v18, v5  }
0x75: {  	v15 =	vperm.xlane v14, v8;
	v17 =	vadd.f32 v17, v55;
	v57 =	vperm.xlane v16, v5  }
0x76: {  	v58 =	vmov s8;
	v60 =	vmov s29;
	v18 =	vadd.f32 v18, v56  }
0x77: {  	v14 =	vadd.f32 v14, v15;
	v59 =	vperm.xlane v17, v8;
	v15 =	vadd.f32 v16, v57  }
0x78: {  	v61 =	vmov s28;
	s31 =	sshll.u32 s19, $0x4;
	s19 =	sadd.s32 $0x1, s19;
	vm12 =	veq.s32 v58, v0;
	v19 =	vperm.xlane v18, v8  }
0x79: {  	p2 =	sne.s32 s19, $0x4;
	v13 =	vsel vm12, v14, v13;
	v17 =	vadd.f32 v17, v59;
	v14 =	vperm.xlane v15, v8  }
.Ltmp2:
0x7a: {  	v63 =	vmov s9;
	vm13 =	veq.s32 v60, v0;
	v62 =	vadd.f32 v18, v19;
	(pc) =	sbr.rel @p2 .LBB2_3-.Ltmp2, $4  }
0x7b: {  	vm14 =	veq.s32 v61, v0;
	v13 =	vsel vm13, v17, v13;
	v14 =	vadd.f32 v15, v14  }
0x7c: {  	vm15 =	veq.s32 v63, v0;
	v13 =	vsel vm14, v62, v13  }
0x7d: {  	s8 =	sand.u32 $0x3FFFFFF0, s31;
	v13 =	vsel vm15, v14, v13  }
0x7e: {  	[tilespmem:s8+$0x13800] =	vst v13  }
0x7f: {  	s5 =	rddreg [dreg:$0xc];
	s8 =	simm.s32 $0x13800;
	s31 =	smov.u32 s18  }
0x80: {  	s18 =	smov.u32 s4;
	s16 =	smov.u32 s30;
	s17 =	smov.u32 s23  }
0x81: {  	s4 =	smov.u32 s24;
	s23 =	smov.u32 s25;
	s24 =	smov.u32 s1  }
0x82: {  	s1 =	smov.u32 s2;
	s2 =	smov.u32 s6;
	s6 =	smov.u32 s13  }
0x83: {  	[spmem:s5] =	stream.linear.scatter [tilespmem:s8], [sflag:$0x9], $0x40, $0x38;
	[tilespmem:$0x13F60] =	vst v63  }
0x84: {  	s13 =	smov.u32 s7;
	s7 =	simm.s32 $0x0;
	_ =	swait.ge [sflag:s22], $0x40  }
0x85: {  	s25 =	smov.u32 s3;
	s30 =	simm.s32 $0x200;
	[sflag:s22] =	ssyncset.done $0x0  }
0x86: {  	s3 =	simm.s32 $0x400;
	s11 =	simm.s32 $0x600;
	[sflag:s22] =	ssyncadd.s32 $0xFFFFFFC0  }
.LBB2_7:
.Ltmp3:
0x87: {  	(pc) =	sbr.rel @p1 .LBB2_9-.Ltmp3, $1  }
0x88: {  	_ =	sdelay $0x3  }
0x89: {  	v9 =	vld [tilespmem:$0x126C0]  }
0x8a: {  	v10 =	vld [tilespmem:$0x12600]  }
0x8b: {  	v11 =	vld [tilespmem:$0x126D0]  }
0x8c: {  	v12 =	vld [tilespmem:$0x12610]  }
0x8d: {  	v13 =	vld [tilespmem:$0x126E0]  }
0x8e: {  	v14 =	vld [tilespmem:$0x12620]  }
0x8f: {  	v15 =	vld [tilespmem:$0x12630];
	v9 =	vmul.f32 v10, v9  }
0x90: {  	v10 =	vld [tilespmem:$0x126F0]  }
0x91: {  	v51 =	vld [tilespmem:$0x12700];
	v11 =	vmul.f32 v12, v11;
	v9 =	vadd.f32 $0.0e+00, v9  }
0x92: {  	v16 =	vld [tilespmem:$0x12640]  }
0x93: {  	v52 =	vld [tilespmem:$0x12710];
	v9 =	vadd.f32 v11, v9;
	v11 =	vmul.f32 v14, v13  }
0x94: {  	v53 =	vld [tilespmem:$0x12650]  }
0x95: {  	v54 =	vld [tilespmem:$0x12660];
	v10 =	vmul.f32 v15, v10;
	v9 =	vadd.f32 v11, v9  }
0x96: {  	v11 =	vld [tilespmem:$0x12720]  }
0x97: {  	v55 =	vld [tilespmem:$0x12730];
	v9 =	vadd.f32 v10, v9;
	v10 =	vmul.f32 v16, v51  }
0x98: {  	v56 =	vld [tilespmem:$0x12670]  }
0x99: {  	v57 =	vld [tilespmem:$0x12740];
	v9 =	vadd.f32 v10, v9;
	v10 =	vmul.f32 v53, v52  }
0x9a: {  	v58 =	vld [tilespmem:$0x12680]  }
0x9b: {  	v59 =	vld [tilespmem:$0x12690];
	v9 =	vadd.f32 v10, v9;
	v10 =	vmul.f32 v54, v11  }
0x9c: {  	v11 =	vld [tilespmem:$0x12750]  }
0x9d: {  	v60 =	vld [tilespmem:$0x12760];
	v9 =	vadd.f32 v10, v9;
	v10 =	vmul.f32 v56, v55  }
0x9e: {  	v61 =	vld [tilespmem:$0x126A0]  }
0x9f: {  	v62 =	vld [tilespmem:$0x12770];
	v9 =	vadd.f32 v10, v9;
	v10 =	vmul.f32 v58, v57  }
0xa0: {  	v63 =	vld [tilespmem:$0x126B0]  }
0xa1: {  	v9 =	vadd.f32 v10, v9;
	v10 =	vmul.f32 v59, v11;
	_ =	sdelay $0x1  }
0xa2: {  	v9 =	vadd.f32 v10, v9;
	v10 =	vmul.f32 v61, v60;
	_ =	sdelay $0x1  }
0xa3: {  	v9 =	vadd.f32 v10, v9;
	v10 =	vmul.f32 v63, v62;
	_ =	sdelay $0x1  }
0xa4: {  	v9 =	vadd.f32 v10, v9;
	_ =	sdelay $0x1  }
0xa5: {  	v10 =	vperm.xlane v9, v3;
	_ =	sdelay $0x1  }
0xa6: {  	v9 =	vadd.f32 v10, v9;
	_ =	sdelay $0x1  }
0xa7: {  	v10 =	vperm.xlane v9, v4;
	_ =	sdelay $0x1  }
0xa8: {  	v9 =	vadd.f32 v10, v9;
	_ =	sdelay $0x1  }
0xa9: {  	v10 =	vperm.xlane v9, v5;
	_ =	sdelay $0x1  }
0xaa: {  	v9 =	vadd.f32 v10, v9  }
0xab: {  	v10 =	vld [tilespmem:$0x12780]  }
0xac: {  	v11 =	vperm.xlane v9, v8;
	_ =	sdelay $0x1  }
0xad: {  	v9 =	vadd.f32 v11, v9;
	_ =	sdelay $0x1  }
0xae: {  	v9 =	vadd.f32 v10, v9;
	_ =	sdelay $0x1  }
0xaf: {  	s5 =	rddreg [dreg:$0xd];
	s8 =	simm.s32 $0x13800;
	[tilespmem:$0x13800] =	vst v9  }
0xb0: {  	[spmem:s5] =	stream.linear.scatter [tilespmem:s8], [sflag:$0x9], $0x10, $0x38;
	[tilespmem:$0x13F60] =	vst v63  }
0xb1: {  	_ =	swait.ge [sflag:s22], $0x10  }
0xb2: {  	[sflag:s22] =	ssyncset.done $0x0  }
0xb3: {  	[sflag:s22] =	ssyncadd.s32 $0xFFFFFFF0  }
.LBB2_9:
0xb4: {  	[bflag:$0x0] =	sbarrier.arrive $0xFFFF;
	s5 =	simm.s32 $0x13880  }
0xb5: {  	[tilespmem:s5], [sflag:$0x9] =	stream.linear.gather [spmem:s18], $0x200, $0x38;
	[tilespmem:$0x13F60] =	vst v63  }
0xb6: {  	_ =	swait.ge [sflag:s22], $0x200  }
0xb7: {  	[sflag:s22] =	ssyncset.done $0x0  }
0xb8: {  	[sflag:s22] =	ssyncadd.s32 $0xFFFFFE00  }
0xb9: {  	[tilespmem:$0x13E80] =	vst v1  }
0xba: {  	[tilespmem:$0x13E90] =	vst v2  }
0xbb: {  	[tilespmem:$0x13EA0] =	vst v6  }
0xbc: {  	s29 =	simm.s32 $0x40;
	s8 =	simm.s32 $0x13E80;
	s9 =	simm.s32 $0x10600;
	[tilespmem:$0x13EB0] =	vst v7  }
0xbd: {  	[tilespmem:s9], [sflag:$0x5] =	stream.indirect.gather [hbm4b:s31+s29], $0x80, s8, s29, $0xb8;
	[tilespmem:$0x13F60] =	vst v63  }
0xbe: {  	_ =	swait.ge [sflag:s0], $0x2000  }
0xbf: {  	[sflag:s0] =	ssyncset.done $0x0  }
0xc0: {  	[sflag:s0] =	ssyncadd.s32 $0xFFFFE000  }
0xc1: {  	v9 =	vld [tilespmem:$0x13980]  }
0xc2: {  	v10 =	vld [tilespmem:$0x13990]  }
0xc3: {  	v11 =	vld [tilespmem:$0x139A0]  }
0xc4: {  	v12 =	vld [tilespmem:$0x139B0]  }
0xc5: {  	v13 =	vld [tilespmem:$0x139C0]  }
0xc6: {  	v14 =	vld [tilespmem:$0x139D0]  }
0xc7: {  	v15 =	vld [tilespmem:$0x139E0]  }
0xc8: {  	s19 =	simm.s32 $0x10640;
	s20 =	simm.s32 $0x0;
	s5 =	simm.s32 $0x0;
	v16 =	vld [tilespmem:$0x139F0]  }
.LBB2_10:
0xc9: {  	v17 =	vld [tilespmem:s19+$0xFFFFFFC0]  }
0xca: {  	v18 =	vld [tilespmem:s19+$0xFFFFFFD0]  }
0xcb: {  	v19 =	vld [tilespmem:s19+$0xFFFFFFE0]  }
0xcc: {  	v20 =	vld [tilespmem:s19+$0xFFFFFFF0]  }
0xcd: {  	v21 =	vld [tilespmem:s19+$0x0]  }
0xce: {  	v22 =	vld [tilespmem:s19+$0x10]  }
0xcf: {  	v23 =	vld [tilespmem:s19+$0x20]  }
0xd0: {  	v24 =	vld [tilespmem:s19+$0x30]  }
0xd1: {  	s8 =	sadd.s32 $0x80, s19  }
0xd2: {  	v25 =	vld [tilespmem:s8+$0xFFFFFFC0];
	v17 =	vmul.f32 v17, v9;
	v18 =	vmul.f32 v18, v10  }
0xd3: {  	v26 =	vld [tilespmem:s8+$0xFFFFFFD0];
	v19 =	vmul.f32 v19, v11;
	v20 =	vmul.f32 v20, v12  }
0xd4: {  	v27 =	vld [tilespmem:s8+$0xFFFFFFE0];
	v21 =	vmul.f32 v21, v13;
	v22 =	vmul.f32 v22, v14  }
0xd5: {  	v28 =	vld [tilespmem:s8+$0xFFFFFFF0];
	v23 =	vmul.f32 v23, v15;
	v24 =	vmul.f32 v24, v16  }
0xd6: {  	v17 =	vadd.f32 v18, v17;
	v18 =	vld [tilespmem:s8+$0x0];
	v19 =	vadd.f32 v20, v19  }
0xd7: {  	v20 =	vld [tilespmem:s8+$0x10];
	v21 =	vadd.f32 v22, v21;
	v22 =	vadd.f32 v24, v23  }
0xd8: {  	v23 =	vld [tilespmem:s8+$0x20]  }
0xd9: {  	v17 =	vadd.f32 v19, v17;
	v19 =	vld [tilespmem:s8+$0x30];
	v21 =	vadd.f32 v22, v21  }
0xda: {  	v24 =	vmul.f32 v26, v10;
	s8 =	sadd.s32 $0x80, s8  }
0xdb: {  	v22 =	vmul.f32 v25, v9;
	v25 =	vmul.f32 v27, v11;
	v26 =	vld [tilespmem:s8+$0xFFFFFFC0];
	v17 =	vadd.f32 v21, v17  }
0xdc: {  	v27 =	vld [tilespmem:s8+$0xFFFFFFD0];
	v21 =	vmul.f32 v28, v12;
	v18 =	vmul.f32 v18, v13  }
0xdd: {  	v30 =	vld [tilespmem:s8+$0xFFFFFFF0];
	v20 =	vmul.f32 v20, v14;
	v29 =	vperm.xlane v17, v3  }
0xde: {  	v22 =	vadd.f32 v24, v22;
	v24 =	vld [tilespmem:s8+$0x0];
	v23 =	vmul.f32 v23, v15;
	v19 =	vmul.f32 v19, v16  }
0xdf: {  	v28 =	vld [tilespmem:s8+$0xFFFFFFE0];
	v21 =	vadd.f32 v21, v25;
	v17 =	vadd.f32 v17, v29  }
0xe0: {  	v25 =	vld [tilespmem:s8+$0x10];
	v18 =	vadd.f32 v20, v18;
	v19 =	vadd.f32 v19, v23  }
0xe1: {  	v20 =	vld [tilespmem:s8+$0x20];
	v23 =	vperm.xlane v17, v4  }
0xe2: {  	v26 =	vmul.f32 v26, v9;
	v21 =	vadd.f32 v21, v22;
	v22 =	vld [tilespmem:s8+$0x30];
	v18 =	vadd.f32 v19, v18  }
0xe3: {  	s9 =	sadd.s32 $0x80, s8;
	v24 =	vmul.f32 v24, v13;
	v19 =	vmul.f32 v27, v10;
	v23 =	vadd.f32 v17, v23  }
0xe4: {  	v29 =	vld [tilespmem:s9+$0xFFFFFFC0];
	v27 =	vmul.f32 v28, v11;
	v28 =	vmul.f32 v30, v12;
	v21 =	vadd.f32 v18, v21  }
0xe5: {  	v34 =	vmov s5;
	v30 =	vld [tilespmem:s9+$0xFFFFFFD0];
	v25 =	vmul.f32 v25, v14;
	v31 =	vperm.xlane v23, v5  }
0xe6: {  	vm0 =	veq.s32 v34, v0;
	v32 =	vmul.f32 v20, v15;
	v20 =	vld [tilespmem:s9+$0xFFFFFFF0];
	v33 =	vperm.xlane v21, v3  }
0xe7: {  	v18 =	vld [tilespmem:s9+$0xFFFFFFE0];
	v35 =	vmul.f32 v22, v16;
	v36 =	vadd.f32 v19, v26;
	v31 =	vadd.f32 v23, v31  }
0xe8: {  	v17 =	vimm.f32 $0.0e+00;
	v22 =	vld [tilespmem:s9+$0x0];
	v27 =	vadd.f32 v28, v27;
	v19 =	vadd.f32 v21, v33  }
0xe9: {  	v24 =	vadd.f32 v25, v24;
	v32 =	vadd.f32 v35, v32;
	v23 =	vld [tilespmem:s9+$0x10];
	v63 =	vperm.xlane v31, v8  }
0xea: {  	s29 =	simm.s32 $0x2;
	v26 =	vld [tilespmem:s9+$0x20];
	v28 =	vadd.f32 v27, v36;
	v25 =	vmul.f32 v30, v10;
	v27 =	vperm.xlane v19, v4  }
0xeb: {  	s28 =	simm.s32 $0x3;
	s10 =	simm.s32 $0x4;
	s8 =	simm.s32 $0x1;
	v21 =	vmul.f32 v29, v9;
	v29 =	vld [tilespmem:s9+$0x30];
	v30 =	vadd.f32 v32, v24;
	v24 =	vadd.f32 v31, v63  }
.LBB2_11:
0xec: {  	p2 =	sne.s32 s10, $0xF;
	v31 =	vmul.f32 v18, v11;
	v32 =	vmul.f32 v20, v12;
	s9 =	sadd.s32 $0x80, s9;
	v19 =	vadd.f32 v19, v27  }
0xed: {  	v27 =	vld [tilespmem:s9+$0xFFFFFFC0];
	v33 =	vmul.f32 v22, v13;
	v28 =	vadd.f32 v30, v28;
	v17 =	vsel vm0, v24, v17  }
0xee: {  	v24 =	vld [tilespmem:s9+$0xFFFFFFD0];
	v30 =	vmul.f32 v23, v14;
	v22 =	vperm.xlane v19, v5  }
0xef: {  	v34 =	vmov s8;
	s8 =	smov.u32 s29;
	s29 =	smov.u32 s28;
	s28 =	smov.u32 s10;
	v18 =	vld [tilespmem:s9+$0xFFFFFFE0];
	v26 =	vmul.f32 v26, v15;
	v23 =	vperm.xlane v28, v3  }
.Ltmp4:
0xf0: {  	v25 =	vadd.f32 v25, v21;
	v20 =	vld [tilespmem:s9+$0xFFFFFFF0];
	v29 =	vmul.f32 v29, v16;
	v35 =	vadd.f32 v19, v22;
	(pc) =	sbr.rel @p2 .LBB2_11-.Ltmp4, $4  }
0xf1: {  	vm0 =	veq.s32 v34, v0;
	v31 =	vadd.f32 v32, v31;
	v22 =	vld [tilespmem:s9+$0x0];
	v19 =	vadd.f32 v28, v23  }
0xf2: {  	v30 =	vadd.f32 v30, v33;
	v23 =	vld [tilespmem:s9+$0x10];
	v32 =	vadd.f32 v29, v26;
	v33 =	vperm.xlane v35, v8  }
0xf3: {  	v28 =	vadd.f32 v31, v25;
	v21 =	vmul.f32 v27, v9;
	v26 =	vld [tilespmem:s9+$0x20];
	v27 =	vperm.xlane v19, v4  }
0xf4: {  	s10 =	sadd.s32 $0x1, s10;
	v25 =	vmul.f32 v24, v10;
	v29 =	vld [tilespmem:s9+$0x30];
	v30 =	vadd.f32 v32, v30;
	v24 =	vadd.f32 v35, v33  }
0xf5: {  	_ =	sdelay $0x1  }
0xf6: {  	v18 =	vmul.f32 v18, v11;
	v20 =	vmul.f32 v20, v12  }
0xf7: {  	v22 =	vmul.f32 v22, v13;
	v23 =	vmul.f32 v23, v14  }
0xf8: {  	v26 =	vmul.f32 v26, v15;
	v29 =	vmul.f32 v29, v16  }
0xf9: {  	v21 =	vadd.f32 v25, v21;
	v18 =	vadd.f32 v20, v18  }
0xfa: {  	v55 =	vadd.f32 v23, v22;
	v56 =	vadd.f32 v29, v26;
	_ =	sdelay $0x1  }
0xfb: {  	v18 =	vadd.f32 v18, v21;
	v20 =	vadd.f32 v56, v55  }
0xfc: {  	v57 =	vadd.f32 v30, v28  }
0xfd: {  	v18 =	vadd.f32 v20, v18  }
0xfe: {  	v58 =	vperm.xlane v57, v3  }
0xff: {  	v59 =	vperm.xlane v18, v3  }
0x100: {  	v19 =	vadd.f32 v19, v27;
	v20 =	vadd.f32 v57, v58  }
0x101: {  	v18 =	vadd.f32 v18, v59  }
0x102: {  	v60 =	vperm.xlane v19, v5;
	v21 =	vperm.xlane v20, v4  }
0x103: {  	v22 =	vperm.xlane v18, v4  }
0x104: {  	v19 =	vadd.f32 v19, v60;
	v20 =	vadd.f32 v20, v21  }
0x105: {  	v18 =	vadd.f32 v18, v22  }
0x106: {  	v23 =	vperm.xlane v19, v8;
	v21 =	vperm.xlane v20, v5  }
0x107: {  	v22 =	vperm.xlane v18, v5  }
0x108: {  	v61 =	vmov s8;
	v19 =	vadd.f32 v19, v23;
	v20 =	vadd.f32 v20, v21  }
0x109: {  	v17 =	vsel vm0, v24, v17;
	vm13 =	veq.s32 v61, v0;
	v18 =	vadd.f32 v18, v22  }
0x10a: {  	v17 =	vsel vm13, v19, v17;
	v19 =	vmov s29;
	s29 =	sshll.u32 s20, $0x4;
	s20 =	sadd.s32 $0x1, s20;
	v62 =	vperm.xlane v20, v8  }
0x10b: {  	p2 =	sne.s32 s20, $0x4;
	v63 =	vperm.xlane v18, v8  }
.Ltmp5:
0x10c: {  	v20 =	vadd.f32 v20, v62;
	(pc) =	sbr.rel @p2 .LBB2_10-.Ltmp5, $4  }
0x10d: {  	vm14 =	veq.s32 v19, v0;
	v19 =	vmov s28;
	v18 =	vadd.f32 v18, v63  }
0x10e: {  	vm15 =	veq.s32 v19, v0;
	v17 =	vsel vm14, v20, v17  }
0x10f: {  	s8 =	sand.u32 $0x3FFFFFF0, s29;
	v17 =	vsel vm15, v18, v17  }
0x110: {  	s19 =	sadd.s32 $0x800, s19;
	[tilespmem:s8+$0x13A80] =	vst v17  }
0x111: {  	s5 =	simm.s32 $0x13A80  }
0x112: {  	[spmem:s24] =	stream.linear.scatter [tilespmem:s5], [sflag:$0x9], $0x40, $0x38;
	[tilespmem:$0x13F60] =	vst v63  }
0x113: {  	_ =	swait.ge [sflag:s22], $0x40  }
0x114: {  	[sflag:s22] =	ssyncset.done $0x0  }
0x115: {  	[sflag:s22] =	ssyncadd.s32 $0xFFFFFFC0  }
0x116: {  	s28 =	simm.s32 $0x13C80;
	[bflag:$0x0] =	sbarrier.arrive $0xFFFF  }
0x117: {  	[tilespmem:s28], [sflag:$0x5] =	stream.indirect.gather [spmem:s6], $0x1, s3, s26, $0xb8;
	[tilespmem:$0x13F60] =	vst v63  }
0x118: {  	s29 =	simm.s32 $0x480;
	s8 =	simm.s32 $0x13D00  }
0x119: {  	[tilespmem:s8], [sflag:$0x5] =	stream.indirect.gather [spmem:s6], $0x1, s29, s26, $0xb8;
	[tilespmem:$0x13F60] =	vst v63  }
0x11a: {  	s9 =	simm.s32 $0x13D80;
	s8 =	simm.s32 $0x500  }
0x11b: {  	[tilespmem:s9], [sflag:$0x5] =	stream.indirect.gather [spmem:s6], $0x1, s8, s26, $0xb8;
	[tilespmem:$0x13F60] =	vst v63  }
0x11c: {  	s10 =	simm.s32 $0x580;
	s19 =	simm.s32 $0x13E00  }
0x11d: {  	[tilespmem:s19], [sflag:$0x5] =	stream.indirect.gather [spmem:s6], $0x1, s10, s26, $0xb8;
	[tilespmem:$0x13F60] =	vst v63  }
0x11e: {  	v17 =	vld [tilespmem:$0x13880]  }
0x11f: {  	v18 =	vld [tilespmem:$0x13890]  }
0x120: {  	v19 =	vld [tilespmem:$0x138A0]  }
0x121: {  	v20 =	vld [tilespmem:$0x138B0]  }
0x122: {  	v21 =	vld [tilespmem:$0x138C0]  }
0x123: {  	v22 =	vld [tilespmem:$0x138D0]  }
0x124: {  	v23 =	vld [tilespmem:$0x138E0]  }
0x125: {  	v24 =	vld [tilespmem:$0x138F0]  }
0x126: {  	v9 =	vld [tilespmem:$0x13900]  }
0x127: {  	v10 =	vld [tilespmem:$0x13910]  }
0x128: {  	v11 =	vld [tilespmem:$0x13920]  }
0x129: {  	v12 =	vld [tilespmem:$0x13930]  }
0x12a: {  	v13 =	vld [tilespmem:$0x13940]  }
0x12b: {  	v14 =	vld [tilespmem:$0x13950]  }
0x12c: {  	s20 =	simm.s32 $0x180;
	s28 =	simm.s32 $0xC600;
	s29 =	simm.s32 $0x1;
	v15 =	vld [tilespmem:$0x13960]  }
0x12d: {  	v16 =	vld [tilespmem:$0x13970];
	[tilespmem:s28], [sflag:$0x4] =	stream.indirect.gather [hbm4b:s1+s26], $0x80, s20, s26, $0xb8  }
0x12e: {  	_ =	swait.ge [sflag:s29], $0x4000  }
0x12f: {  	s5 =	simm.s32 $0x0;
	[sflag:s29] =	ssyncset.done $0x0  }
0x130: {  	s19 =	simm.s32 $0x640;
	s20 =	simm.s32 $0x0;
	[sflag:s29] =	ssyncadd.s32 $0xFFFFC000  }
.LBB2_14:
0x131: {  	v25 =	vld [tilespmem:s19+$0xFFFFFFC0]  }
0x132: {  	v26 =	vld [tilespmem:s19+$0xFFFFFFD0]  }
0x133: {  	v27 =	vld [tilespmem:s19+$0xFFFFFFE0]  }
0x134: {  	v28 =	vld [tilespmem:s19+$0xFFFFFFF0]  }
0x135: {  	v29 =	vld [tilespmem:s19+$0x0]  }
0x136: {  	v30 =	vld [tilespmem:s19+$0x10]  }
0x137: {  	v31 =	vld [tilespmem:s19+$0x20]  }
0x138: {  	v32 =	vld [tilespmem:s19+$0x30]  }
0x139: {  	s8 =	sadd.s32 $0x80, s19  }
0x13a: {  	v33 =	vld [tilespmem:s8+$0xFFFFFFC0];
	v25 =	vmul.f32 v25, v17;
	v26 =	vmul.f32 v26, v18  }
0x13b: {  	v34 =	vld [tilespmem:s8+$0xFFFFFFD0];
	v27 =	vmul.f32 v27, v19;
	v28 =	vmul.f32 v28, v20  }
0x13c: {  	v35 =	vld [tilespmem:s8+$0xFFFFFFE0];
	v29 =	vmul.f32 v29, v21;
	v30 =	vmul.f32 v30, v22  }
0x13d: {  	v36 =	vld [tilespmem:s8+$0xFFFFFFF0];
	v31 =	vmul.f32 v31, v23;
	v32 =	vmul.f32 v32, v24  }
0x13e: {  	v25 =	vadd.f32 v26, v25;
	v26 =	vld [tilespmem:s8+$0x0];
	v27 =	vadd.f32 v28, v27  }
0x13f: {  	v28 =	vld [tilespmem:s8+$0x10];
	v29 =	vadd.f32 v30, v29;
	v30 =	vadd.f32 v32, v31  }
0x140: {  	v31 =	vld [tilespmem:s8+$0x20]  }
0x141: {  	v25 =	vadd.f32 v27, v25;
	v27 =	vld [tilespmem:s8+$0x30];
	v29 =	vadd.f32 v30, v29  }
0x142: {  	v52 =	vmul.f32 v34, v18;
	s8 =	sadd.s32 $0x80, s8  }
0x143: {  	v53 =	vmul.f32 v35, v19;
	v30 =	vmul.f32 v33, v17;
	v54 =	vld [tilespmem:s8+$0xFFFFFFC0];
	v25 =	vadd.f32 v29, v25  }
0x144: {  	v56 =	vld [tilespmem:s8+$0xFFFFFFE0];
	v29 =	vmul.f32 v36, v20;
	v26 =	vmul.f32 v26, v21  }
0x145: {  	v38 =	vld [tilespmem:s8+$0xFFFFFFF0];
	v28 =	vmul.f32 v28, v22;
	v37 =	vperm.xlane v25, v3  }
0x146: {  	v57 =	vld [tilespmem:s8+$0x0];
	v30 =	vadd.f32 v52, v30;
	v31 =	vmul.f32 v31, v23;
	v27 =	vmul.f32 v27, v24  }
0x147: {  	v58 =	vld [tilespmem:s8+$0x10];
	v29 =	vadd.f32 v29, v53;
	v25 =	vadd.f32 v25, v37  }
0x148: {  	v55 =	vld [tilespmem:s8+$0xFFFFFFD0];
	v26 =	vadd.f32 v28, v26;
	v27 =	vadd.f32 v27, v31  }
0x149: {  	v28 =	vld [tilespmem:s8+$0x20];
	v31 =	vperm.xlane v25, v4  }
0x14a: {  	v34 =	vmul.f32 v54, v17;
	v29 =	vadd.f32 v29, v30;
	v30 =	vld [tilespmem:s8+$0x30];
	v26 =	vadd.f32 v27, v26  }
0x14b: {  	s9 =	sadd.s32 $0x80, s8;
	v59 =	vmul.f32 v56, v19;
	v60 =	vmul.f32 v38, v20;
	v31 =	vadd.f32 v25, v31  }
0x14c: {  	v62 =	vld [tilespmem:s9+$0xFFFFFFD0];
	v32 =	vmul.f32 v57, v21;
	v33 =	vmul.f32 v58, v22;
	v29 =	vadd.f32 v26, v29  }
0x14d: {  	v42 =	vmov s5;
	v61 =	vld [tilespmem:s9+$0xFFFFFFC0];
	v27 =	vmul.f32 v55, v18;
	v39 =	vperm.xlane v31, v5  }
0x14e: {  	v35 =	vadd.f32 v60, v59;
	v40 =	vmul.f32 v28, v23;
	v28 =	vld [tilespmem:s9+$0xFFFFFFF0];
	v41 =	vperm.xlane v29, v3  }
0x14f: {  	v32 =	vadd.f32 v33, v32;
	v26 =	vld [tilespmem:s9+$0xFFFFFFE0];
	v43 =	vmul.f32 v30, v24;
	v39 =	vadd.f32 v31, v39  }
0x150: {  	vm0 =	veq.s32 v42, v0;
	v44 =	vadd.f32 v27, v34;
	v30 =	vld [tilespmem:s9+$0x0];
	v27 =	vadd.f32 v29, v41  }
0x151: {  	v33 =	vmul.f32 v62, v18;
	v40 =	vadd.f32 v43, v40;
	v31 =	vld [tilespmem:s9+$0x10];
	v63 =	vperm.xlane v39, v8  }
0x152: {  	s29 =	simm.s32 $0x2;
	v25 =	vimm.f32 $0.0e+00;
	v34 =	vld [tilespmem:s9+$0x20];
	v36 =	vadd.f32 v35, v44;
	v35 =	vperm.xlane v27, v4  }
0x153: {  	s28 =	simm.s32 $0x3;
	s10 =	simm.s32 $0x4;
	s8 =	simm.s32 $0x1;
	v37 =	vld [tilespmem:s9+$0x30];
	v29 =	vmul.f32 v61, v17;
	v38 =	vadd.f32 v40, v32;
	v32 =	vadd.f32 v39, v63  }
.LBB2_15:
0x154: {  	p2 =	sne.s32 s10, $0xF;
	v39 =	vmul.f32 v26, v19;
	v40 =	vmul.f32 v28, v20;
	s9 =	sadd.s32 $0x80, s9;
	v27 =	vadd.f32 v27, v35  }
0x155: {  	v35 =	vld [tilespmem:s9+$0xFFFFFFC0];
	v41 =	vmul.f32 v30, v21;
	v36 =	vadd.f32 v38, v36;
	v25 =	vsel vm0, v32, v25  }
0x156: {  	v32 =	vld [tilespmem:s9+$0xFFFFFFD0];
	v38 =	vmul.f32 v31, v22;
	v30 =	vperm.xlane v27, v5  }
0x157: {  	v42 =	vmov s8;
	s8 =	smov.u32 s29;
	s29 =	smov.u32 s28;
	s28 =	smov.u32 s10;
	v26 =	vld [tilespmem:s9+$0xFFFFFFE0];
	v34 =	vmul.f32 v34, v23;
	v31 =	vperm.xlane v36, v3  }
.Ltmp6:
0x158: {  	v33 =	vadd.f32 v33, v29;
	v28 =	vld [tilespmem:s9+$0xFFFFFFF0];
	v37 =	vmul.f32 v37, v24;
	v43 =	vadd.f32 v27, v30;
	(pc) =	sbr.rel @p2 .LBB2_15-.Ltmp6, $4  }
0x159: {  	vm0 =	veq.s32 v42, v0;
	v39 =	vadd.f32 v40, v39;
	v30 =	vld [tilespmem:s9+$0x0];
	v27 =	vadd.f32 v36, v31  }
0x15a: {  	v38 =	vadd.f32 v38, v41;
	v31 =	vld [tilespmem:s9+$0x10];
	v40 =	vadd.f32 v37, v34;
	v41 =	vperm.xlane v43, v8  }
0x15b: {  	v36 =	vadd.f32 v39, v33;
	v29 =	vmul.f32 v35, v17;
	v34 =	vld [tilespmem:s9+$0x20];
	v35 =	vperm.xlane v27, v4  }
0x15c: {  	s10 =	sadd.s32 $0x1, s10;
	v33 =	vmul.f32 v32, v18;
	v37 =	vld [tilespmem:s9+$0x30];
	v38 =	vadd.f32 v40, v38;
	v32 =	vadd.f32 v43, v41  }
0x15d: {  	_ =	sdelay $0x1  }
0x15e: {  	v26 =	vmul.f32 v26, v19;
	v28 =	vmul.f32 v28, v20  }
0x15f: {  	v30 =	vmul.f32 v30, v21;
	v31 =	vmul.f32 v31, v22  }
0x160: {  	v34 =	vmul.f32 v34, v23;
	v37 =	vmul.f32 v37, v24  }
0x161: {  	v29 =	vadd.f32 v33, v29;
	v26 =	vadd.f32 v28, v26  }
0x162: {  	v55 =	vadd.f32 v31, v30;
	v56 =	vadd.f32 v37, v34;
	_ =	sdelay $0x1  }
0x163: {  	v26 =	vadd.f32 v26, v29;
	v28 =	vadd.f32 v56, v55  }
0x164: {  	v57 =	vadd.f32 v38, v36  }
0x165: {  	v26 =	vadd.f32 v28, v26  }
0x166: {  	v58 =	vperm.xlane v57, v3  }
0x167: {  	v59 =	vperm.xlane v26, v3  }
0x168: {  	v27 =	vadd.f32 v27, v35;
	v28 =	vadd.f32 v57, v58  }
0x169: {  	v26 =	vadd.f32 v26, v59  }
0x16a: {  	v60 =	vperm.xlane v27, v5;
	v29 =	vperm.xlane v28, v4  }
0x16b: {  	v30 =	vperm.xlane v26, v4  }
0x16c: {  	v27 =	vadd.f32 v27, v60;
	v28 =	vadd.f32 v28, v29  }
0x16d: {  	v26 =	vadd.f32 v26, v30  }
0x16e: {  	v31 =	vperm.xlane v27, v8;
	v29 =	vperm.xlane v28, v5  }
0x16f: {  	v30 =	vperm.xlane v26, v5  }
0x170: {  	v61 =	vmov s8;
	v27 =	vadd.f32 v27, v31;
	v28 =	vadd.f32 v28, v29  }
0x171: {  	v25 =	vsel vm0, v32, v25;
	vm13 =	veq.s32 v61, v0;
	v26 =	vadd.f32 v26, v30  }
0x172: {  	v25 =	vsel vm13, v27, v25;
	v27 =	vmov s29;
	s29 =	sshll.u32 s20, $0x4;
	s20 =	sadd.s32 $0x1, s20;
	v62 =	vperm.xlane v28, v8  }
0x173: {  	p2 =	sne.s32 s20, $0x8;
	v63 =	vperm.xlane v26, v8  }
.Ltmp7:
0x174: {  	v28 =	vadd.f32 v28, v62;
	(pc) =	sbr.rel @p2 .LBB2_14-.Ltmp7, $4  }
0x175: {  	vm14 =	veq.s32 v27, v0;
	v27 =	vmov s28;
	v26 =	vadd.f32 v26, v63  }
0x176: {  	vm15 =	veq.s32 v27, v0;
	v25 =	vsel vm14, v28, v25  }
0x177: {  	s8 =	sand.u32 $0x3FFFFFF0, s29;
	v25 =	vsel vm15, v26, v25  }
0x178: {  	s19 =	sadd.s32 $0x800, s19;
	[tilespmem:s8+$0x13A80] =	vst v25  }
0x179: {  	[tilespmem:s11], [sflag:$0x1] =	stream.indirect.gather [hbm4b:s2+s26], $0x80, s30, s26, $0xb8;
	[tilespmem:$0x13F60] =	vst v63  }
0x17a: {  	_ =	swait.ge [sflag:s21], $0x4000  }
0x17b: {  	s5 =	simm.s32 $0x0;
	[sflag:s21] =	ssyncset.done $0x0  }
0x17c: {  	s19 =	simm.s32 $0x4640;
	s20 =	simm.s32 $0x0;
	[sflag:s21] =	ssyncadd.s32 $0xFFFFC000  }
.LBB2_18:
0x17d: {  	v25 =	vld [tilespmem:s19+$0xFFFFFFC0]  }
0x17e: {  	v26 =	vld [tilespmem:s19+$0xFFFFFFD0]  }
0x17f: {  	v27 =	vld [tilespmem:s19+$0xFFFFFFE0]  }
0x180: {  	v28 =	vld [tilespmem:s19+$0xFFFFFFF0]  }
0x181: {  	v29 =	vld [tilespmem:s19+$0x0]  }
0x182: {  	v30 =	vld [tilespmem:s19+$0x10]  }
0x183: {  	v31 =	vld [tilespmem:s19+$0x20]  }
0x184: {  	v32 =	vld [tilespmem:s19+$0x30]  }
0x185: {  	s8 =	sadd.s32 $0x80, s19  }
0x186: {  	v33 =	vld [tilespmem:s8+$0xFFFFFFC0];
	v25 =	vmul.f32 v25, v17;
	v26 =	vmul.f32 v26, v18  }
0x187: {  	v34 =	vld [tilespmem:s8+$0xFFFFFFD0];
	v27 =	vmul.f32 v27, v19;
	v28 =	vmul.f32 v28, v20  }
0x188: {  	v35 =	vld [tilespmem:s8+$0xFFFFFFE0];
	v29 =	vmul.f32 v29, v21;
	v30 =	vmul.f32 v30, v22  }
0x189: {  	v36 =	vld [tilespmem:s8+$0xFFFFFFF0];
	v31 =	vmul.f32 v31, v23;
	v32 =	vmul.f32 v32, v24  }
0x18a: {  	v25 =	vadd.f32 v26, v25;
	v26 =	vld [tilespmem:s8+$0x0];
	v27 =	vadd.f32 v28, v27  }
0x18b: {  	v28 =	vld [tilespmem:s8+$0x10];
	v29 =	vadd.f32 v30, v29;
	v30 =	vadd.f32 v32, v31  }
0x18c: {  	v31 =	vld [tilespmem:s8+$0x20]  }
0x18d: {  	v25 =	vadd.f32 v27, v25;
	v27 =	vld [tilespmem:s8+$0x30];
	v29 =	vadd.f32 v30, v29  }
0x18e: {  	v52 =	vmul.f32 v34, v18;
	s8 =	sadd.s32 $0x80, s8  }
0x18f: {  	v53 =	vmul.f32 v35, v19;
	v30 =	vmul.f32 v33, v17;
	v54 =	vld [tilespmem:s8+$0xFFFFFFC0];
	v25 =	vadd.f32 v29, v25  }
0x190: {  	v56 =	vld [tilespmem:s8+$0xFFFFFFE0];
	v29 =	vmul.f32 v36, v20;
	v26 =	vmul.f32 v26, v21  }
0x191: {  	v38 =	vld [tilespmem:s8+$0xFFFFFFF0];
	v28 =	vmul.f32 v28, v22;
	v37 =	vperm.xlane v25, v3  }
0x192: {  	v57 =	vld [tilespmem:s8+$0x0];
	v30 =	vadd.f32 v52, v30;
	v31 =	vmul.f32 v31, v23;
	v27 =	vmul.f32 v27, v24  }
0x193: {  	v58 =	vld [tilespmem:s8+$0x10];
	v29 =	vadd.f32 v29, v53;
	v25 =	vadd.f32 v25, v37  }
0x194: {  	v55 =	vld [tilespmem:s8+$0xFFFFFFD0];
	v26 =	vadd.f32 v28, v26;
	v27 =	vadd.f32 v27, v31  }
0x195: {  	v28 =	vld [tilespmem:s8+$0x20];
	v31 =	vperm.xlane v25, v4  }
0x196: {  	v34 =	vmul.f32 v54, v17;
	v29 =	vadd.f32 v29, v30;
	v30 =	vld [tilespmem:s8+$0x30];
	v26 =	vadd.f32 v27, v26  }
0x197: {  	s9 =	sadd.s32 $0x80, s8;
	v59 =	vmul.f32 v56, v19;
	v60 =	vmul.f32 v38, v20;
	v31 =	vadd.f32 v25, v31  }
0x198: {  	v62 =	vld [tilespmem:s9+$0xFFFFFFD0];
	v32 =	vmul.f32 v57, v21;
	v33 =	vmul.f32 v58, v22;
	v29 =	vadd.f32 v26, v29  }
0x199: {  	v42 =	vmov s5;
	v61 =	vld [tilespmem:s9+$0xFFFFFFC0];
	v27 =	vmul.f32 v55, v18;
	v39 =	vperm.xlane v31, v5  }
0x19a: {  	v35 =	vadd.f32 v60, v59;
	v40 =	vmul.f32 v28, v23;
	v28 =	vld [tilespmem:s9+$0xFFFFFFF0];
	v41 =	vperm.xlane v29, v3  }
0x19b: {  	v32 =	vadd.f32 v33, v32;
	v26 =	vld [tilespmem:s9+$0xFFFFFFE0];
	v43 =	vmul.f32 v30, v24;
	v39 =	vadd.f32 v31, v39  }
0x19c: {  	vm0 =	veq.s32 v42, v0;
	v44 =	vadd.f32 v27, v34;
	v30 =	vld [tilespmem:s9+$0x0];
	v27 =	vadd.f32 v29, v41  }
0x19d: {  	v33 =	vmul.f32 v62, v18;
	v40 =	vadd.f32 v43, v40;
	v31 =	vld [tilespmem:s9+$0x10];
	v63 =	vperm.xlane v39, v8  }
0x19e: {  	s29 =	simm.s32 $0x2;
	v25 =	vimm.f32 $0.0e+00;
	v34 =	vld [tilespmem:s9+$0x20];
	v36 =	vadd.f32 v35, v44;
	v35 =	vperm.xlane v27, v4  }
0x19f: {  	s28 =	simm.s32 $0x3;
	s10 =	simm.s32 $0x4;
	s8 =	simm.s32 $0x1;
	v37 =	vld [tilespmem:s9+$0x30];
	v29 =	vmul.f32 v61, v17;
	v38 =	vadd.f32 v40, v32;
	v32 =	vadd.f32 v39, v63  }
.LBB2_19:
0x1a0: {  	p2 =	sne.s32 s10, $0xF;
	v39 =	vmul.f32 v26, v19;
	v40 =	vmul.f32 v28, v20;
	s9 =	sadd.s32 $0x80, s9;
	v27 =	vadd.f32 v27, v35  }
0x1a1: {  	v35 =	vld [tilespmem:s9+$0xFFFFFFC0];
	v41 =	vmul.f32 v30, v21;
	v36 =	vadd.f32 v38, v36;
	v25 =	vsel vm0, v32, v25  }
0x1a2: {  	v32 =	vld [tilespmem:s9+$0xFFFFFFD0];
	v38 =	vmul.f32 v31, v22;
	v30 =	vperm.xlane v27, v5  }
0x1a3: {  	v42 =	vmov s8;
	s8 =	smov.u32 s29;
	s29 =	smov.u32 s28;
	s28 =	smov.u32 s10;
	v26 =	vld [tilespmem:s9+$0xFFFFFFE0];
	v34 =	vmul.f32 v34, v23;
	v31 =	vperm.xlane v36, v3  }
.Ltmp8:
0x1a4: {  	v33 =	vadd.f32 v33, v29;
	v28 =	vld [tilespmem:s9+$0xFFFFFFF0];
	v37 =	vmul.f32 v37, v24;
	v43 =	vadd.f32 v27, v30;
	(pc) =	sbr.rel @p2 .LBB2_19-.Ltmp8, $4  }
0x1a5: {  	vm0 =	veq.s32 v42, v0;
	v39 =	vadd.f32 v40, v39;
	v30 =	vld [tilespmem:s9+$0x0];
	v27 =	vadd.f32 v36, v31  }
0x1a6: {  	v38 =	vadd.f32 v38, v41;
	v31 =	vld [tilespmem:s9+$0x10];
	v40 =	vadd.f32 v37, v34;
	v41 =	vperm.xlane v43, v8  }
0x1a7: {  	v36 =	vadd.f32 v39, v33;
	v29 =	vmul.f32 v35, v17;
	v34 =	vld [tilespmem:s9+$0x20];
	v35 =	vperm.xlane v27, v4  }
0x1a8: {  	s10 =	sadd.s32 $0x1, s10;
	v33 =	vmul.f32 v32, v18;
	v37 =	vld [tilespmem:s9+$0x30];
	v38 =	vadd.f32 v40, v38;
	v32 =	vadd.f32 v43, v41  }
0x1a9: {  	_ =	sdelay $0x1  }
0x1aa: {  	v26 =	vmul.f32 v26, v19;
	v28 =	vmul.f32 v28, v20  }
0x1ab: {  	v30 =	vmul.f32 v30, v21;
	v31 =	vmul.f32 v31, v22  }
0x1ac: {  	v34 =	vmul.f32 v34, v23;
	v37 =	vmul.f32 v37, v24  }
0x1ad: {  	v29 =	vadd.f32 v33, v29;
	v26 =	vadd.f32 v28, v26  }
0x1ae: {  	v55 =	vadd.f32 v31, v30;
	v56 =	vadd.f32 v37, v34;
	_ =	sdelay $0x1  }
0x1af: {  	v26 =	vadd.f32 v26, v29;
	v28 =	vadd.f32 v56, v55  }
0x1b0: {  	v57 =	vadd.f32 v38, v36  }
0x1b1: {  	v26 =	vadd.f32 v28, v26  }
0x1b2: {  	v58 =	vperm.xlane v57, v3  }
0x1b3: {  	v59 =	vperm.xlane v26, v3  }
0x1b4: {  	v27 =	vadd.f32 v27, v35;
	v28 =	vadd.f32 v57, v58  }
0x1b5: {  	v26 =	vadd.f32 v26, v59  }
0x1b6: {  	v60 =	vperm.xlane v27, v5;
	v29 =	vperm.xlane v28, v4  }
0x1b7: {  	v30 =	vperm.xlane v26, v4  }
0x1b8: {  	v27 =	vadd.f32 v27, v60;
	v28 =	vadd.f32 v28, v29  }
0x1b9: {  	v26 =	vadd.f32 v26, v30  }
0x1ba: {  	v31 =	vperm.xlane v27, v8;
	v29 =	vperm.xlane v28, v5  }
0x1bb: {  	v30 =	vperm.xlane v26, v5  }
0x1bc: {  	v61 =	vmov s8;
	v27 =	vadd.f32 v27, v31;
	v28 =	vadd.f32 v28, v29  }
0x1bd: {  	v25 =	vsel vm0, v32, v25;
	vm13 =	veq.s32 v61, v0;
	v26 =	vadd.f32 v26, v30  }
0x1be: {  	v25 =	vsel vm13, v27, v25;
	v27 =	vmov s29;
	s29 =	sshll.u32 s20, $0x4;
	s20 =	sadd.s32 $0x1, s20;
	v62 =	vperm.xlane v28, v8  }
0x1bf: {  	p2 =	sne.s32 s20, $0x8;
	v63 =	vperm.xlane v26, v8  }
.Ltmp9:
0x1c0: {  	v28 =	vadd.f32 v28, v62;
	(pc) =	sbr.rel @p2 .LBB2_18-.Ltmp9, $4  }
0x1c1: {  	vm14 =	veq.s32 v27, v0;
	v27 =	vmov s28;
	v26 =	vadd.f32 v26, v63  }
0x1c2: {  	vm15 =	veq.s32 v27, v0;
	v25 =	vsel vm14, v28, v25  }
0x1c3: {  	s8 =	sand.u32 $0x3FFFFFF0, s29;
	v25 =	vsel vm15, v26, v25  }
0x1c4: {  	s19 =	sadd.s32 $0x800, s19;
	[tilespmem:s8+$0x13B00] =	vst v25  }
0x1c5: {  	s5 =	simm.s32 $0x4600;
	s8 =	simm.s32 $0x280  }
0x1c6: {  	[tilespmem:s5], [sflag:$0x2] =	stream.indirect.gather [hbm4b:s2+s26], $0x80, s8, s26, $0xb8;
	[tilespmem:$0x13F60] =	vst v63  }
0x1c7: {  	_ =	swait.ge [sflag:s14], $0x4000  }
0x1c8: {  	s19 =	simm.s32 $0x8640;
	[sflag:s14] =	ssyncset.done $0x0  }
0x1c9: {  	s20 =	simm.s32 $0x0;
	s5 =	simm.s32 $0x0;
	[sflag:s14] =	ssyncadd.s32 $0xFFFFC000  }
.LBB2_22:
0x1ca: {  	v25 =	vld [tilespmem:s19+$0xFFFFFFC0]  }
0x1cb: {  	v26 =	vld [tilespmem:s19+$0xFFFFFFD0]  }
0x1cc: {  	v27 =	vld [tilespmem:s19+$0xFFFFFFE0]  }
0x1cd: {  	v28 =	vld [tilespmem:s19+$0xFFFFFFF0]  }
0x1ce: {  	v29 =	vld [tilespmem:s19+$0x0]  }
0x1cf: {  	v30 =	vld [tilespmem:s19+$0x10]  }
0x1d0: {  	v31 =	vld [tilespmem:s19+$0x20]  }
0x1d1: {  	v32 =	vld [tilespmem:s19+$0x30]  }
0x1d2: {  	s8 =	sadd.s32 $0x80, s19  }
0x1d3: {  	v33 =	vld [tilespmem:s8+$0xFFFFFFC0];
	v25 =	vmul.f32 v25, v17;
	v26 =	vmul.f32 v26, v18  }
0x1d4: {  	v34 =	vld [tilespmem:s8+$0xFFFFFFD0];
	v27 =	vmul.f32 v27, v19;
	v28 =	vmul.f32 v28, v20  }
0x1d5: {  	v35 =	vld [tilespmem:s8+$0xFFFFFFE0];
	v29 =	vmul.f32 v29, v21;
	v30 =	vmul.f32 v30, v22  }
0x1d6: {  	v36 =	vld [tilespmem:s8+$0xFFFFFFF0];
	v31 =	vmul.f32 v31, v23;
	v32 =	vmul.f32 v32, v24  }
0x1d7: {  	v25 =	vadd.f32 v26, v25;
	v26 =	vld [tilespmem:s8+$0x0];
	v27 =	vadd.f32 v28, v27  }
0x1d8: {  	v28 =	vld [tilespmem:s8+$0x10];
	v29 =	vadd.f32 v30, v29;
	v30 =	vadd.f32 v32, v31  }
0x1d9: {  	v31 =	vld [tilespmem:s8+$0x20]  }
0x1da: {  	v25 =	vadd.f32 v27, v25;
	v27 =	vld [tilespmem:s8+$0x30];
	v29 =	vadd.f32 v30, v29  }
0x1db: {  	v52 =	vmul.f32 v34, v18;
	s8 =	sadd.s32 $0x80, s8  }
0x1dc: {  	v53 =	vmul.f32 v35, v19;
	v30 =	vmul.f32 v33, v17;
	v54 =	vld [tilespmem:s8+$0xFFFFFFC0];
	v25 =	vadd.f32 v29, v25  }
0x1dd: {  	v56 =	vld [tilespmem:s8+$0xFFFFFFE0];
	v29 =	vmul.f32 v36, v20;
	v26 =	vmul.f32 v26, v21  }
0x1de: {  	v38 =	vld [tilespmem:s8+$0xFFFFFFF0];
	v28 =	vmul.f32 v28, v22;
	v37 =	vperm.xlane v25, v3  }
0x1df: {  	v57 =	vld [tilespmem:s8+$0x0];
	v30 =	vadd.f32 v52, v30;
	v31 =	vmul.f32 v31, v23;
	v27 =	vmul.f32 v27, v24  }
0x1e0: {  	v58 =	vld [tilespmem:s8+$0x10];
	v29 =	vadd.f32 v29, v53;
	v25 =	vadd.f32 v25, v37  }
0x1e1: {  	v55 =	vld [tilespmem:s8+$0xFFFFFFD0];
	v26 =	vadd.f32 v28, v26;
	v27 =	vadd.f32 v27, v31  }
0x1e2: {  	v28 =	vld [tilespmem:s8+$0x20];
	v31 =	vperm.xlane v25, v4  }
0x1e3: {  	v34 =	vmul.f32 v54, v17;
	v29 =	vadd.f32 v29, v30;
	v30 =	vld [tilespmem:s8+$0x30];
	v26 =	vadd.f32 v27, v26  }
0x1e4: {  	s9 =	sadd.s32 $0x80, s8;
	v59 =	vmul.f32 v56, v19;
	v60 =	vmul.f32 v38, v20;
	v31 =	vadd.f32 v25, v31  }
0x1e5: {  	v62 =	vld [tilespmem:s9+$0xFFFFFFD0];
	v32 =	vmul.f32 v57, v21;
	v33 =	vmul.f32 v58, v22;
	v29 =	vadd.f32 v26, v29  }
0x1e6: {  	v42 =	vmov s5;
	v61 =	vld [tilespmem:s9+$0xFFFFFFC0];
	v27 =	vmul.f32 v55, v18;
	v39 =	vperm.xlane v31, v5  }
0x1e7: {  	v35 =	vadd.f32 v60, v59;
	v40 =	vmul.f32 v28, v23;
	v28 =	vld [tilespmem:s9+$0xFFFFFFF0];
	v41 =	vperm.xlane v29, v3  }
0x1e8: {  	v32 =	vadd.f32 v33, v32;
	v26 =	vld [tilespmem:s9+$0xFFFFFFE0];
	v43 =	vmul.f32 v30, v24;
	v39 =	vadd.f32 v31, v39  }
0x1e9: {  	vm0 =	veq.s32 v42, v0;
	v44 =	vadd.f32 v27, v34;
	v30 =	vld [tilespmem:s9+$0x0];
	v27 =	vadd.f32 v29, v41  }
0x1ea: {  	v33 =	vmul.f32 v62, v18;
	v40 =	vadd.f32 v43, v40;
	v31 =	vld [tilespmem:s9+$0x10];
	v63 =	vperm.xlane v39, v8  }
0x1eb: {  	s29 =	simm.s32 $0x2;
	v25 =	vimm.f32 $0.0e+00;
	v34 =	vld [tilespmem:s9+$0x20];
	v36 =	vadd.f32 v35, v44;
	v35 =	vperm.xlane v27, v4  }
0x1ec: {  	s28 =	simm.s32 $0x3;
	s10 =	simm.s32 $0x4;
	s8 =	simm.s32 $0x1;
	v37 =	vld [tilespmem:s9+$0x30];
	v29 =	vmul.f32 v61, v17;
	v38 =	vadd.f32 v40, v32;
	v32 =	vadd.f32 v39, v63  }
.LBB2_23:
0x1ed: {  	p2 =	sne.s32 s10, $0xF;
	v39 =	vmul.f32 v26, v19;
	v40 =	vmul.f32 v28, v20;
	s9 =	sadd.s32 $0x80, s9;
	v27 =	vadd.f32 v27, v35  }
0x1ee: {  	v35 =	vld [tilespmem:s9+$0xFFFFFFC0];
	v41 =	vmul.f32 v30, v21;
	v36 =	vadd.f32 v38, v36;
	v25 =	vsel vm0, v32, v25  }
0x1ef: {  	v32 =	vld [tilespmem:s9+$0xFFFFFFD0];
	v38 =	vmul.f32 v31, v22;
	v30 =	vperm.xlane v27, v5  }
0x1f0: {  	v42 =	vmov s8;
	s8 =	smov.u32 s29;
	s29 =	smov.u32 s28;
	s28 =	smov.u32 s10;
	v26 =	vld [tilespmem:s9+$0xFFFFFFE0];
	v34 =	vmul.f32 v34, v23;
	v31 =	vperm.xlane v36, v3  }
.Ltmp10:
0x1f1: {  	v33 =	vadd.f32 v33, v29;
	v28 =	vld [tilespmem:s9+$0xFFFFFFF0];
	v37 =	vmul.f32 v37, v24;
	v43 =	vadd.f32 v27, v30;
	(pc) =	sbr.rel @p2 .LBB2_23-.Ltmp10, $4  }
0x1f2: {  	vm0 =	veq.s32 v42, v0;
	v39 =	vadd.f32 v40, v39;
	v30 =	vld [tilespmem:s9+$0x0];
	v27 =	vadd.f32 v36, v31  }
0x1f3: {  	v38 =	vadd.f32 v38, v41;
	v31 =	vld [tilespmem:s9+$0x10];
	v40 =	vadd.f32 v37, v34;
	v41 =	vperm.xlane v43, v8  }
0x1f4: {  	v36 =	vadd.f32 v39, v33;
	v29 =	vmul.f32 v35, v17;
	v34 =	vld [tilespmem:s9+$0x20];
	v35 =	vperm.xlane v27, v4  }
0x1f5: {  	s10 =	sadd.s32 $0x1, s10;
	v33 =	vmul.f32 v32, v18;
	v37 =	vld [tilespmem:s9+$0x30];
	v38 =	vadd.f32 v40, v38;
	v32 =	vadd.f32 v43, v41  }
0x1f6: {  	_ =	sdelay $0x1  }
0x1f7: {  	v26 =	vmul.f32 v26, v19;
	v28 =	vmul.f32 v28, v20  }
0x1f8: {  	v30 =	vmul.f32 v30, v21;
	v31 =	vmul.f32 v31, v22  }
0x1f9: {  	v34 =	vmul.f32 v34, v23;
	v37 =	vmul.f32 v37, v24  }
0x1fa: {  	v29 =	vadd.f32 v33, v29;
	v26 =	vadd.f32 v28, v26  }
0x1fb: {  	v55 =	vadd.f32 v31, v30;
	v56 =	vadd.f32 v37, v34;
	_ =	sdelay $0x1  }
0x1fc: {  	v26 =	vadd.f32 v26, v29;
	v28 =	vadd.f32 v56, v55  }
0x1fd: {  	v57 =	vadd.f32 v38, v36  }
0x1fe: {  	v26 =	vadd.f32 v28, v26  }
0x1ff: {  	v58 =	vperm.xlane v57, v3  }
0x200: {  	v59 =	vperm.xlane v26, v3  }
0x201: {  	v27 =	vadd.f32 v27, v35;
	v28 =	vadd.f32 v57, v58  }
0x202: {  	v26 =	vadd.f32 v26, v59  }
0x203: {  	v60 =	vperm.xlane v27, v5;
	v29 =	vperm.xlane v28, v4  }
0x204: {  	v30 =	vperm.xlane v26, v4  }
0x205: {  	v27 =	vadd.f32 v27, v60;
	v28 =	vadd.f32 v28, v29  }
0x206: {  	v26 =	vadd.f32 v26, v30  }
0x207: {  	v31 =	vperm.xlane v27, v8;
	v29 =	vperm.xlane v28, v5  }
0x208: {  	v30 =	vperm.xlane v26, v5  }
0x209: {  	v61 =	vmov s8;
	v27 =	vadd.f32 v27, v31;
	v28 =	vadd.f32 v28, v29  }
0x20a: {  	v25 =	vsel vm0, v32, v25;
	vm13 =	veq.s32 v61, v0;
	v26 =	vadd.f32 v26, v30  }
0x20b: {  	v25 =	vsel vm13, v27, v25;
	v27 =	vmov s29;
	s29 =	sshll.u32 s20, $0x4;
	s20 =	sadd.s32 $0x1, s20;
	v62 =	vperm.xlane v28, v8  }
0x20c: {  	p2 =	sne.s32 s20, $0x8;
	v63 =	vperm.xlane v26, v8  }
.Ltmp11:
0x20d: {  	v28 =	vadd.f32 v28, v62;
	(pc) =	sbr.rel @p2 .LBB2_22-.Ltmp11, $4  }
0x20e: {  	vm14 =	veq.s32 v27, v0;
	v27 =	vmov s28;
	v26 =	vadd.f32 v26, v63  }
0x20f: {  	vm15 =	veq.s32 v27, v0;
	v25 =	vsel vm14, v28, v25  }
0x210: {  	s8 =	sand.u32 $0x3FFFFFF0, s29;
	v25 =	vsel vm15, v26, v25  }
0x211: {  	s19 =	sadd.s32 $0x800, s19;
	[tilespmem:s8+$0x13B80] =	vst v25  }
0x212: {  	s5 =	simm.s32 $0x8600;
	s8 =	simm.s32 $0x300  }
0x213: {  	[tilespmem:s5], [sflag:$0x3] =	stream.indirect.gather [hbm4b:s2+s26], $0x80, s8, s26, $0xb8;
	[tilespmem:$0x13F60] =	vst v63  }
0x214: {  	_ =	swait.ge [sflag:s12], $0x4000  }
0x215: {  	s19 =	simm.s32 $0xC640;
	[sflag:s12] =	ssyncset.done $0x0  }
0x216: {  	s20 =	simm.s32 $0x0;
	s5 =	simm.s32 $0x0;
	[sflag:s12] =	ssyncadd.s32 $0xFFFFC000  }
.LBB2_26:
0x217: {  	v25 =	vld [tilespmem:s19+$0xFFFFFFC0]  }
0x218: {  	v26 =	vld [tilespmem:s19+$0xFFFFFFD0]  }
0x219: {  	v27 =	vld [tilespmem:s19+$0xFFFFFFE0]  }
0x21a: {  	v28 =	vld [tilespmem:s19+$0xFFFFFFF0]  }
0x21b: {  	v29 =	vld [tilespmem:s19+$0x0]  }
0x21c: {  	v30 =	vld [tilespmem:s19+$0x10]  }
0x21d: {  	v31 =	vld [tilespmem:s19+$0x20]  }
0x21e: {  	v32 =	vld [tilespmem:s19+$0x30]  }
0x21f: {  	s8 =	sadd.s32 $0x80, s19  }
0x220: {  	v33 =	vld [tilespmem:s8+$0xFFFFFFC0];
	v25 =	vmul.f32 v25, v17;
	v26 =	vmul.f32 v26, v18  }
0x221: {  	v34 =	vld [tilespmem:s8+$0xFFFFFFD0];
	v27 =	vmul.f32 v27, v19;
	v28 =	vmul.f32 v28, v20  }
0x222: {  	v35 =	vld [tilespmem:s8+$0xFFFFFFE0];
	v29 =	vmul.f32 v29, v21;
	v30 =	vmul.f32 v30, v22  }
0x223: {  	v36 =	vld [tilespmem:s8+$0xFFFFFFF0];
	v31 =	vmul.f32 v31, v23;
	v32 =	vmul.f32 v32, v24  }
0x224: {  	v25 =	vadd.f32 v26, v25;
	v26 =	vld [tilespmem:s8+$0x0];
	v27 =	vadd.f32 v28, v27  }
0x225: {  	v28 =	vld [tilespmem:s8+$0x10];
	v29 =	vadd.f32 v30, v29;
	v30 =	vadd.f32 v32, v31  }
0x226: {  	v31 =	vld [tilespmem:s8+$0x20]  }
0x227: {  	v25 =	vadd.f32 v27, v25;
	v27 =	vld [tilespmem:s8+$0x30];
	v29 =	vadd.f32 v30, v29  }
0x228: {  	v52 =	vmul.f32 v34, v18;
	s8 =	sadd.s32 $0x80, s8  }
0x229: {  	v53 =	vmul.f32 v35, v19;
	v30 =	vmul.f32 v33, v17;
	v54 =	vld [tilespmem:s8+$0xFFFFFFC0];
	v25 =	vadd.f32 v29, v25  }
0x22a: {  	v56 =	vld [tilespmem:s8+$0xFFFFFFE0];
	v29 =	vmul.f32 v36, v20;
	v26 =	vmul.f32 v26, v21  }
0x22b: {  	v38 =	vld [tilespmem:s8+$0xFFFFFFF0];
	v28 =	vmul.f32 v28, v22;
	v37 =	vperm.xlane v25, v3  }
0x22c: {  	v57 =	vld [tilespmem:s8+$0x0];
	v30 =	vadd.f32 v52, v30;
	v31 =	vmul.f32 v31, v23;
	v27 =	vmul.f32 v27, v24  }
0x22d: {  	v58 =	vld [tilespmem:s8+$0x10];
	v29 =	vadd.f32 v29, v53;
	v25 =	vadd.f32 v25, v37  }
0x22e: {  	v55 =	vld [tilespmem:s8+$0xFFFFFFD0];
	v26 =	vadd.f32 v28, v26;
	v27 =	vadd.f32 v27, v31  }
0x22f: {  	v28 =	vld [tilespmem:s8+$0x20];
	v31 =	vperm.xlane v25, v4  }
0x230: {  	v34 =	vmul.f32 v54, v17;
	v29 =	vadd.f32 v29, v30;
	v30 =	vld [tilespmem:s8+$0x30];
	v26 =	vadd.f32 v27, v26  }
0x231: {  	s9 =	sadd.s32 $0x80, s8;
	v59 =	vmul.f32 v56, v19;
	v60 =	vmul.f32 v38, v20;
	v31 =	vadd.f32 v25, v31  }
0x232: {  	v62 =	vld [tilespmem:s9+$0xFFFFFFD0];
	v32 =	vmul.f32 v57, v21;
	v33 =	vmul.f32 v58, v22;
	v29 =	vadd.f32 v26, v29  }
0x233: {  	v42 =	vmov s5;
	v61 =	vld [tilespmem:s9+$0xFFFFFFC0];
	v27 =	vmul.f32 v55, v18;
	v39 =	vperm.xlane v31, v5  }
0x234: {  	v35 =	vadd.f32 v60, v59;
	v40 =	vmul.f32 v28, v23;
	v28 =	vld [tilespmem:s9+$0xFFFFFFF0];
	v41 =	vperm.xlane v29, v3  }
0x235: {  	v32 =	vadd.f32 v33, v32;
	v26 =	vld [tilespmem:s9+$0xFFFFFFE0];
	v43 =	vmul.f32 v30, v24;
	v39 =	vadd.f32 v31, v39  }
0x236: {  	vm0 =	veq.s32 v42, v0;
	v44 =	vadd.f32 v27, v34;
	v30 =	vld [tilespmem:s9+$0x0];
	v27 =	vadd.f32 v29, v41  }
0x237: {  	v33 =	vmul.f32 v62, v18;
	v40 =	vadd.f32 v43, v40;
	v31 =	vld [tilespmem:s9+$0x10];
	v63 =	vperm.xlane v39, v8  }
0x238: {  	s29 =	simm.s32 $0x2;
	v25 =	vimm.f32 $0.0e+00;
	v34 =	vld [tilespmem:s9+$0x20];
	v36 =	vadd.f32 v35, v44;
	v35 =	vperm.xlane v27, v4  }
0x239: {  	s28 =	simm.s32 $0x3;
	s10 =	simm.s32 $0x4;
	s8 =	simm.s32 $0x1;
	v37 =	vld [tilespmem:s9+$0x30];
	v29 =	vmul.f32 v61, v17;
	v38 =	vadd.f32 v40, v32;
	v32 =	vadd.f32 v39, v63  }
.LBB2_27:
0x23a: {  	p2 =	sne.s32 s10, $0xF;
	v39 =	vmul.f32 v26, v19;
	v40 =	vmul.f32 v28, v20;
	s9 =	sadd.s32 $0x80, s9;
	v27 =	vadd.f32 v27, v35  }
0x23b: {  	v35 =	vld [tilespmem:s9+$0xFFFFFFC0];
	v41 =	vmul.f32 v30, v21;
	v36 =	vadd.f32 v38, v36;
	v25 =	vsel vm0, v32, v25  }
0x23c: {  	v32 =	vld [tilespmem:s9+$0xFFFFFFD0];
	v38 =	vmul.f32 v31, v22;
	v30 =	vperm.xlane v27, v5  }
0x23d: {  	v42 =	vmov s8;
	s8 =	smov.u32 s29;
	s29 =	smov.u32 s28;
	s28 =	smov.u32 s10;
	v26 =	vld [tilespmem:s9+$0xFFFFFFE0];
	v34 =	vmul.f32 v34, v23;
	v31 =	vperm.xlane v36, v3  }
.Ltmp12:
0x23e: {  	v33 =	vadd.f32 v33, v29;
	v28 =	vld [tilespmem:s9+$0xFFFFFFF0];
	v37 =	vmul.f32 v37, v24;
	v43 =	vadd.f32 v27, v30;
	(pc) =	sbr.rel @p2 .LBB2_27-.Ltmp12, $4  }
0x23f: {  	vm0 =	veq.s32 v42, v0;
	v39 =	vadd.f32 v40, v39;
	v30 =	vld [tilespmem:s9+$0x0];
	v27 =	vadd.f32 v36, v31  }
0x240: {  	v38 =	vadd.f32 v38, v41;
	v31 =	vld [tilespmem:s9+$0x10];
	v40 =	vadd.f32 v37, v34;
	v41 =	vperm.xlane v43, v8  }
0x241: {  	v36 =	vadd.f32 v39, v33;
	v29 =	vmul.f32 v35, v17;
	v34 =	vld [tilespmem:s9+$0x20];
	v35 =	vperm.xlane v27, v4  }
0x242: {  	s10 =	sadd.s32 $0x1, s10;
	v33 =	vmul.f32 v32, v18;
	v37 =	vld [tilespmem:s9+$0x30];
	v38 =	vadd.f32 v40, v38;
	v32 =	vadd.f32 v43, v41  }
0x243: {  	_ =	sdelay $0x1  }
0x244: {  	v26 =	vmul.f32 v26, v19;
	v28 =	vmul.f32 v28, v20  }
0x245: {  	v30 =	vmul.f32 v30, v21;
	v31 =	vmul.f32 v31, v22  }
0x246: {  	v34 =	vmul.f32 v34, v23;
	v37 =	vmul.f32 v37, v24  }
0x247: {  	v29 =	vadd.f32 v33, v29;
	v26 =	vadd.f32 v28, v26  }
0x248: {  	v55 =	vadd.f32 v31, v30;
	v56 =	vadd.f32 v37, v34;
	_ =	sdelay $0x1  }
0x249: {  	v26 =	vadd.f32 v26, v29;
	v28 =	vadd.f32 v56, v55  }
0x24a: {  	v57 =	vadd.f32 v38, v36  }
0x24b: {  	v26 =	vadd.f32 v28, v26  }
0x24c: {  	v58 =	vperm.xlane v57, v3  }
0x24d: {  	v59 =	vperm.xlane v26, v3  }
0x24e: {  	v27 =	vadd.f32 v27, v35;
	v28 =	vadd.f32 v57, v58  }
0x24f: {  	v26 =	vadd.f32 v26, v59  }
0x250: {  	v60 =	vperm.xlane v27, v5;
	v29 =	vperm.xlane v28, v4  }
0x251: {  	v30 =	vperm.xlane v26, v4  }
0x252: {  	v27 =	vadd.f32 v27, v60;
	v28 =	vadd.f32 v28, v29  }
0x253: {  	v26 =	vadd.f32 v26, v30  }
0x254: {  	v31 =	vperm.xlane v27, v8;
	v29 =	vperm.xlane v28, v5  }
0x255: {  	v30 =	vperm.xlane v26, v5  }
0x256: {  	v61 =	vmov s8;
	v27 =	vadd.f32 v27, v31;
	v28 =	vadd.f32 v28, v29  }
0x257: {  	v25 =	vsel vm0, v32, v25;
	vm13 =	veq.s32 v61, v0;
	v26 =	vadd.f32 v26, v30  }
0x258: {  	v25 =	vsel vm13, v27, v25;
	v27 =	vmov s29;
	s29 =	sshll.u32 s20, $0x4;
	s20 =	sadd.s32 $0x1, s20;
	v62 =	vperm.xlane v28, v8  }
0x259: {  	p2 =	sne.s32 s20, $0x8;
	v63 =	vperm.xlane v26, v8  }
.Ltmp13:
0x25a: {  	v28 =	vadd.f32 v28, v62;
	(pc) =	sbr.rel @p2 .LBB2_26-.Ltmp13, $4  }
0x25b: {  	vm14 =	veq.s32 v27, v0;
	v27 =	vmov s28;
	v26 =	vadd.f32 v26, v63  }
0x25c: {  	vm15 =	veq.s32 v27, v0;
	v25 =	vsel vm14, v28, v25  }
0x25d: {  	s8 =	sand.u32 $0x3FFFFFF0, s29;
	v25 =	vsel vm15, v26, v25  }
0x25e: {  	s19 =	sadd.s32 $0x800, s19;
	[tilespmem:s8+$0x13C00] =	vst v25  }
0x25f: {  	s5 =	simm.s32 $0xC600;
	s8 =	simm.s32 $0x380;
	s29 =	simm.s32 $0x1  }
0x260: {  	[tilespmem:s5], [sflag:$0x4] =	stream.indirect.gather [hbm4b:s2+s26], $0x80, s8, s26, $0xb8;
	[tilespmem:$0x13F60] =	vst v63  }
0x261: {  	_ =	swait.ge [sflag:s29], $0x4000  }
0x262: {  	s19 =	simm.s32 $0x640;
	[sflag:s29] =	ssyncset.done $0x0  }
0x263: {  	s20 =	simm.s32 $0x0;
	s5 =	simm.s32 $0x0;
	[sflag:s29] =	ssyncadd.s32 $0xFFFFC000  }
.LBB2_30:
0x264: {  	v17 =	vld [tilespmem:s19+$0xFFFFFFC0]  }
0x265: {  	v18 =	vld [tilespmem:s19+$0xFFFFFFD0]  }
0x266: {  	v19 =	vld [tilespmem:s19+$0xFFFFFFE0]  }
0x267: {  	v20 =	vld [tilespmem:s19+$0xFFFFFFF0]  }
0x268: {  	v21 =	vld [tilespmem:s19+$0x0]  }
0x269: {  	v22 =	vld [tilespmem:s19+$0x10]  }
0x26a: {  	v23 =	vld [tilespmem:s19+$0x20]  }
0x26b: {  	v24 =	vld [tilespmem:s19+$0x30]  }
0x26c: {  	s8 =	sadd.s32 $0x80, s19  }
0x26d: {  	v25 =	vld [tilespmem:s8+$0xFFFFFFC0];
	v17 =	vmul.f32 v17, v9;
	v18 =	vmul.f32 v18, v10  }
0x26e: {  	v26 =	vld [tilespmem:s8+$0xFFFFFFD0];
	v19 =	vmul.f32 v19, v11;
	v20 =	vmul.f32 v20, v12  }
0x26f: {  	v27 =	vld [tilespmem:s8+$0xFFFFFFE0];
	v21 =	vmul.f32 v21, v13;
	v22 =	vmul.f32 v22, v14  }
0x270: {  	v28 =	vld [tilespmem:s8+$0xFFFFFFF0];
	v23 =	vmul.f32 v23, v15;
	v24 =	vmul.f32 v24, v16  }
0x271: {  	v17 =	vadd.f32 v18, v17;
	v18 =	vld [tilespmem:s8+$0x0];
	v19 =	vadd.f32 v20, v19  }
0x272: {  	v20 =	vld [tilespmem:s8+$0x10];
	v21 =	vadd.f32 v22, v21;
	v22 =	vadd.f32 v24, v23  }
0x273: {  	v23 =	vld [tilespmem:s8+$0x20]  }
0x274: {  	v17 =	vadd.f32 v19, v17;
	v19 =	vld [tilespmem:s8+$0x30];
	v21 =	vadd.f32 v22, v21  }
0x275: {  	v24 =	vmul.f32 v26, v10;
	s8 =	sadd.s32 $0x80, s8  }
0x276: {  	v22 =	vmul.f32 v25, v9;
	v25 =	vmul.f32 v27, v11;
	v26 =	vld [tilespmem:s8+$0xFFFFFFC0];
	v17 =	vadd.f32 v21, v17  }
0x277: {  	v27 =	vld [tilespmem:s8+$0xFFFFFFD0];
	v21 =	vmul.f32 v28, v12;
	v18 =	vmul.f32 v18, v13  }
0x278: {  	v30 =	vld [tilespmem:s8+$0xFFFFFFF0];
	v20 =	vmul.f32 v20, v14;
	v29 =	vperm.xlane v17, v3  }
0x279: {  	v28 =	vld [tilespmem:s8+$0xFFFFFFE0];
	v22 =	vadd.f32 v24, v22;
	v23 =	vmul.f32 v23, v15;
	v19 =	vmul.f32 v19, v16  }
0x27a: {  	v24 =	vld [tilespmem:s8+$0x0];
	v21 =	vadd.f32 v21, v25;
	v17 =	vadd.f32 v17, v29  }
0x27b: {  	v25 =	vld [tilespmem:s8+$0x10];
	v18 =	vadd.f32 v20, v18;
	v19 =	vadd.f32 v19, v23  }
0x27c: {  	v20 =	vld [tilespmem:s8+$0x20];
	v23 =	vperm.xlane v17, v4  }
0x27d: {  	v26 =	vmul.f32 v26, v9;
	v21 =	vadd.f32 v21, v22;
	v22 =	vld [tilespmem:s8+$0x30];
	v18 =	vadd.f32 v19, v18  }
0x27e: {  	s9 =	sadd.s32 $0x80, s8;
	v19 =	vmul.f32 v27, v10;
	v27 =	vmul.f32 v28, v11;
	v23 =	vadd.f32 v17, v23  }
0x27f: {  	v31 =	vld [tilespmem:s9+$0xFFFFFFD0];
	v28 =	vmul.f32 v30, v12;
	v30 =	vmul.f32 v24, v13;
	v21 =	vadd.f32 v18, v21  }
0x280: {  	v34 =	vmov s5;
	v29 =	vld [tilespmem:s9+$0xFFFFFFC0];
	v25 =	vmul.f32 v25, v14;
	v24 =	vperm.xlane v23, v5  }
0x281: {  	vm0 =	veq.s32 v34, v0;
	v32 =	vmul.f32 v20, v15;
	v20 =	vld [tilespmem:s9+$0xFFFFFFF0];
	v33 =	vperm.xlane v21, v3  }
0x282: {  	v18 =	vld [tilespmem:s9+$0xFFFFFFE0];
	v35 =	vmul.f32 v22, v16;
	v36 =	vadd.f32 v19, v26;
	v23 =	vadd.f32 v23, v24  }
0x283: {  	v17 =	vimm.f32 $0.0e+00;
	v22 =	vld [tilespmem:s9+$0x0];
	v27 =	vadd.f32 v28, v27;
	v19 =	vadd.f32 v21, v33  }
0x284: {  	v30 =	vadd.f32 v25, v30;
	v32 =	vadd.f32 v35, v32;
	v24 =	vld [tilespmem:s9+$0x10];
	v63 =	vperm.xlane v23, v8  }
0x285: {  	s29 =	simm.s32 $0x2;
	v26 =	vld [tilespmem:s9+$0x20];
	v25 =	vmul.f32 v31, v10;
	v28 =	vadd.f32 v27, v36;
	v27 =	vperm.xlane v19, v4  }
0x286: {  	s28 =	simm.s32 $0x3;
	s10 =	simm.s32 $0x4;
	s8 =	simm.s32 $0x1;
	v21 =	vmul.f32 v29, v9;
	v29 =	vld [tilespmem:s9+$0x30];
	v30 =	vadd.f32 v32, v30;
	v23 =	vadd.f32 v23, v63  }
.LBB2_31:
0x287: {  	p2 =	sne.s32 s10, $0xF;
	v31 =	vmul.f32 v18, v11;
	v32 =	vmul.f32 v20, v12;
	s9 =	sadd.s32 $0x80, s9;
	v19 =	vadd.f32 v19, v27  }
0x288: {  	v27 =	vld [tilespmem:s9+$0xFFFFFFC0];
	v33 =	vmul.f32 v22, v13;
	v28 =	vadd.f32 v30, v28;
	v17 =	vsel vm0, v23, v17  }
0x289: {  	v23 =	vld [tilespmem:s9+$0xFFFFFFD0];
	v30 =	vmul.f32 v24, v14;
	v22 =	vperm.xlane v19, v5  }
0x28a: {  	v34 =	vmov s8;
	s8 =	smov.u32 s29;
	s29 =	smov.u32 s28;
	s28 =	smov.u32 s10;
	v18 =	vld [tilespmem:s9+$0xFFFFFFE0];
	v26 =	vmul.f32 v26, v15;
	v24 =	vperm.xlane v28, v3  }
.Ltmp14:
0x28b: {  	v25 =	vadd.f32 v25, v21;
	v20 =	vld [tilespmem:s9+$0xFFFFFFF0];
	v29 =	vmul.f32 v29, v16;
	v35 =	vadd.f32 v19, v22;
	(pc) =	sbr.rel @p2 .LBB2_31-.Ltmp14, $4  }
0x28c: {  	vm0 =	veq.s32 v34, v0;
	v31 =	vadd.f32 v32, v31;
	v22 =	vld [tilespmem:s9+$0x0];
	v19 =	vadd.f32 v28, v24  }
0x28d: {  	v30 =	vadd.f32 v30, v33;
	v24 =	vld [tilespmem:s9+$0x10];
	v32 =	vadd.f32 v29, v26;
	v33 =	vperm.xlane v35, v8  }
0x28e: {  	v28 =	vadd.f32 v31, v25;
	v21 =	vmul.f32 v27, v9;
	v26 =	vld [tilespmem:s9+$0x20];
	v27 =	vperm.xlane v19, v4  }
0x28f: {  	s10 =	sadd.s32 $0x1, s10;
	v25 =	vmul.f32 v23, v10;
	v29 =	vld [tilespmem:s9+$0x30];
	v30 =	vadd.f32 v32, v30;
	v23 =	vadd.f32 v35, v33  }
0x290: {  	_ =	sdelay $0x1  }
0x291: {  	v18 =	vmul.f32 v18, v11;
	v20 =	vmul.f32 v20, v12  }
0x292: {  	v22 =	vmul.f32 v22, v13;
	v24 =	vmul.f32 v24, v14  }
0x293: {  	v26 =	vmul.f32 v26, v15;
	v29 =	vmul.f32 v29, v16  }
0x294: {  	v21 =	vadd.f32 v25, v21;
	v18 =	vadd.f32 v20, v18  }
0x295: {  	v54 =	vadd.f32 v24, v22;
	v55 =	vadd.f32 v29, v26;
	_ =	sdelay $0x1  }
0x296: {  	v18 =	vadd.f32 v18, v21;
	v20 =	vadd.f32 v55, v54  }
0x297: {  	v56 =	vadd.f32 v30, v28  }
0x298: {  	v18 =	vadd.f32 v20, v18  }
0x299: {  	v57 =	vperm.xlane v56, v3  }
0x29a: {  	v58 =	vperm.xlane v18, v3  }
0x29b: {  	v20 =	vadd.f32 v56, v57  }
0x29c: {  	v18 =	vadd.f32 v18, v58  }
0x29d: {  	v19 =	vadd.f32 v19, v27;
	v21 =	vperm.xlane v20, v4  }
0x29e: {  	v22 =	vperm.xlane v18, v4  }
0x29f: {  	v59 =	vperm.xlane v19, v5;
	v20 =	vadd.f32 v20, v21  }
0x2a0: {  	v18 =	vadd.f32 v18, v22  }
0x2a1: {  	v19 =	vadd.f32 v19, v59;
	v21 =	vperm.xlane v20, v5  }
0x2a2: {  	v22 =	vperm.xlane v18, v5  }
0x2a3: {  	v24 =	vperm.xlane v19, v8;
	v20 =	vadd.f32 v20, v21  }
0x2a4: {  	s9 =	sshll.u32 s20, $0x4;
	v18 =	vadd.f32 v18, v22  }
0x2a5: {  	v60 =	vmov s8;
	s10 =	sand.u32 $0x3FFFFFF0, s9;
	v19 =	vadd.f32 v19, v24;
	v61 =	vperm.xlane v20, v8  }
0x2a6: {  	v17 =	vsel vm0, v23, v17;
	vm13 =	veq.s32 v60, v0;
	v63 =	vld [tilespmem:s10+$0x13A80];
	v62 =	vperm.xlane v18, v8  }
0x2a7: {  	s20 =	sadd.s32 $0x1, s20;
	v17 =	vsel vm13, v19, v17;
	v19 =	vmov s29;
	v20 =	vadd.f32 v20, v61  }
0x2a8: {  	p2 =	sne.s32 s20, $0x8;
	vm14 =	veq.s32 v19, v0;
	v19 =	vmov s28;
	v18 =	vadd.f32 v18, v62  }
.Ltmp15:
0x2a9: {  	vm15 =	veq.s32 v19, v0;
	v17 =	vsel vm14, v20, v17;
	(pc) =	sbr.rel @p2 .LBB2_30-.Ltmp15, $3  }
0x2aa: {  	v17 =	vsel vm15, v18, v17  }
0x2ab: {  	v17 =	vadd.f32 v63, v17;
	_ =	sdelay $0x1  }
0x2ac: {  	s19 =	sadd.s32 $0x800, s19;
	[tilespmem:s10+$0x13A80] =	vst v17  }
0x2ad: {  	_ =	swait.ge [sflag:s21], $0x4000  }
0x2ae: {  	s5 =	simm.s32 $0x0;
	[sflag:s21] =	ssyncset.done $0x0  }
0x2af: {  	s19 =	simm.s32 $0x4640;
	s20 =	simm.s32 $0x0;
	[sflag:s21] =	ssyncadd.s32 $0xFFFFC000  }
.LBB2_34:
0x2b0: {  	v17 =	vld [tilespmem:s19+$0xFFFFFFC0]  }
0x2b1: {  	v18 =	vld [tilespmem:s19+$0xFFFFFFD0]  }
0x2b2: {  	v19 =	vld [tilespmem:s19+$0xFFFFFFE0]  }
0x2b3: {  	v20 =	vld [tilespmem:s19+$0xFFFFFFF0]  }
0x2b4: {  	v21 =	vld [tilespmem:s19+$0x0]  }
0x2b5: {  	v22 =	vld [tilespmem:s19+$0x10]  }
0x2b6: {  	v23 =	vld [tilespmem:s19+$0x20]  }
0x2b7: {  	v24 =	vld [tilespmem:s19+$0x30]  }
0x2b8: {  	s8 =	sadd.s32 $0x80, s19  }
0x2b9: {  	v25 =	vld [tilespmem:s8+$0xFFFFFFC0];
	v17 =	vmul.f32 v17, v9;
	v18 =	vmul.f32 v18, v10  }
0x2ba: {  	v26 =	vld [tilespmem:s8+$0xFFFFFFD0];
	v19 =	vmul.f32 v19, v11;
	v20 =	vmul.f32 v20, v12  }
0x2bb: {  	v27 =	vld [tilespmem:s8+$0xFFFFFFE0];
	v21 =	vmul.f32 v21, v13;
	v22 =	vmul.f32 v22, v14  }
0x2bc: {  	v28 =	vld [tilespmem:s8+$0xFFFFFFF0];
	v23 =	vmul.f32 v23, v15;
	v24 =	vmul.f32 v24, v16  }
0x2bd: {  	v17 =	vadd.f32 v18, v17;
	v18 =	vld [tilespmem:s8+$0x0];
	v19 =	vadd.f32 v20, v19  }
0x2be: {  	v20 =	vld [tilespmem:s8+$0x10];
	v21 =	vadd.f32 v22, v21;
	v22 =	vadd.f32 v24, v23  }
0x2bf: {  	v23 =	vld [tilespmem:s8+$0x20]  }
0x2c0: {  	v17 =	vadd.f32 v19, v17;
	v19 =	vld [tilespmem:s8+$0x30];
	v21 =	vadd.f32 v22, v21  }
0x2c1: {  	v24 =	vmul.f32 v26, v10;
	s8 =	sadd.s32 $0x80, s8  }
0x2c2: {  	v22 =	vmul.f32 v25, v9;
	v25 =	vmul.f32 v27, v11;
	v26 =	vld [tilespmem:s8+$0xFFFFFFC0];
	v17 =	vadd.f32 v21, v17  }
0x2c3: {  	v27 =	vld [tilespmem:s8+$0xFFFFFFD0];
	v21 =	vmul.f32 v28, v12;
	v18 =	vmul.f32 v18, v13  }
0x2c4: {  	v30 =	vld [tilespmem:s8+$0xFFFFFFF0];
	v20 =	vmul.f32 v20, v14;
	v29 =	vperm.xlane v17, v3  }
0x2c5: {  	v28 =	vld [tilespmem:s8+$0xFFFFFFE0];
	v22 =	vadd.f32 v24, v22;
	v23 =	vmul.f32 v23, v15;
	v19 =	vmul.f32 v19, v16  }
0x2c6: {  	v24 =	vld [tilespmem:s8+$0x0];
	v21 =	vadd.f32 v21, v25;
	v17 =	vadd.f32 v17, v29  }
0x2c7: {  	v25 =	vld [tilespmem:s8+$0x10];
	v18 =	vadd.f32 v20, v18;
	v19 =	vadd.f32 v19, v23  }
0x2c8: {  	v20 =	vld [tilespmem:s8+$0x20];
	v23 =	vperm.xlane v17, v4  }
0x2c9: {  	v26 =	vmul.f32 v26, v9;
	v21 =	vadd.f32 v21, v22;
	v22 =	vld [tilespmem:s8+$0x30];
	v18 =	vadd.f32 v19, v18  }
0x2ca: {  	s9 =	sadd.s32 $0x80, s8;
	v19 =	vmul.f32 v27, v10;
	v27 =	vmul.f32 v28, v11;
	v23 =	vadd.f32 v17, v23  }
0x2cb: {  	v31 =	vld [tilespmem:s9+$0xFFFFFFD0];
	v28 =	vmul.f32 v30, v12;
	v30 =	vmul.f32 v24, v13;
	v21 =	vadd.f32 v18, v21  }
0x2cc: {  	v34 =	vmov s5;
	v29 =	vld [tilespmem:s9+$0xFFFFFFC0];
	v25 =	vmul.f32 v25, v14;
	v24 =	vperm.xlane v23, v5  }
0x2cd: {  	vm0 =	veq.s32 v34, v0;
	v32 =	vmul.f32 v20, v15;
	v20 =	vld [tilespmem:s9+$0xFFFFFFF0];
	v33 =	vperm.xlane v21, v3  }
0x2ce: {  	v18 =	vld [tilespmem:s9+$0xFFFFFFE0];
	v35 =	vmul.f32 v22, v16;
	v36 =	vadd.f32 v19, v26;
	v23 =	vadd.f32 v23, v24  }
0x2cf: {  	v17 =	vimm.f32 $0.0e+00;
	v22 =	vld [tilespmem:s9+$0x0];
	v27 =	vadd.f32 v28, v27;
	v19 =	vadd.f32 v21, v33  }
0x2d0: {  	v30 =	vadd.f32 v25, v30;
	v32 =	vadd.f32 v35, v32;
	v24 =	vld [tilespmem:s9+$0x10];
	v63 =	vperm.xlane v23, v8  }
0x2d1: {  	s29 =	simm.s32 $0x2;
	v26 =	vld [tilespmem:s9+$0x20];
	v25 =	vmul.f32 v31, v10;
	v28 =	vadd.f32 v27, v36;
	v27 =	vperm.xlane v19, v4  }
0x2d2: {  	s28 =	simm.s32 $0x3;
	s10 =	simm.s32 $0x4;
	s8 =	simm.s32 $0x1;
	v21 =	vmul.f32 v29, v9;
	v29 =	vld [tilespmem:s9+$0x30];
	v30 =	vadd.f32 v32, v30;
	v23 =	vadd.f32 v23, v63  }
.LBB2_35:
0x2d3: {  	p2 =	sne.s32 s10, $0xF;
	v31 =	vmul.f32 v18, v11;
	v32 =	vmul.f32 v20, v12;
	s9 =	sadd.s32 $0x80, s9;
	v19 =	vadd.f32 v19, v27  }
0x2d4: {  	v27 =	vld [tilespmem:s9+$0xFFFFFFC0];
	v33 =	vmul.f32 v22, v13;
	v28 =	vadd.f32 v30, v28;
	v17 =	vsel vm0, v23, v17  }
0x2d5: {  	v23 =	vld [tilespmem:s9+$0xFFFFFFD0];
	v30 =	vmul.f32 v24, v14;
	v22 =	vperm.xlane v19, v5  }
0x2d6: {  	v34 =	vmov s8;
	s8 =	smov.u32 s29;
	s29 =	smov.u32 s28;
	s28 =	smov.u32 s10;
	v18 =	vld [tilespmem:s9+$0xFFFFFFE0];
	v26 =	vmul.f32 v26, v15;
	v24 =	vperm.xlane v28, v3  }
.Ltmp16:
0x2d7: {  	v25 =	vadd.f32 v25, v21;
	v20 =	vld [tilespmem:s9+$0xFFFFFFF0];
	v29 =	vmul.f32 v29, v16;
	v35 =	vadd.f32 v19, v22;
	(pc) =	sbr.rel @p2 .LBB2_35-.Ltmp16, $4  }
0x2d8: {  	vm0 =	veq.s32 v34, v0;
	v31 =	vadd.f32 v32, v31;
	v22 =	vld [tilespmem:s9+$0x0];
	v19 =	vadd.f32 v28, v24  }
0x2d9: {  	v30 =	vadd.f32 v30, v33;
	v24 =	vld [tilespmem:s9+$0x10];
	v32 =	vadd.f32 v29, v26;
	v33 =	vperm.xlane v35, v8  }
0x2da: {  	v28 =	vadd.f32 v31, v25;
	v21 =	vmul.f32 v27, v9;
	v26 =	vld [tilespmem:s9+$0x20];
	v27 =	vperm.xlane v19, v4  }
0x2db: {  	s10 =	sadd.s32 $0x1, s10;
	v25 =	vmul.f32 v23, v10;
	v29 =	vld [tilespmem:s9+$0x30];
	v30 =	vadd.f32 v32, v30;
	v23 =	vadd.f32 v35, v33  }
0x2dc: {  	_ =	sdelay $0x1  }
0x2dd: {  	v18 =	vmul.f32 v18, v11;
	v20 =	vmul.f32 v20, v12  }
0x2de: {  	v22 =	vmul.f32 v22, v13;
	v24 =	vmul.f32 v24, v14  }
0x2df: {  	v26 =	vmul.f32 v26, v15;
	v29 =	vmul.f32 v29, v16  }
0x2e0: {  	v21 =	vadd.f32 v25, v21;
	v18 =	vadd.f32 v20, v18  }
0x2e1: {  	v54 =	vadd.f32 v24, v22;
	v55 =	vadd.f32 v29, v26;
	_ =	sdelay $0x1  }
0x2e2: {  	v18 =	vadd.f32 v18, v21;
	v20 =	vadd.f32 v55, v54  }
0x2e3: {  	v56 =	vadd.f32 v30, v28  }
0x2e4: {  	v18 =	vadd.f32 v20, v18  }
0x2e5: {  	v57 =	vperm.xlane v56, v3  }
0x2e6: {  	v58 =	vperm.xlane v18, v3  }
0x2e7: {  	v20 =	vadd.f32 v56, v57  }
0x2e8: {  	v18 =	vadd.f32 v18, v58  }
0x2e9: {  	v19 =	vadd.f32 v19, v27;
	v21 =	vperm.xlane v20, v4  }
0x2ea: {  	v22 =	vperm.xlane v18, v4  }
0x2eb: {  	v59 =	vperm.xlane v19, v5;
	v20 =	vadd.f32 v20, v21  }
0x2ec: {  	v18 =	vadd.f32 v18, v22  }
0x2ed: {  	v19 =	vadd.f32 v19, v59;
	v21 =	vperm.xlane v20, v5  }
0x2ee: {  	v22 =	vperm.xlane v18, v5  }
0x2ef: {  	v24 =	vperm.xlane v19, v8;
	v20 =	vadd.f32 v20, v21  }
0x2f0: {  	s9 =	sshll.u32 s20, $0x4;
	v18 =	vadd.f32 v18, v22  }
0x2f1: {  	v60 =	vmov s8;
	s10 =	sand.u32 $0x3FFFFFF0, s9;
	v19 =	vadd.f32 v19, v24;
	v61 =	vperm.xlane v20, v8  }
0x2f2: {  	v17 =	vsel vm0, v23, v17;
	vm13 =	veq.s32 v60, v0;
	v63 =	vld [tilespmem:s10+$0x13B00];
	v62 =	vperm.xlane v18, v8  }
0x2f3: {  	s20 =	sadd.s32 $0x1, s20;
	v17 =	vsel vm13, v19, v17;
	v19 =	vmov s29;
	v20 =	vadd.f32 v20, v61  }
0x2f4: {  	p2 =	sne.s32 s20, $0x8;
	vm14 =	veq.s32 v19, v0;
	v19 =	vmov s28;
	v18 =	vadd.f32 v18, v62  }
.Ltmp17:
0x2f5: {  	vm15 =	veq.s32 v19, v0;
	v17 =	vsel vm14, v20, v17;
	(pc) =	sbr.rel @p2 .LBB2_34-.Ltmp17, $3  }
0x2f6: {  	v17 =	vsel vm15, v18, v17  }
0x2f7: {  	v17 =	vadd.f32 v63, v17;
	_ =	sdelay $0x1  }
0x2f8: {  	s19 =	sadd.s32 $0x800, s19;
	[tilespmem:s10+$0x13B00] =	vst v17  }
0x2f9: {  	_ =	swait.ge [sflag:s14], $0x4000  }
0x2fa: {  	s5 =	simm.s32 $0x0;
	[sflag:s14] =	ssyncset.done $0x0  }
0x2fb: {  	s19 =	simm.s32 $0x8640;
	s20 =	simm.s32 $0x0;
	[sflag:s14] =	ssyncadd.s32 $0xFFFFC000  }
.LBB2_38:
0x2fc: {  	v17 =	vld [tilespmem:s19+$0xFFFFFFC0]  }
0x2fd: {  	v18 =	vld [tilespmem:s19+$0xFFFFFFD0]  }
0x2fe: {  	v19 =	vld [tilespmem:s19+$0xFFFFFFE0]  }
0x2ff: {  	v20 =	vld [tilespmem:s19+$0xFFFFFFF0]  }
0x300: {  	v21 =	vld [tilespmem:s19+$0x0]  }
0x301: {  	v22 =	vld [tilespmem:s19+$0x10]  }
0x302: {  	v23 =	vld [tilespmem:s19+$0x20]  }
0x303: {  	v24 =	vld [tilespmem:s19+$0x30]  }
0x304: {  	s8 =	sadd.s32 $0x80, s19  }
0x305: {  	v25 =	vld [tilespmem:s8+$0xFFFFFFC0];
	v17 =	vmul.f32 v17, v9;
	v18 =	vmul.f32 v18, v10  }
0x306: {  	v26 =	vld [tilespmem:s8+$0xFFFFFFD0];
	v19 =	vmul.f32 v19, v11;
	v20 =	vmul.f32 v20, v12  }
0x307: {  	v27 =	vld [tilespmem:s8+$0xFFFFFFE0];
	v21 =	vmul.f32 v21, v13;
	v22 =	vmul.f32 v22, v14  }
0x308: {  	v28 =	vld [tilespmem:s8+$0xFFFFFFF0];
	v23 =	vmul.f32 v23, v15;
	v24 =	vmul.f32 v24, v16  }
0x309: {  	v17 =	vadd.f32 v18, v17;
	v18 =	vld [tilespmem:s8+$0x0];
	v19 =	vadd.f32 v20, v19  }
0x30a: {  	v20 =	vld [tilespmem:s8+$0x10];
	v21 =	vadd.f32 v22, v21;
	v22 =	vadd.f32 v24, v23  }
0x30b: {  	v23 =	vld [tilespmem:s8+$0x20]  }
0x30c: {  	v17 =	vadd.f32 v19, v17;
	v19 =	vld [tilespmem:s8+$0x30];
	v21 =	vadd.f32 v22, v21  }
0x30d: {  	v24 =	vmul.f32 v26, v10;
	s8 =	sadd.s32 $0x80, s8  }
0x30e: {  	v22 =	vmul.f32 v25, v9;
	v25 =	vmul.f32 v27, v11;
	v26 =	vld [tilespmem:s8+$0xFFFFFFC0];
	v17 =	vadd.f32 v21, v17  }
0x30f: {  	v27 =	vld [tilespmem:s8+$0xFFFFFFD0];
	v21 =	vmul.f32 v28, v12;
	v18 =	vmul.f32 v18, v13  }
0x310: {  	v30 =	vld [tilespmem:s8+$0xFFFFFFF0];
	v20 =	vmul.f32 v20, v14;
	v29 =	vperm.xlane v17, v3  }
0x311: {  	v28 =	vld [tilespmem:s8+$0xFFFFFFE0];
	v22 =	vadd.f32 v24, v22;
	v23 =	vmul.f32 v23, v15;
	v19 =	vmul.f32 v19, v16  }
0x312: {  	v24 =	vld [tilespmem:s8+$0x0];
	v21 =	vadd.f32 v21, v25;
	v17 =	vadd.f32 v17, v29  }
0x313: {  	v25 =	vld [tilespmem:s8+$0x10];
	v18 =	vadd.f32 v20, v18;
	v19 =	vadd.f32 v19, v23  }
0x314: {  	v20 =	vld [tilespmem:s8+$0x20];
	v23 =	vperm.xlane v17, v4  }
0x315: {  	v26 =	vmul.f32 v26, v9;
	v21 =	vadd.f32 v21, v22;
	v22 =	vld [tilespmem:s8+$0x30];
	v18 =	vadd.f32 v19, v18  }
0x316: {  	s9 =	sadd.s32 $0x80, s8;
	v19 =	vmul.f32 v27, v10;
	v27 =	vmul.f32 v28, v11;
	v23 =	vadd.f32 v17, v23  }
0x317: {  	v31 =	vld [tilespmem:s9+$0xFFFFFFD0];
	v28 =	vmul.f32 v30, v12;
	v30 =	vmul.f32 v24, v13;
	v21 =	vadd.f32 v18, v21  }
0x318: {  	v34 =	vmov s5;
	v29 =	vld [tilespmem:s9+$0xFFFFFFC0];
	v25 =	vmul.f32 v25, v14;
	v24 =	vperm.xlane v23, v5  }
0x319: {  	vm0 =	veq.s32 v34, v0;
	v32 =	vmul.f32 v20, v15;
	v20 =	vld [tilespmem:s9+$0xFFFFFFF0];
	v33 =	vperm.xlane v21, v3  }
0x31a: {  	v18 =	vld [tilespmem:s9+$0xFFFFFFE0];
	v35 =	vmul.f32 v22, v16;
	v36 =	vadd.f32 v19, v26;
	v23 =	vadd.f32 v23, v24  }
0x31b: {  	v17 =	vimm.f32 $0.0e+00;
	v22 =	vld [tilespmem:s9+$0x0];
	v27 =	vadd.f32 v28, v27;
	v19 =	vadd.f32 v21, v33  }
0x31c: {  	v30 =	vadd.f32 v25, v30;
	v32 =	vadd.f32 v35, v32;
	v24 =	vld [tilespmem:s9+$0x10];
	v63 =	vperm.xlane v23, v8  }
0x31d: {  	s29 =	simm.s32 $0x2;
	v26 =	vld [tilespmem:s9+$0x20];
	v25 =	vmul.f32 v31, v10;
	v28 =	vadd.f32 v27, v36;
	v27 =	vperm.xlane v19, v4  }
0x31e: {  	s28 =	simm.s32 $0x3;
	s10 =	simm.s32 $0x4;
	s8 =	simm.s32 $0x1;
	v21 =	vmul.f32 v29, v9;
	v29 =	vld [tilespmem:s9+$0x30];
	v30 =	vadd.f32 v32, v30;
	v23 =	vadd.f32 v23, v63  }
.LBB2_39:
0x31f: {  	p2 =	sne.s32 s10, $0xF;
	v31 =	vmul.f32 v18, v11;
	v32 =	vmul.f32 v20, v12;
	s9 =	sadd.s32 $0x80, s9;
	v19 =	vadd.f32 v19, v27  }
0x320: {  	v27 =	vld [tilespmem:s9+$0xFFFFFFC0];
	v33 =	vmul.f32 v22, v13;
	v28 =	vadd.f32 v30, v28;
	v17 =	vsel vm0, v23, v17  }
0x321: {  	v23 =	vld [tilespmem:s9+$0xFFFFFFD0];
	v30 =	vmul.f32 v24, v14;
	v22 =	vperm.xlane v19, v5  }
0x322: {  	v34 =	vmov s8;
	s8 =	smov.u32 s29;
	s29 =	smov.u32 s28;
	s28 =	smov.u32 s10;
	v18 =	vld [tilespmem:s9+$0xFFFFFFE0];
	v26 =	vmul.f32 v26, v15;
	v24 =	vperm.xlane v28, v3  }
.Ltmp18:
0x323: {  	v25 =	vadd.f32 v25, v21;
	v20 =	vld [tilespmem:s9+$0xFFFFFFF0];
	v29 =	vmul.f32 v29, v16;
	v35 =	vadd.f32 v19, v22;
	(pc) =	sbr.rel @p2 .LBB2_39-.Ltmp18, $4  }
0x324: {  	vm0 =	veq.s32 v34, v0;
	v31 =	vadd.f32 v32, v31;
	v22 =	vld [tilespmem:s9+$0x0];
	v19 =	vadd.f32 v28, v24  }
0x325: {  	v30 =	vadd.f32 v30, v33;
	v24 =	vld [tilespmem:s9+$0x10];
	v32 =	vadd.f32 v29, v26;
	v33 =	vperm.xlane v35, v8  }
0x326: {  	v28 =	vadd.f32 v31, v25;
	v21 =	vmul.f32 v27, v9;
	v26 =	vld [tilespmem:s9+$0x20];
	v27 =	vperm.xlane v19, v4  }
0x327: {  	s10 =	sadd.s32 $0x1, s10;
	v25 =	vmul.f32 v23, v10;
	v29 =	vld [tilespmem:s9+$0x30];
	v30 =	vadd.f32 v32, v30;
	v23 =	vadd.f32 v35, v33  }
0x328: {  	_ =	sdelay $0x1  }
0x329: {  	v18 =	vmul.f32 v18, v11;
	v20 =	vmul.f32 v20, v12  }
0x32a: {  	v22 =	vmul.f32 v22, v13;
	v24 =	vmul.f32 v24, v14  }
0x32b: {  	v26 =	vmul.f32 v26, v15;
	v29 =	vmul.f32 v29, v16  }
0x32c: {  	v21 =	vadd.f32 v25, v21;
	v18 =	vadd.f32 v20, v18  }
0x32d: {  	v54 =	vadd.f32 v24, v22;
	v55 =	vadd.f32 v29, v26;
	_ =	sdelay $0x1  }
0x32e: {  	v18 =	vadd.f32 v18, v21;
	v20 =	vadd.f32 v55, v54  }
0x32f: {  	v56 =	vadd.f32 v30, v28  }
0x330: {  	v18 =	vadd.f32 v20, v18  }
0x331: {  	v57 =	vperm.xlane v56, v3  }
0x332: {  	v58 =	vperm.xlane v18, v3  }
0x333: {  	v20 =	vadd.f32 v56, v57  }
0x334: {  	v18 =	vadd.f32 v18, v58  }
0x335: {  	v19 =	vadd.f32 v19, v27;
	v21 =	vperm.xlane v20, v4  }
0x336: {  	v22 =	vperm.xlane v18, v4  }
0x337: {  	v59 =	vperm.xlane v19, v5;
	v20 =	vadd.f32 v20, v21  }
0x338: {  	v18 =	vadd.f32 v18, v22  }
0x339: {  	v19 =	vadd.f32 v19, v59;
	v21 =	vperm.xlane v20, v5  }
0x33a: {  	v22 =	vperm.xlane v18, v5  }
0x33b: {  	v24 =	vperm.xlane v19, v8;
	v20 =	vadd.f32 v20, v21  }
0x33c: {  	s9 =	sshll.u32 s20, $0x4;
	v18 =	vadd.f32 v18, v22  }
0x33d: {  	v60 =	vmov s8;
	s10 =	sand.u32 $0x3FFFFFF0, s9;
	v19 =	vadd.f32 v19, v24;
	v61 =	vperm.xlane v20, v8  }
0x33e: {  	v17 =	vsel vm0, v23, v17;
	vm13 =	veq.s32 v60, v0;
	v63 =	vld [tilespmem:s10+$0x13B80];
	v62 =	vperm.xlane v18, v8  }
0x33f: {  	s20 =	sadd.s32 $0x1, s20;
	v17 =	vsel vm13, v19, v17;
	v19 =	vmov s29;
	v20 =	vadd.f32 v20, v61  }
0x340: {  	p2 =	sne.s32 s20, $0x8;
	vm14 =	veq.s32 v19, v0;
	v19 =	vmov s28;
	v18 =	vadd.f32 v18, v62  }
.Ltmp19:
0x341: {  	vm15 =	veq.s32 v19, v0;
	v17 =	vsel vm14, v20, v17;
	(pc) =	sbr.rel @p2 .LBB2_38-.Ltmp19, $3  }
0x342: {  	v17 =	vsel vm15, v18, v17  }
0x343: {  	v17 =	vadd.f32 v63, v17;
	_ =	sdelay $0x1  }
0x344: {  	s19 =	sadd.s32 $0x800, s19;
	[tilespmem:s10+$0x13B80] =	vst v17  }
0x345: {  	_ =	swait.ge [sflag:s12], $0x4000  }
0x346: {  	s5 =	simm.s32 $0x0;
	[sflag:s12] =	ssyncset.done $0x0  }
0x347: {  	s19 =	simm.s32 $0xC640;
	s20 =	simm.s32 $0x0;
	[sflag:s12] =	ssyncadd.s32 $0xFFFFC000  }
.LBB2_42:
0x348: {  	v17 =	vld [tilespmem:s19+$0xFFFFFFC0]  }
0x349: {  	v18 =	vld [tilespmem:s19+$0xFFFFFFD0]  }
0x34a: {  	v19 =	vld [tilespmem:s19+$0xFFFFFFE0]  }
0x34b: {  	v20 =	vld [tilespmem:s19+$0xFFFFFFF0]  }
0x34c: {  	v21 =	vld [tilespmem:s19+$0x0]  }
0x34d: {  	v22 =	vld [tilespmem:s19+$0x10]  }
0x34e: {  	v23 =	vld [tilespmem:s19+$0x20]  }
0x34f: {  	v24 =	vld [tilespmem:s19+$0x30]  }
0x350: {  	s8 =	sadd.s32 $0x80, s19  }
0x351: {  	v25 =	vld [tilespmem:s8+$0xFFFFFFC0];
	v17 =	vmul.f32 v17, v9;
	v18 =	vmul.f32 v18, v10  }
0x352: {  	v26 =	vld [tilespmem:s8+$0xFFFFFFD0];
	v19 =	vmul.f32 v19, v11;
	v20 =	vmul.f32 v20, v12  }
0x353: {  	v27 =	vld [tilespmem:s8+$0xFFFFFFE0];
	v21 =	vmul.f32 v21, v13;
	v22 =	vmul.f32 v22, v14  }
0x354: {  	v28 =	vld [tilespmem:s8+$0xFFFFFFF0];
	v23 =	vmul.f32 v23, v15;
	v24 =	vmul.f32 v24, v16  }
0x355: {  	v17 =	vadd.f32 v18, v17;
	v18 =	vld [tilespmem:s8+$0x0];
	v19 =	vadd.f32 v20, v19  }
0x356: {  	v20 =	vld [tilespmem:s8+$0x10];
	v21 =	vadd.f32 v22, v21;
	v22 =	vadd.f32 v24, v23  }
0x357: {  	v23 =	vld [tilespmem:s8+$0x20]  }
0x358: {  	v17 =	vadd.f32 v19, v17;
	v19 =	vld [tilespmem:s8+$0x30];
	v21 =	vadd.f32 v22, v21  }
0x359: {  	v24 =	vmul.f32 v26, v10;
	s8 =	sadd.s32 $0x80, s8  }
0x35a: {  	v22 =	vmul.f32 v25, v9;
	v25 =	vmul.f32 v27, v11;
	v26 =	vld [tilespmem:s8+$0xFFFFFFC0];
	v17 =	vadd.f32 v21, v17  }
0x35b: {  	v27 =	vld [tilespmem:s8+$0xFFFFFFD0];
	v21 =	vmul.f32 v28, v12;
	v18 =	vmul.f32 v18, v13  }
0x35c: {  	v30 =	vld [tilespmem:s8+$0xFFFFFFF0];
	v20 =	vmul.f32 v20, v14;
	v29 =	vperm.xlane v17, v3  }
0x35d: {  	v28 =	vld [tilespmem:s8+$0xFFFFFFE0];
	v22 =	vadd.f32 v24, v22;
	v23 =	vmul.f32 v23, v15;
	v19 =	vmul.f32 v19, v16  }
0x35e: {  	v24 =	vld [tilespmem:s8+$0x0];
	v21 =	vadd.f32 v21, v25;
	v17 =	vadd.f32 v17, v29  }
0x35f: {  	v25 =	vld [tilespmem:s8+$0x10];
	v18 =	vadd.f32 v20, v18;
	v19 =	vadd.f32 v19, v23  }
0x360: {  	v20 =	vld [tilespmem:s8+$0x20];
	v23 =	vperm.xlane v17, v4  }
0x361: {  	v26 =	vmul.f32 v26, v9;
	v21 =	vadd.f32 v21, v22;
	v22 =	vld [tilespmem:s8+$0x30];
	v18 =	vadd.f32 v19, v18  }
0x362: {  	s9 =	sadd.s32 $0x80, s8;
	v19 =	vmul.f32 v27, v10;
	v27 =	vmul.f32 v28, v11;
	v23 =	vadd.f32 v17, v23  }
0x363: {  	v31 =	vld [tilespmem:s9+$0xFFFFFFD0];
	v28 =	vmul.f32 v30, v12;
	v30 =	vmul.f32 v24, v13;
	v21 =	vadd.f32 v18, v21  }
0x364: {  	v34 =	vmov s5;
	v29 =	vld [tilespmem:s9+$0xFFFFFFC0];
	v25 =	vmul.f32 v25, v14;
	v24 =	vperm.xlane v23, v5  }
0x365: {  	vm0 =	veq.s32 v34, v0;
	v32 =	vmul.f32 v20, v15;
	v20 =	vld [tilespmem:s9+$0xFFFFFFF0];
	v33 =	vperm.xlane v21, v3  }
0x366: {  	v18 =	vld [tilespmem:s9+$0xFFFFFFE0];
	v35 =	vmul.f32 v22, v16;
	v36 =	vadd.f32 v19, v26;
	v23 =	vadd.f32 v23, v24  }
0x367: {  	v17 =	vimm.f32 $0.0e+00;
	v22 =	vld [tilespmem:s9+$0x0];
	v27 =	vadd.f32 v28, v27;
	v19 =	vadd.f32 v21, v33  }
0x368: {  	v30 =	vadd.f32 v25, v30;
	v32 =	vadd.f32 v35, v32;
	v24 =	vld [tilespmem:s9+$0x10];
	v63 =	vperm.xlane v23, v8  }
0x369: {  	s29 =	simm.s32 $0x2;
	v26 =	vld [tilespmem:s9+$0x20];
	v25 =	vmul.f32 v31, v10;
	v28 =	vadd.f32 v27, v36;
	v27 =	vperm.xlane v19, v4  }
0x36a: {  	s28 =	simm.s32 $0x3;
	s10 =	simm.s32 $0x4;
	s8 =	simm.s32 $0x1;
	v21 =	vmul.f32 v29, v9;
	v29 =	vld [tilespmem:s9+$0x30];
	v30 =	vadd.f32 v32, v30;
	v23 =	vadd.f32 v23, v63  }
.LBB2_43:
0x36b: {  	p2 =	sne.s32 s10, $0xF;
	v31 =	vmul.f32 v18, v11;
	v32 =	vmul.f32 v20, v12;
	s9 =	sadd.s32 $0x80, s9;
	v19 =	vadd.f32 v19, v27  }
0x36c: {  	v27 =	vld [tilespmem:s9+$0xFFFFFFC0];
	v33 =	vmul.f32 v22, v13;
	v28 =	vadd.f32 v30, v28;
	v17 =	vsel vm0, v23, v17  }
0x36d: {  	v23 =	vld [tilespmem:s9+$0xFFFFFFD0];
	v30 =	vmul.f32 v24, v14;
	v22 =	vperm.xlane v19, v5  }
0x36e: {  	v34 =	vmov s8;
	s8 =	smov.u32 s29;
	s29 =	smov.u32 s28;
	s28 =	smov.u32 s10;
	v18 =	vld [tilespmem:s9+$0xFFFFFFE0];
	v26 =	vmul.f32 v26, v15;
	v24 =	vperm.xlane v28, v3  }
.Ltmp20:
0x36f: {  	v25 =	vadd.f32 v25, v21;
	v20 =	vld [tilespmem:s9+$0xFFFFFFF0];
	v29 =	vmul.f32 v29, v16;
	v35 =	vadd.f32 v19, v22;
	(pc) =	sbr.rel @p2 .LBB2_43-.Ltmp20, $4  }
0x370: {  	vm0 =	veq.s32 v34, v0;
	v31 =	vadd.f32 v32, v31;
	v22 =	vld [tilespmem:s9+$0x0];
	v19 =	vadd.f32 v28, v24  }
0x371: {  	v30 =	vadd.f32 v30, v33;
	v24 =	vld [tilespmem:s9+$0x10];
	v32 =	vadd.f32 v29, v26;
	v33 =	vperm.xlane v35, v8  }
0x372: {  	v28 =	vadd.f32 v31, v25;
	v21 =	vmul.f32 v27, v9;
	v26 =	vld [tilespmem:s9+$0x20];
	v27 =	vperm.xlane v19, v4  }
0x373: {  	s10 =	sadd.s32 $0x1, s10;
	v25 =	vmul.f32 v23, v10;
	v29 =	vld [tilespmem:s9+$0x30];
	v30 =	vadd.f32 v32, v30;
	v23 =	vadd.f32 v35, v33  }
0x374: {  	_ =	sdelay $0x1  }
0x375: {  	v18 =	vmul.f32 v18, v11;
	v20 =	vmul.f32 v20, v12  }
0x376: {  	v22 =	vmul.f32 v22, v13;
	v24 =	vmul.f32 v24, v14  }
0x377: {  	v26 =	vmul.f32 v26, v15;
	v29 =	vmul.f32 v29, v16  }
0x378: {  	v21 =	vadd.f32 v25, v21;
	v18 =	vadd.f32 v20, v18  }
0x379: {  	v54 =	vadd.f32 v24, v22;
	v55 =	vadd.f32 v29, v26;
	_ =	sdelay $0x1  }
0x37a: {  	v18 =	vadd.f32 v18, v21;
	v20 =	vadd.f32 v55, v54  }
0x37b: {  	v56 =	vadd.f32 v30, v28  }
0x37c: {  	v18 =	vadd.f32 v20, v18  }
0x37d: {  	v57 =	vperm.xlane v56, v3  }
0x37e: {  	v58 =	vperm.xlane v18, v3  }
0x37f: {  	v20 =	vadd.f32 v56, v57  }
0x380: {  	v18 =	vadd.f32 v18, v58  }
0x381: {  	v19 =	vadd.f32 v19, v27;
	v21 =	vperm.xlane v20, v4  }
0x382: {  	v22 =	vperm.xlane v18, v4  }
0x383: {  	v59 =	vperm.xlane v19, v5;
	v20 =	vadd.f32 v20, v21  }
0x384: {  	v18 =	vadd.f32 v18, v22  }
0x385: {  	v19 =	vadd.f32 v19, v59;
	v21 =	vperm.xlane v20, v5  }
0x386: {  	v22 =	vperm.xlane v18, v5  }
0x387: {  	v24 =	vperm.xlane v19, v8;
	v20 =	vadd.f32 v20, v21  }
0x388: {  	s9 =	sshll.u32 s20, $0x4;
	v18 =	vadd.f32 v18, v22  }
0x389: {  	v60 =	vmov s8;
	s10 =	sand.u32 $0x3FFFFFF0, s9;
	v19 =	vadd.f32 v19, v24;
	v61 =	vperm.xlane v20, v8  }
0x38a: {  	v17 =	vsel vm0, v23, v17;
	vm13 =	veq.s32 v60, v0;
	v63 =	vld [tilespmem:s10+$0x13C00];
	v62 =	vperm.xlane v18, v8  }
0x38b: {  	s20 =	sadd.s32 $0x1, s20;
	v17 =	vsel vm13, v19, v17;
	v19 =	vmov s29;
	v20 =	vadd.f32 v20, v61  }
0x38c: {  	p2 =	sne.s32 s20, $0x8;
	vm14 =	veq.s32 v19, v0;
	v19 =	vmov s28;
	v18 =	vadd.f32 v18, v62  }
.Ltmp21:
0x38d: {  	vm15 =	veq.s32 v19, v0;
	v17 =	vsel vm14, v20, v17;
	(pc) =	sbr.rel @p2 .LBB2_42-.Ltmp21, $3  }
0x38e: {  	v17 =	vsel vm15, v18, v17  }
0x38f: {  	v17 =	vadd.f32 v63, v17;
	_ =	sdelay $0x1  }
0x390: {  	s19 =	sadd.s32 $0x800, s19;
	[tilespmem:s10+$0x13C00] =	vst v17  }
0x391: {  	v9 =	vld [tilespmem:$0x13A00];
	_ =	swait.ge [sflag:s0], $0x80  }
0x392: {  	[sflag:s0] =	ssyncset.done $0x0  }
0x393: {  	[sflag:s0] =	ssyncadd.s32 $0xFFFFFF80  }
0x394: {  	_ =	swait.ge [sflag:s0], $0x80  }
0x395: {  	[sflag:s0] =	ssyncset.done $0x0  }
0x396: {  	[sflag:s0] =	ssyncadd.s32 $0xFFFFFF80  }
0x397: {  	_ =	swait.ge [sflag:s0], $0x80  }
0x398: {  	[sflag:s0] =	ssyncset.done $0x0  }
0x399: {  	[sflag:s0] =	ssyncadd.s32 $0xFFFFFF80  }
0x39a: {  	_ =	swait.ge [sflag:s0], $0x80  }
0x39b: {  	[sflag:s0] =	ssyncset.done $0x0  }
0x39c: {  	s5 =	simm.s32 $0x0;
	[sflag:s0] =	ssyncadd.s32 $0xFFFFFF80  }
0x39d: {  	s8 =	simm.s32 $0x40;
	v10 =	vld [tilespmem:s5+$0x13C80]  }
.LBB2_46:
0x39e: {  	p2 =	sne.s32 s8, $0x7C0;
	v11 =	vld [tilespmem:s5+$0x13A80];
	_ =	sdelay $0x4  }
.Ltmp22:
0x39f: {  	v10 =	vadd.f32 v10, v11;
	(pc) =	sbr.rel @p2 .LBB2_46-.Ltmp22, $4  }
0x3a0: {  	_ = 	snop  }
0x3a1: {  	v11 =	vadd.f32 v10, v9  }
0x3a2: {  	s9 =	sshra.s32 s8, $0x2  }
0x3a3: {  	s8 =	sadd.s32 $0x40, s8;
	v10 =	vld [tilespmem:s9+$0x13C80];
	[tilespmem:s5+$0x13A80] =	vst v11;
	s5 =	smov.u32 s9  }
0x3a4: {  	v11 =	vld [tilespmem:s5+$0x13A80];
	_ =	sdelay $0x4  }
0x3a5: {  	v10 =	vadd.f32 v10, v11;
	_ =	sdelay $0x1  }
0x3a6: {  	s15 =	sadd.s32 $0x1, s15;
	v9 =	vadd.f32 v10, v9  }
0x3a7: {  	p2 =	sne.s32 s15, s25  }
.Ltmp23:
0x3a8: {  	s29 =	simm.s32 $0x13A80;
	[tilespmem:s5+$0x13A80] =	vst v9;
	(pc) =	sbr.rel @p2 .LBB2_1-.Ltmp23, $4  }
0x3a9: {  	[hbm4b:s13+s7] =	stream.linear.scatter [tilespmem:s29], [sflag:$0x9], $0x200, $0x38;
	[tilespmem:$0x13F60] =	vst v63  }
0x3aa: {  	_ =	swait.ge [sflag:s22], $0x200  }
0x3ab: {  	[sflag:s22] =	ssyncset.done $0x0  }
0x3ac: {  	[sflag:s22] =	ssyncadd.s32 $0xFFFFFE00  }
0x3ad: {  	_ =	sfence.sel $0x180000  }
0x3ae: {  	[bflag:$0x0] =	sbarrier.arrive $0xFFFF  }
0x3af: {  	_ =	strace $0x90000047  }
0x3b0: {  	s0 =	stileid.u32;
	[bflag:$0x2] =	sbarrier.arrive $0xFFFF  }
0x3b1: {  	p0 =	sne.s32 s0, $0x0;
	s0 =	rddreg [dreg:$0xa]  }
0x3b2: {  	s0 =	sadd.s32 @!p0 $0x100000, s0  }
0x3b3: {  	[sflag:s0] =	ssyncadd.tile.s32 @!p0 $0x1;
	_ =	shalt  }
.Lfunc_end2:
_tile_overlayer_lowered:
.L_overlay_start_2:
0x3b4: {  	(tag) =	ssettag $0x2  }
0x3b5: {  	s0 =	rddreg [dreg:$0x0];
	s2 =	stileid.u32  }
0x3b6: {  	s1 =	rddreg [dreg:$0x1];
	p0 =	sne.s32 s2, $0x0  }
0x3b7: {  	s3 =	rddreg [dreg:$0x2];
	[bflag:$0x3] =	sbarrier.arrive $0xFFFF;
	s2 =	simm.s32 @!p0 $0x1C09  }
0x3b8: {  	[timem:s3], [sflag:s2] =	dma.local @!p0 [hbm:s0], s1  }
0x3b9: {  	s0 =	simm.s32 @!p0 $0x9  }
0x3ba: {  	_ =	swait.ge @!p0 [sflag:s0], s1  }
0x3bb: {  	s1 =	ssub.s32 @!p0 $0x0, s1;
	[sflag:s0] =	ssyncset.done @!p0 $0x0  }
0x3bc: {  	[sflag:s0] =	ssyncadd.s32 @!p0 s1  }
0x3bd: {  	[bflag:$0x3] =	sbarrier.arrive $0xFFFF  }
0x3be: {  	_ =	shalt  }

</sc_bundles>
